<compile_context>
chip_gen: v7x
topology: tpu7x:2x2x1
jax: 0.10.2.dev20260603
libtpu: 0.0.44.dev20260713+nightly
codegen_flags: <defaults>
</compile_context>

<pallas_src>
import functools

import jax
import jax.numpy as jnp
from jax import lax
from jax.experimental import pallas as pl
from jax.experimental.pallas import tpu as pltpu
from jax.experimental.pallas import tpu_sc as plsc

N_NODES = 10000
N_PAD = 10112
E_EDGES = 320000
D_IN = 128
C_OUT = 40
C_PAD = 48
DELTA = 0.5

NUM_WORKERS = 32
EDGES_PER_WORKER = 10240
E_TOTAL = NUM_WORKERS * EDGES_PER_WORKER
CHUNK = 128
N_CHUNKS = EDGES_PER_WORKER // CHUNK
ROWS_PER_TILE = N_PAD // 16

_MESH = plsc.VectorSubcoreMesh(core_axis_name="c", subcore_axis_name="s")
_SC_PARAMS = pltpu.CompilerParams(needs_layout_passes=False,
                                  use_tc_tiling_on_sc=False)


@functools.partial(
    pl.kernel,
    mesh=_MESH,
    out_type=jax.ShapeDtypeStruct((NUM_WORKERS, N_PAD), jnp.float32),
    compiler_params=_SC_PARAMS,
    scratch_types=[
        pltpu.VMEM((N_PAD,), jnp.float32),
        pltpu.VMEM((EDGES_PER_WORKER,), jnp.int32),
        pltpu.SemaphoreType.DMA,
    ],
)
def _deg_kernel(dst_hbm, degp_hbm, degt, idxb, sem):
    cid = lax.axis_index("c")
    sid = lax.axis_index("s")
    wid = cid * 16 + sid
    ebase = wid * EDGES_PER_WORKER

    pltpu.async_copy(dst_hbm.at[pl.ds(ebase, EDGES_PER_WORKER)], idxb, sem)

    def zero_body(i, carry):
        degt[pl.ds(i * 16, 16)] = jnp.zeros((16,), jnp.float32)
        return carry

    lax.fori_loop(0, N_PAD // 16, zero_body, 0)
    pltpu.make_async_copy(
        dst_hbm.at[pl.ds(ebase, EDGES_PER_WORKER)], idxb, sem).wait()

    ones = jnp.full((16,), 1.0, jnp.float32)

    def inner(j, carry):
        iv = idxb[pl.ds(j * 16, 16)]
        plsc.addupdate_scatter(degt, [iv], ones)
        return carry

    lax.fori_loop(0, EDGES_PER_WORKER // 16, inner, 0)
    pltpu.sync_copy(degt, degp_hbm.at[wid])


@functools.partial(
    pl.kernel,
    mesh=_MESH,
    out_type=(
        jax.ShapeDtypeStruct((N_PAD, C_PAD), jnp.float32),
        jax.ShapeDtypeStruct((N_PAD, C_PAD), jnp.float32),
    ),
    compiler_params=_SC_PARAMS,
    scratch_types=[
        pltpu.VMEM((N_CHUNKS, CHUNK), jnp.int32),
        pltpu.VMEM((N_CHUNKS, CHUNK), jnp.int32),
        [pltpu.VMEM((CHUNK, C_PAD), jnp.float32) for _ in range(10)],
        pltpu.VMEM_SHARED((N_PAD, C_PAD), jnp.float32),
        pltpu.SemaphoreType.DMA,
        pltpu.SemaphoreType.DMA,
        pltpu.SemaphoreType.DMA,
        pltpu.SemaphoreType.DMA,
    ],
)
def _scatter_kernel(g_hbm, src_hbm, dst_hbm, zeros_hbm,
                    acca_hbm, accb_hbm,
                    srcb, dstb, rows, acc_sh, gsema, gsemb, ssema, ssemb):
    cid = lax.axis_index("c")
    sid = lax.axis_index("s")
    wid = cid * 16 + sid
    r0 = sid * ROWS_PER_TILE
    gs = 5
    bufa, bufb = rows[:gs], rows[gs:]
    n_groups = N_CHUNKS // gs

    pltpu.async_copy(src_hbm.at[wid], srcb, gsema)
    pltpu.async_copy(dst_hbm.at[wid], dstb, ssema)
    pltpu.sync_copy(zeros_hbm, acc_sh.at[pl.ds(r0, ROWS_PER_TILE)])
    pltpu.make_async_copy(src_hbm.at[wid], srcb, gsema).wait()
    pltpu.make_async_copy(dst_hbm.at[wid], dstb, ssema).wait()
    plsc.subcore_barrier()

    def fire_gathers(g, bufs, sem):
        return [pltpu.async_copy(g_hbm.at[srcb.at[g * gs + b]], bufs[b], sem)
                for b in range(gs)]

    def do_scatters(g, bufs, sem):
        sd = [pltpu.async_copy(bufs[b], acc_sh.at[dstb.at[g * gs + b]],
                               sem, add=True)
              for b in range(gs)]
        for d in sd:
            d.wait()

    def drain_gathers(bufs, sem):
        for b in range(gs):
            pltpu.make_async_copy(g_hbm.at[srcb.at[0]], bufs[b], sem).wait()

    fire_gathers(0, bufa, gsema)

    def pair(j, carry):
        g0 = 2 * j
        fire_gathers(g0 + 1, bufb, gsemb)
        drain_gathers(bufa, gsema)
        do_scatters(g0, bufa, ssema)

        @pl.when(j + 1 < n_groups // 2)
        def _():
            fire_gathers(g0 + 2, bufa, gsema)

        drain_gathers(bufb, gsemb)
        do_scatters(g0 + 1, bufb, ssemb)
        return carry

    lax.fori_loop(0, n_groups // 2, pair, 0)
    plsc.subcore_barrier()

    @pl.when(cid == 0)
    def _():
        pltpu.sync_copy(acc_sh.at[pl.ds(r0, ROWS_PER_TILE)],
                        acca_hbm.at[pl.ds(r0, ROWS_PER_TILE)])

    @pl.when(cid == 1)
    def _():
        pltpu.sync_copy(acc_sh.at[pl.ds(r0, ROWS_PER_TILE)],
                        accb_hbm.at[pl.ds(r0, ROWS_PER_TILE)])


def _tcz_body(featp_ref, wt_ref, z_ref):
    z_ref[...] = jnp.dot(featp_ref[...], wt_ref[...],
                         preferred_element_type=jnp.float32)


def _tcn_body(z_ref, degpt_ref, g0_ref, norm_ref):
    deg = jnp.sum(degpt_ref[...], axis=1, keepdims=True) + 1.0
    nrm = lax.rsqrt(deg)
    g0_ref[...] = z_ref[...] * nrm
    norm_ref[...] = nrm


def _tc2_body(h_ref, norm_ref, a_ref, b_ref, h1_ref, g1_ref):
    n = norm_ref[...]
    h = h_ref[...]
    s = a_ref[...] + b_ref[...]
    h1 = (1.0 - DELTA) * h + DELTA * (n * n * h + n * s)
    h1_ref[...] = h1
    g1_ref[...] = n * h1


def _tc3_body(h_ref, norm_ref, a_ref, b_ref, bias_ref, out_ref):
    n = norm_ref[...]
    h = h_ref[...]
    s = a_ref[...] + b_ref[...]
    out = (1.0 - DELTA) * h + DELTA * (n * n * h + n * s)
    out_ref[...] = out[:N_NODES, :C_OUT] + bias_ref[...]


_tcz = pl.pallas_call(
    _tcz_body,
    out_shape=jax.ShapeDtypeStruct((N_PAD, C_PAD), jnp.float32),
)

_tcn = pl.pallas_call(
    _tcn_body,
    out_shape=(
        jax.ShapeDtypeStruct((N_PAD, C_PAD), jnp.float32),
        jax.ShapeDtypeStruct((N_PAD, 1), jnp.float32),
    ),
)

_tc2 = pl.pallas_call(
    _tc2_body,
    out_shape=(
        jax.ShapeDtypeStruct((N_PAD, C_PAD), jnp.float32),
        jax.ShapeDtypeStruct((N_PAD, C_PAD), jnp.float32),
    ),
)

_tc3 = pl.pallas_call(
    _tc3_body,
    out_shape=jax.ShapeDtypeStruct((N_NODES, C_OUT), jnp.float32),
)


def kernel(feat, edge_index, W, b):
    src = edge_index[0]
    dst = edge_index[1]
    pad = N_NODES + jnp.arange(E_TOTAL - E_EDGES, dtype=jnp.int32) % (
        N_PAD - N_NODES)
    srcp = jnp.concatenate([src, pad])
    dstp = jnp.concatenate([dst, pad])
    src3 = srcp.reshape(NUM_WORKERS, N_CHUNKS, CHUNK)
    dst3 = dstp.reshape(NUM_WORKERS, N_CHUNKS, CHUNK)

    wt = jnp.pad(W, ((0, C_PAD - C_OUT), (0, 0))).T
    bias = b[None, :]
    zeros = jnp.zeros((ROWS_PER_TILE, C_PAD), jnp.float32)
    featp = jnp.pad(feat, ((0, N_PAD - N_NODES), (0, 0)))

    degp = _deg_kernel(dstp)
    z = _tcz(featp, wt)
    g0, norm = _tcn(z, degp.T)
    a1, b1 = _scatter_kernel(g0, src3, dst3, zeros)
    h1, g1 = _tc2(z, norm, a1, b1)
    a2, b2 = _scatter_kernel(g1, src3, dst3, zeros)
    return _tc3(h1, norm, a2, b2, bias)

# --- scband reference (transcript-rebuilt; emitter-appended) ---
"""Pipeline reference for scband-dgc-50216757625453 (READ-ONLY COPY).

The authoritative reference and input builder live on the scoring server;
editing this copy changes nothing except your own understanding.
"""

import jax, jax.numpy as jnp
import numpy as np

N = 10000
E = 320000
D_FEAT = 128
N_CLASSES = 40
K = 2
T = 1.0
DELTA = T / K


def setup_inputs(seed: int = 0) -> dict:
    key = jax.random.key(seed)
    k1, k2, k3, k4 = jax.random.split(key, 4)
    feat = jax.random.normal(k1, (N, D_FEAT), dtype=jnp.float32)
    edge_index = jax.random.randint(k2, (2, E), 0, N, dtype=jnp.int32)
    # Linear layer params (fc: in_feats -> n_classes, xavier-ish init, zero bias)
    W = jax.random.normal(k3, (N_CLASSES, D_FEAT), dtype=jnp.float32) * (1.0 / np.sqrt(D_FEAT))
    b = jnp.zeros((N_CLASSES,), dtype=jnp.float32)
    return {"feat": feat, "edge_index": edge_index, "W": W, "b": b}


def reference(feat, edge_index, W, b):
    # DGC forward: precompute = ((1-delta)*I + delta*S)^K applied to feat, then fc.
    # S = D^{-1/2} (A + I) D^{-1/2} (normalized augmented adjacency).
    src = edge_index[0]
    dst = edge_index[1]
    # degree of augmented adjacency (in-degree + self loop)
    deg = jnp.zeros((N,), dtype=jnp.float32).at[dst].add(1.0) + 1.0
    norm = deg ** (-0.5)
    coef = norm[src] * norm[dst]
    self_coef = (norm * norm)[:, None]

    def prop(h):
        # S @ h via scatter-add over edges, plus self-loop term
        agg = jnp.zeros_like(h).at[dst].add(coef[:, None] * h[src]) + self_coef * h
        return (1.0 - DELTA) * h + DELTA * agg

    h = feat
    for _ in range(K):
        h = prop(h)
    # fc
    out = h @ W.T + b
    return out

if __name__ == "__main__":
    import jax
    _d = setup_inputs()
    print(jax.jit(kernel)(*tuple(_d.values())))

</pallas_src>

<mosaic_0001>
#map = affine_map<(d0, d1) -> (0)>
#map1 = affine_map<(d0, d1) -> (0, 0)>
module attributes {stable_mosaic.version = 14 : i64} {
  func.func @_deg_kernel(%arg0: i32, %arg1: i32, %arg2: memref<327680xi32, #tpu.memory_space<hbm>>, %arg3: memref<32x10112xf32, #tpu.memory_space<hbm>>, %arg4: memref<10112xf32, #tpu.memory_space<vmem>>, %arg5: memref<10240xi32, #tpu.memory_space<vmem>>, %arg6: memref<!tpu.dma_semaphore, #tpu.memory_space<semaphore_mem>>) attributes {dimension_semantics = [#tpu.dimension_semantics<core_parallel>, #tpu.dimension_semantics<subcore_parallel>], iteration_bounds = array<i64: 2, 16>, scalar_prefetch = 0 : i64, scratch_operands = 3 : i64, tpu.core_type = #tpu.core_type<sc_vector_subcore>, window_params = [{transform_indices = #map}, {transform_indices = #map1}]} {
    %mul3A = arith.constant 16 : i32
    %mul3A_0 = arith.muli %arg0, %mul3A : i32
    %add3A = arith.addi %mul3A_0, %arg1 : i32
    %mul3A_1 = arith.constant 10240 : i32
    %mul3A_2 = arith.muli %add3A, %mul3A_1 : i32
    %dma_start3A = tpu.memref_slice %arg2[%mul3A_2] : memref<327680xi32, #tpu.memory_space<hbm>> -> memref<10240xi32, #tpu.memory_space<hbm>>
    %dma_start3A_3 = tpu.memref_slice %arg2[%mul3A_2] : memref<327680xi32, #tpu.memory_space<hbm>> -> memref<10240xi32, #tpu.memory_space<hbm>>
    tpu.enqueue_dma source(%dma_start3A_3 : memref<10240xi32, #tpu.memory_space<hbm>>) target(%arg5 : memref<10240xi32, #tpu.memory_space<vmem>>) target_semaphore(%arg6 : memref<!tpu.dma_semaphore, #tpu.memory_space<semaphore_mem>>)
    %scan3A = arith.constant 0 : i32
    %scan3A_4 = arith.constant 0 : i32
    %scan3A_5 = arith.constant 632 : i32
    %scan3A_6 = arith.addi %scan3A_4, %scan3A_5 : i32
    %scan3A_7 = arith.constant 1 : i32
    scf.for %scan3A_17 = %scan3A_4 to %scan3A_6 step %scan3A_7  : i32 {
      %broadcast_in_dim3A_18 = arith.constant 0.000000e+00 : f32
      %broadcast_in_dim3A_19 = vector.broadcast %broadcast_in_dim3A_18 : f32 to vector<16xf32>
      %mul3A_20 = arith.constant 16 : i32
      %mul3A_21 = arith.muli %scan3A_17, %mul3A_20 : i32
      %swap3A = arith.index_cast %mul3A_21 : i32 to index
      %swap3A_22 = tpu.vector_load %arg4[%swap3A] {strides = array<i32>} : memref<10112xf32, #tpu.memory_space<vmem>>, vector<16xf32>,
      tpu.vector_store %arg4[%swap3A], %broadcast_in_dim3A_19 {strides = array<i32>} : memref<10112xf32, #tpu.memory_space<vmem>>, vector<16xf32>,
    }
    %scan3A_8 = arith.constant 632 : i32
    %dma_wait3A = tpu.memref_slice %arg2[%mul3A_2] : memref<327680xi32, #tpu.memory_space<hbm>> -> memref<10240xi32, #tpu.memory_space<hbm>>
    %dma_wait3A_9 = tpu.memref_slice %arg2[%mul3A_2] : memref<327680xi32, #tpu.memory_space<hbm>> -> memref<10240xi32, #tpu.memory_space<hbm>>
    tpu.wait_dma2 semaphore(%arg6 : memref<!tpu.dma_semaphore, #tpu.memory_space<semaphore_mem>>) src(%dma_wait3A_9 : memref<10240xi32, #tpu.memory_space<hbm>>) dst(%arg5 : memref<10240xi32, #tpu.memory_space<vmem>>)
    %broadcast_in_dim3A = arith.constant 1.000000e+00 : f32
    %broadcast_in_dim3A_10 = vector.broadcast %broadcast_in_dim3A : f32 to vector<16xf32>
    %scan3A_11 = arith.constant 0 : i32
    %scan3A_12 = arith.constant 0 : i32
    %scan3A_13 = arith.constant 640 : i32
    %scan3A_14 = arith.addi %scan3A_12, %scan3A_13 : i32
    %scan3A_15 = arith.constant 1 : i32
    scf.for %scan3A_17 = %scan3A_12 to %scan3A_14 step %scan3A_15  : i32 {
      %mul3A_18 = arith.constant 16 : i32
      %mul3A_19 = arith.muli %scan3A_17, %mul3A_18 : i32
      %get3A = arith.index_cast %mul3A_19 : i32 to index
      %get3A_20 = tpu.vector_load %arg5[%get3A] {strides = array<i32>} : memref<10240xi32, #tpu.memory_space<vmem>>, vector<16xi32>,
      tpu.vector_store_idx %arg4[%get3A_20], %broadcast_in_dim3A_10 {add = true} : memref<10112xf32, #tpu.memory_space<vmem>>[vector<16xi32>], vector<16xf32>,
    }
    %scan3A_16 = arith.constant 640 : i32
    "tpu.region"() ({
      %run_scoped3A = tpu.sem_alloc : memref<!tpu.dma_semaphore, #tpu.memory_space<semaphore_mem>>
      %dma_start3A_17 = arith.constant 0 : i32
      %dma_start3A_18 = tpu.memref_slice %arg3[%add3A, %dma_start3A_17] : memref<32x10112xf32, #tpu.memory_space<hbm>> -> memref<1x10112xf32, #tpu.memory_space<hbm>>
      %dma_start3A_19 = tpu.memref_squeeze %dma_start3A_18 : memref<1x10112xf32, #tpu.memory_space<hbm>> -> memref<10112xf32, #tpu.memory_space<hbm>>
      %dma_start3A_20 = arith.constant 0 : i32
      %dma_start3A_21 = tpu.memref_slice %arg3[%add3A, %dma_start3A_20] : memref<32x10112xf32, #tpu.memory_space<hbm>> -> memref<1x10112xf32, #tpu.memory_space<hbm>>
      %dma_start3A_22 = tpu.memref_squeeze %dma_start3A_21 : memref<1x10112xf32, #tpu.memory_space<hbm>> -> memref<10112xf32, #tpu.memory_space<hbm>>
      tpu.enqueue_dma source(%arg4 : memref<10112xf32, #tpu.memory_space<vmem>>) target(%dma_start3A_22 : memref<10112xf32, #tpu.memory_space<hbm>>) target_semaphore(%run_scoped3A : memref<!tpu.dma_semaphore, #tpu.memory_space<semaphore_mem>>)
      %dma_wait3A_23 = arith.constant 0 : i32
      %dma_wait3A_24 = tpu.memref_slice %arg3[%add3A, %dma_wait3A_23] : memref<32x10112xf32, #tpu.memory_space<hbm>> -> memref<1x10112xf32, #tpu.memory_space<hbm>>
      %dma_wait3A_25 = tpu.memref_squeeze %dma_wait3A_24 : memref<1x10112xf32, #tpu.memory_space<hbm>> -> memref<10112xf32, #tpu.memory_space<hbm>>
      %dma_wait3A_26 = arith.constant 0 : i32
      %dma_wait3A_27 = tpu.memref_slice %arg3[%add3A, %dma_wait3A_26] : memref<32x10112xf32, #tpu.memory_space<hbm>> -> memref<1x10112xf32, #tpu.memory_space<hbm>>
      %dma_wait3A_28 = tpu.memref_squeeze %dma_wait3A_27 : memref<1x10112xf32, #tpu.memory_space<hbm>> -> memref<10112xf32, #tpu.memory_space<hbm>>
      tpu.wait_dma2 semaphore(%run_scoped3A : memref<!tpu.dma_semaphore, #tpu.memory_space<semaphore_mem>>) src(%arg4 : memref<10112xf32, #tpu.memory_space<vmem>>) dst(%dma_wait3A_28 : memref<10112xf32, #tpu.memory_space<hbm>>)
      tpu.yield
    }) : () -> ()
    return
  }
}

#map = affine_map<(d0, d1) -> (0, 0)>
#map1 = affine_map<(d0, d1) -> (0, 0, 0)>
module attributes {stable_mosaic.version = 14 : i64} {
  func.func @_scatter_kernel(%arg0: i32, %arg1: i32, %arg2: memref<10112x48xf32, #tpu.memory_space<hbm>>, %arg3: memref<32x80x128xi32, #tpu.memory_space<hbm>>, %arg4: memref<32x80x128xi32, #tpu.memory_space<hbm>>, %arg5: memref<632x48xf32, #tpu.memory_space<hbm>>, %arg6: memref<10112x48xf32, #tpu.memory_space<hbm>>, %arg7: memref<10112x48xf32, #tpu.memory_space<hbm>>, %arg8: memref<80x128xi32, #tpu.memory_space<vmem>>, %arg9: memref<80x128xi32, #tpu.memory_space<vmem>>, %arg10: memref<128x48xf32, #tpu.memory_space<vmem>>, %arg11: memref<128x48xf32, #tpu.memory_space<vmem>>, %arg12: memref<128x48xf32, #tpu.memory_space<vmem>>, %arg13: memref<128x48xf32, #tpu.memory_space<vmem>>, %arg14: memref<128x48xf32, #tpu.memory_space<vmem>>, %arg15: memref<128x48xf32, #tpu.memory_space<vmem>>, %arg16: memref<128x48xf32, #tpu.memory_space<vmem>>, %arg17: memref<128x48xf32, #tpu.memory_space<vmem>>, %arg18: memref<128x48xf32, #tpu.memory_space<vmem>>, %arg19: memref<128x48xf32, #tpu.memory_space<vmem>>, %arg20: memref<10112x48xf32, #tpu.memory_space<vmem_shared>>, %arg21: memref<!tpu.dma_semaphore, #tpu.memory_space<semaphore_mem>>, %arg22: memref<!tpu.dma_semaphore, #tpu.memory_space<semaphore_mem>>, %arg23: memref<!tpu.dma_semaphore, #tpu.memory_space<semaphore_mem>>, %arg24: memref<!tpu.dma_semaphore, #tpu.memory_space<semaphore_mem>>) attributes {dimension_semantics = [#tpu.dimension_semantics<core_parallel>, #tpu.dimension_semantics<subcore_parallel>], iteration_bounds = array<i64: 2, 16>, scalar_prefetch = 0 : i64, scratch_operands = 17 : i64, tpu.core_type = #tpu.core_type<sc_vector_subcore>, window_params = [{transform_indices = #map}, {transform_indices = #map1}, {transform_indices = #map1}, {transform_indices = #map}, {transform_indices = #map}, {transform_indices = #map}]} {
    %mul3A = arith.constant 16 : i32
    %mul3A_0 = arith.muli %arg0, %mul3A : i32
    %add3A = arith.addi %mul3A_0, %arg1 : i32
    %mul3A_1 = arith.constant 632 : i32
    %mul3A_2 = arith.muli %arg1, %mul3A_1 : i32
    %dma_start3A = arith.constant 0 : i32
    %dma_start3A_3 = arith.constant 0 : i32
    %dma_start3A_4 = tpu.memref_slice %arg3[%add3A, %dma_start3A, %dma_start3A_3] : memref<32x80x128xi32, #tpu.memory_space<hbm>> -> memref<1x80x128xi32, #tpu.memory_space<hbm>>
    %dma_start3A_5 = tpu.memref_squeeze %dma_start3A_4 : memref<1x80x128xi32, #tpu.memory_space<hbm>> -> memref<80x128xi32, #tpu.memory_space<hbm>>
    %dma_start3A_6 = arith.constant 0 : i32
    %dma_start3A_7 = arith.constant 0 : i32
    %dma_start3A_8 = tpu.memref_slice %arg3[%add3A, %dma_start3A_6, %dma_start3A_7] : memref<32x80x128xi32, #tpu.memory_space<hbm>> -> memref<1x80x128xi32, #tpu.memory_space<hbm>>
    %dma_start3A_9 = tpu.memref_squeeze %dma_start3A_8 : memref<1x80x128xi32, #tpu.memory_space<hbm>> -> memref<80x128xi32, #tpu.memory_space<hbm>>
    tpu.enqueue_dma source(%dma_start3A_9 : memref<80x128xi32, #tpu.memory_space<hbm>>) target(%arg8 : memref<80x128xi32, #tpu.memory_space<vmem>>) target_semaphore(%arg21 : memref<!tpu.dma_semaphore, #tpu.memory_space<semaphore_mem>>)
    %dma_start3A_10 = arith.constant 0 : i32
    %dma_start3A_11 = arith.constant 0 : i32
    %dma_start3A_12 = tpu.memref_slice %arg4[%add3A, %dma_start3A_10, %dma_start3A_11] : memref<32x80x128xi32, #tpu.memory_space<hbm>> -> memref<1x80x128xi32, #tpu.memory_space<hbm>>
    %dma_start3A_13 = tpu.memref_squeeze %dma_start3A_12 : memref<1x80x128xi32, #tpu.memory_space<hbm>> -> memref<80x128xi32, #tpu.memory_space<hbm>>
    %dma_start3A_14 = arith.constant 0 : i32
    %dma_start3A_15 = arith.constant 0 : i32
    %dma_start3A_16 = tpu.memref_slice %arg4[%add3A, %dma_start3A_14, %dma_start3A_15] : memref<32x80x128xi32, #tpu.memory_space<hbm>> -> memref<1x80x128xi32, #tpu.memory_space<hbm>>
    %dma_start3A_17 = tpu.memref_squeeze %dma_start3A_16 : memref<1x80x128xi32, #tpu.memory_space<hbm>> -> memref<80x128xi32, #tpu.memory_space<hbm>>
    tpu.enqueue_dma source(%dma_start3A_17 : memref<80x128xi32, #tpu.memory_space<hbm>>) target(%arg9 : memref<80x128xi32, #tpu.memory_space<vmem>>) target_semaphore(%arg23 : memref<!tpu.dma_semaphore, #tpu.memory_space<semaphore_mem>>)
    "tpu.region"() ({
      %run_scoped3A = tpu.sem_alloc : memref<!tpu.dma_semaphore, #tpu.memory_space<semaphore_mem>>
      %dma_start3A_81 = arith.constant 0 : i32
      %dma_start3A_82 = tpu.memref_slice %arg20[%mul3A_2, %dma_start3A_81] : memref<10112x48xf32, #tpu.memory_space<vmem_shared>> -> memref<632x48xf32, #tpu.memory_space<vmem_shared>>
      tpu.enqueue_dma source(%arg5 : memref<632x48xf32, #tpu.memory_space<hbm>>) target(%dma_start3A_82 : memref<632x48xf32, #tpu.memory_space<vmem_shared>>) target_semaphore(%run_scoped3A : memref<!tpu.dma_semaphore, #tpu.memory_space<semaphore_mem>>)
      %dma_wait3A_83 = arith.constant 0 : i32
      %dma_wait3A_84 = tpu.memref_slice %arg20[%mul3A_2, %dma_wait3A_83] : memref<10112x48xf32, #tpu.memory_space<vmem_shared>> -> memref<632x48xf32, #tpu.memory_space<vmem_shared>>
      tpu.wait_dma2 semaphore(%run_scoped3A : memref<!tpu.dma_semaphore, #tpu.memory_space<semaphore_mem>>) src(%arg5 : memref<632x48xf32, #tpu.memory_space<hbm>>) dst(%dma_wait3A_84 : memref<632x48xf32, #tpu.memory_space<vmem_shared>>)
      tpu.yield
    }) : () -> ()
    %dma_wait3A = arith.constant 0 : i32
    %dma_wait3A_18 = arith.constant 0 : i32
    %dma_wait3A_19 = tpu.memref_slice %arg3[%add3A, %dma_wait3A, %dma_wait3A_18] : memref<32x80x128xi32, #tpu.memory_space<hbm>> -> memref<1x80x128xi32, #tpu.memory_space<hbm>>
    %dma_wait3A_20 = tpu.memref_squeeze %dma_wait3A_19 : memref<1x80x128xi32, #tpu.memory_space<hbm>> -> memref<80x128xi32, #tpu.memory_space<hbm>>
    %dma_wait3A_21 = arith.constant 0 : i32
    %dma_wait3A_22 = arith.constant 0 : i32
    %dma_wait3A_23 = tpu.memref_slice %arg3[%add3A, %dma_wait3A_21, %dma_wait3A_22] : memref<32x80x128xi32, #tpu.memory_space<hbm>> -> memref<1x80x128xi32, #tpu.memory_space<hbm>>
    %dma_wait3A_24 = tpu.memref_squeeze %dma_wait3A_23 : memref<1x80x128xi32, #tpu.memory_space<hbm>> -> memref<80x128xi32, #tpu.memory_space<hbm>>
    tpu.wait_dma2 semaphore(%arg21 : memref<!tpu.dma_semaphore, #tpu.memory_space<semaphore_mem>>) src(%dma_wait3A_24 : memref<80x128xi32, #tpu.memory_space<hbm>>) dst(%arg8 : memref<80x128xi32, #tpu.memory_space<vmem>>)
    %dma_wait3A_25 = arith.constant 0 : i32
    %dma_wait3A_26 = arith.constant 0 : i32
    %dma_wait3A_27 = tpu.memref_slice %arg4[%add3A, %dma_wait3A_25, %dma_wait3A_26] : memref<32x80x128xi32, #tpu.memory_space<hbm>> -> memref<1x80x128xi32, #tpu.memory_space<hbm>>
    %dma_wait3A_28 = tpu.memref_squeeze %dma_wait3A_27 : memref<1x80x128xi32, #tpu.memory_space<hbm>> -> memref<80x128xi32, #tpu.memory_space<hbm>>
    %dma_wait3A_29 = arith.constant 0 : i32
    %dma_wait3A_30 = arith.constant 0 : i32
    %dma_wait3A_31 = tpu.memref_slice %arg4[%add3A, %dma_wait3A_29, %dma_wait3A_30] : memref<32x80x128xi32, #tpu.memory_space<hbm>> -> memref<1x80x128xi32, #tpu.memory_space<hbm>>
    %dma_wait3A_32 = tpu.memref_squeeze %dma_wait3A_31 : memref<1x80x128xi32, #tpu.memory_space<hbm>> -> memref<80x128xi32, #tpu.memory_space<hbm>>
    tpu.wait_dma2 semaphore(%arg23 : memref<!tpu.dma_semaphore, #tpu.memory_space<semaphore_mem>>) src(%dma_wait3A_32 : memref<80x128xi32, #tpu.memory_space<hbm>>) dst(%arg9 : memref<80x128xi32, #tpu.memory_space<vmem>>)
    %barrier3A = arith.constant 0 : index
    tpu.barrier barrier_id(%barrier3A)
    %dma_start3A_33 = arith.constant 0 : i32
    %dma_start3A_34 = arith.constant 0 : i32
    %dma_start3A_35 = tpu.memref_slice %arg8[%dma_start3A_33, %dma_start3A_34] : memref<80x128xi32, #tpu.memory_space<vmem>> -> memref<1x128xi32, #tpu.memory_space<vmem>>
    %dma_start3A_36 = tpu.memref_squeeze %dma_start3A_35 : memref<1x128xi32, #tpu.memory_space<vmem>> -> memref<128xi32, #tpu.memory_space<vmem>>
    %dma_start3A_37 = arith.constant 0 : i32
    %dma_start3A_38 = arith.constant 0 : i32
    %dma_start3A_39 = tpu.memref_slice %arg2[%dma_start3A_37, %dma_start3A_38] : memref<10112x48xf32, #tpu.memory_space<hbm>> -> memref<10112x48xf32, #tpu.memory_space<hbm>>
    tpu.enqueue_indirect_dma source(%dma_start3A_39 : memref<10112x48xf32, #tpu.memory_space<hbm>>) target(%arg10 : memref<128x48xf32, #tpu.memory_space<vmem>>) offsets(%dma_start3A_36 : memref<128xi32, #tpu.memory_space<vmem>>) semaphore(%arg21 : memref<!tpu.dma_semaphore, #tpu.memory_space<semaphore_mem>>)
    %dma_start3A_40 = arith.constant 1 : i32
    %dma_start3A_41 = arith.constant 0 : i32
    %dma_start3A_42 = tpu.memref_slice %arg8[%dma_start3A_40, %dma_start3A_41] : memref<80x128xi32, #tpu.memory_space<vmem>> -> memref<1x128xi32, #tpu.memory_space<vmem>>
    %dma_start3A_43 = tpu.memref_squeeze %dma_start3A_42 : memref<1x128xi32, #tpu.memory_space<vmem>> -> memref<128xi32, #tpu.memory_space<vmem>>
    %dma_start3A_44 = arith.constant 0 : i32
    %dma_start3A_45 = arith.constant 0 : i32
    %dma_start3A_46 = tpu.memref_slice %arg2[%dma_start3A_44, %dma_start3A_45] : memref<10112x48xf32, #tpu.memory_space<hbm>> -> memref<10112x48xf32, #tpu.memory_space<hbm>>
    tpu.enqueue_indirect_dma source(%dma_start3A_46 : memref<10112x48xf32, #tpu.memory_space<hbm>>) target(%arg11 : memref<128x48xf32, #tpu.memory_space<vmem>>) offsets(%dma_start3A_43 : memref<128xi32, #tpu.memory_space<vmem>>) semaphore(%arg21 : memref<!tpu.dma_semaphore, #tpu.memory_space<semaphore_mem>>)
    %dma_start3A_47 = arith.constant 2 : i32
    %dma_start3A_48 = arith.constant 0 : i32
    %dma_start3A_49 = tpu.memref_slice %arg8[%dma_start3A_47, %dma_start3A_48] : memref<80x128xi32, #tpu.memory_space<vmem>> -> memref<1x128xi32, #tpu.memory_space<vmem>>
    %dma_start3A_50 = tpu.memref_squeeze %dma_start3A_49 : memref<1x128xi32, #tpu.memory_space<vmem>> -> memref<128xi32, #tpu.memory_space<vmem>>
    %dma_start3A_51 = arith.constant 0 : i32
    %dma_start3A_52 = arith.constant 0 : i32
    %dma_start3A_53 = tpu.memref_slice %arg2[%dma_start3A_51, %dma_start3A_52] : memref<10112x48xf32, #tpu.memory_space<hbm>> -> memref<10112x48xf32, #tpu.memory_space<hbm>>
    tpu.enqueue_indirect_dma source(%dma_start3A_53 : memref<10112x48xf32, #tpu.memory_space<hbm>>) target(%arg12 : memref<128x48xf32, #tpu.memory_space<vmem>>) offsets(%dma_start3A_50 : memref<128xi32, #tpu.memory_space<vmem>>) semaphore(%arg21 : memref<!tpu.dma_semaphore, #tpu.memory_space<semaphore_mem>>)
    %dma_start3A_54 = arith.constant 3 : i32
    %dma_start3A_55 = arith.constant 0 : i32
    %dma_start3A_56 = tpu.memref_slice %arg8[%dma_start3A_54, %dma_start3A_55] : memref<80x128xi32, #tpu.memory_space<vmem>> -> memref<1x128xi32, #tpu.memory_space<vmem>>
    %dma_start3A_57 = tpu.memref_squeeze %dma_start3A_56 : memref<1x128xi32, #tpu.memory_space<vmem>> -> memref<128xi32, #tpu.memory_space<vmem>>
    %dma_start3A_58 = arith.constant 0 : i32
    %dma_start3A_59 = arith.constant 0 : i32
    %dma_start3A_60 = tpu.memref_slice %arg2[%dma_start3A_58, %dma_start3A_59] : memref<10112x48xf32, #tpu.memory_space<hbm>> -> memref<10112x48xf32, #tpu.memory_space<hbm>>
    tpu.enqueue_indirect_dma source(%dma_start3A_60 : memref<10112x48xf32, #tpu.memory_space<hbm>>) target(%arg13 : memref<128x48xf32, #tpu.memory_space<vmem>>) offsets(%dma_start3A_57 : memref<128xi32, #tpu.memory_space<vmem>>) semaphore(%arg21 : memref<!tpu.dma_semaphore, #tpu.memory_space<semaphore_mem>>)
    %dma_start3A_61 = arith.constant 4 : i32
    %dma_start3A_62 = arith.constant 0 : i32
    %dma_start3A_63 = tpu.memref_slice %arg8[%dma_start3A_61, %dma_start3A_62] : memref<80x128xi32, #tpu.memory_space<vmem>> -> memref<1x128xi32, #tpu.memory_space<vmem>>
    %dma_start3A_64 = tpu.memref_squeeze %dma_start3A_63 : memref<1x128xi32, #tpu.memory_space<vmem>> -> memref<128xi32, #tpu.memory_space<vmem>>
    %dma_start3A_65 = arith.constant 0 : i32
    %dma_start3A_66 = arith.constant 0 : i32
    %dma_start3A_67 = tpu.memref_slice %arg2[%dma_start3A_65, %dma_start3A_66] : memref<10112x48xf32, #tpu.memory_space<hbm>> -> memref<10112x48xf32, #tpu.memory_space<hbm>>
    tpu.enqueue_indirect_dma source(%dma_start3A_67 : memref<10112x48xf32, #tpu.memory_space<hbm>>) target(%arg14 : memref<128x48xf32, #tpu.memory_space<vmem>>) offsets(%dma_start3A_64 : memref<128xi32, #tpu.memory_space<vmem>>) semaphore(%arg21 : memref<!tpu.dma_semaphore, #tpu.memory_space<semaphore_mem>>)
    %scan3A = arith.constant 0 : i32
    %scan3A_68 = arith.constant 0 : i32
    %scan3A_69 = arith.constant 8 : i32
    %scan3A_70 = arith.addi %scan3A_68, %scan3A_69 : i32
    %scan3A_71 = arith.constant 1 : i32
    scf.for %scan3A_81 = %scan3A_68 to %scan3A_70 step %scan3A_71  : i32 {
      %mul3A_82 = arith.constant 2 : i32
      %mul3A_83 = arith.muli %mul3A_82, %scan3A_81 : i32
      %add3A_84 = arith.constant 1 : i32
      %add3A_85 = arith.addi %mul3A_83, %add3A_84 : i32
      %mul3A_86 = arith.constant 5 : i32
      %mul3A_87 = arith.muli %add3A_85, %mul3A_86 : i32
      %add3A_88 = arith.constant 0 : i32
      %add3A_89 = arith.addi %mul3A_87, %add3A_88 : i32
      %dma_start3A_90 = arith.constant 0 : i32
      %dma_start3A_91 = tpu.memref_slice %arg8[%add3A_89, %dma_start3A_90] : memref<80x128xi32, #tpu.memory_space<vmem>> -> memref<1x128xi32, #tpu.memory_space<vmem>>
      %dma_start3A_92 = tpu.memref_squeeze %dma_start3A_91 : memref<1x128xi32, #tpu.memory_space<vmem>> -> memref<128xi32, #tpu.memory_space<vmem>>
      %dma_start3A_93 = arith.constant 0 : i32
      %dma_start3A_94 = arith.constant 0 : i32
      %dma_start3A_95 = tpu.memref_slice %arg2[%dma_start3A_93, %dma_start3A_94] : memref<10112x48xf32, #tpu.memory_space<hbm>> -> memref<10112x48xf32, #tpu.memory_space<hbm>>
      tpu.enqueue_indirect_dma source(%dma_start3A_95 : memref<10112x48xf32, #tpu.memory_space<hbm>>) target(%arg15 : memref<128x48xf32, #tpu.memory_space<vmem>>) offsets(%dma_start3A_92 : memref<128xi32, #tpu.memory_space<vmem>>) semaphore(%arg22 : memref<!tpu.dma_semaphore, #tpu.memory_space<semaphore_mem>>)
      %mul3A_96 = arith.constant 5 : i32
      %mul3A_97 = arith.muli %add3A_85, %mul3A_96 : i32
      %add3A_98 = arith.constant 1 : i32
      %add3A_99 = arith.addi %mul3A_97, %add3A_98 : i32
      %dma_start3A_100 = arith.constant 0 : i32
      %dma_start3A_101 = tpu.memref_slice %arg8[%add3A_99, %dma_start3A_100] : memref<80x128xi32, #tpu.memory_space<vmem>> -> memref<1x128xi32, #tpu.memory_space<vmem>>
      %dma_start3A_102 = tpu.memref_squeeze %dma_start3A_101 : memref<1x128xi32, #tpu.memory_space<vmem>> -> memref<128xi32, #tpu.memory_space<vmem>>
      %dma_start3A_103 = arith.constant 0 : i32
      %dma_start3A_104 = arith.constant 0 : i32
      %dma_start3A_105 = tpu.memref_slice %arg2[%dma_start3A_103, %dma_start3A_104] : memref<10112x48xf32, #tpu.memory_space<hbm>> -> memref<10112x48xf32, #tpu.memory_space<hbm>>
      tpu.enqueue_indirect_dma source(%dma_start3A_105 : memref<10112x48xf32, #tpu.memory_space<hbm>>) target(%arg16 : memref<128x48xf32, #tpu.memory_space<vmem>>) offsets(%dma_start3A_102 : memref<128xi32, #tpu.memory_space<vmem>>) semaphore(%arg22 : memref<!tpu.dma_semaphore, #tpu.memory_space<semaphore_mem>>)
      %mul3A_106 = arith.constant 5 : i32
      %mul3A_107 = arith.muli %add3A_85, %mul3A_106 : i32
      %add3A_108 = arith.constant 2 : i32
      %add3A_109 = arith.addi %mul3A_107, %add3A_108 : i32
      %dma_start3A_110 = arith.constant 0 : i32
      %dma_start3A_111 = tpu.memref_slice %arg8[%add3A_109, %dma_start3A_110] : memref<80x128xi32, #tpu.memory_space<vmem>> -> memref<1x128xi32, #tpu.memory_space<vmem>>
      %dma_start3A_112 = tpu.memref_squeeze %dma_start3A_111 : memref<1x128xi32, #tpu.memory_space<vmem>> -> memref<128xi32, #tpu.memory_space<vmem>>
      %dma_start3A_113 = arith.constant 0 : i32
      %dma_start3A_114 = arith.constant 0 : i32
      %dma_start3A_115 = tpu.memref_slice %arg2[%dma_start3A_113, %dma_start3A_114] : memref<10112x48xf32, #tpu.memory_space<hbm>> -> memref<10112x48xf32, #tpu.memory_space<hbm>>
      tpu.enqueue_indirect_dma source(%dma_start3A_115 : memref<10112x48xf32, #tpu.memory_space<hbm>>) target(%arg17 : memref<128x48xf32, #tpu.memory_space<vmem>>) offsets(%dma_start3A_112 : memref<128xi32, #tpu.memory_space<vmem>>) semaphore(%arg22 : memref<!tpu.dma_semaphore, #tpu.memory_space<semaphore_mem>>)
      %mul3A_116 = arith.constant 5 : i32
      %mul3A_117 = arith.muli %add3A_85, %mul3A_116 : i32
      %add3A_118 = arith.constant 3 : i32
      %add3A_119 = arith.addi %mul3A_117, %add3A_118 : i32
      %dma_start3A_120 = arith.constant 0 : i32
      %dma_start3A_121 = tpu.memref_slice %arg8[%add3A_119, %dma_start3A_120] : memref<80x128xi32, #tpu.memory_space<vmem>> -> memref<1x128xi32, #tpu.memory_space<vmem>>
      %dma_start3A_122 = tpu.memref_squeeze %dma_start3A_121 : memref<1x128xi32, #tpu.memory_space<vmem>> -> memref<128xi32, #tpu.memory_space<vmem>>
      %dma_start3A_123 = arith.constant 0 : i32
      %dma_start3A_124 = arith.constant 0 : i32
      %dma_start3A_125 = tpu.memref_slice %arg2[%dma_start3A_123, %dma_start3A_124] : memref<10112x48xf32, #tpu.memory_space<hbm>> -> memref<10112x48xf32, #tpu.memory_space<hbm>>
      tpu.enqueue_indirect_dma source(%dma_start3A_125 : memref<10112x48xf32, #tpu.memory_space<hbm>>) target(%arg18 : memref<128x48xf32, #tpu.memory_space<vmem>>) offsets(%dma_start3A_122 : memref<128xi32, #tpu.memory_space<vmem>>) semaphore(%arg22 : memref<!tpu.dma_semaphore, #tpu.memory_space<semaphore_mem>>)
      %mul3A_126 = arith.constant 5 : i32
      %mul3A_127 = arith.muli %add3A_85, %mul3A_126 : i32
      %add3A_128 = arith.constant 4 : i32
      %add3A_129 = arith.addi %mul3A_127, %add3A_128 : i32
      %dma_start3A_130 = arith.constant 0 : i32
      %dma_start3A_131 = tpu.memref_slice %arg8[%add3A_129, %dma_start3A_130] : memref<80x128xi32, #tpu.memory_space<vmem>> -> memref<1x128xi32, #tpu.memory_space<vmem>>
      %dma_start3A_132 = tpu.memref_squeeze %dma_start3A_131 : memref<1x128xi32, #tpu.memory_space<vmem>> -> memref<128xi32, #tpu.memory_space<vmem>>
      %dma_start3A_133 = arith.constant 0 : i32
      %dma_start3A_134 = arith.constant 0 : i32
      %dma_start3A_135 = tpu.memref_slice %arg2[%dma_start3A_133, %dma_start3A_134] : memref<10112x48xf32, #tpu.memory_space<hbm>> -> memref<10112x48xf32, #tpu.memory_space<hbm>>
      tpu.enqueue_indirect_dma source(%dma_start3A_135 : memref<10112x48xf32, #tpu.memory_space<hbm>>) target(%arg19 : memref<128x48xf32, #tpu.memory_space<vmem>>) offsets(%dma_start3A_132 : memref<128xi32, #tpu.memory_space<vmem>>) semaphore(%arg22 : memref<!tpu.dma_semaphore, #tpu.memory_space<semaphore_mem>>)
      %dma_wait3A_136 = arith.constant 0 : i32
      %dma_wait3A_137 = arith.constant 0 : i32
      %dma_wait3A_138 = tpu.memref_slice %arg8[%dma_wait3A_136, %dma_wait3A_137] : memref<80x128xi32, #tpu.memory_space<vmem>> -> memref<1x128xi32, #tpu.memory_space<vmem>>
      %dma_wait3A_139 = tpu.memref_squeeze %dma_wait3A_138 : memref<1x128xi32, #tpu.memory_space<vmem>> -> memref<128xi32, #tpu.memory_space<vmem>>
      %dma_wait3A_140 = arith.constant 0 : i32
      %dma_wait3A_141 = arith.constant 0 : i32
      %dma_wait3A_142 = tpu.memref_slice %arg2[%dma_wait3A_140, %dma_wait3A_141] : memref<10112x48xf32, #tpu.memory_space<hbm>> -> memref<10112x48xf32, #tpu.memory_space<hbm>>
      tpu.wait_indirect_dma semaphore(%arg21 : memref<!tpu.dma_semaphore, #tpu.memory_space<semaphore_mem>>) src(%dma_wait3A_142 : memref<10112x48xf32, #tpu.memory_space<hbm>>) dst(%arg10 : memref<128x48xf32, #tpu.memory_space<vmem>>)
      %dma_wait3A_143 = arith.constant 0 : i32
      %dma_wait3A_144 = arith.constant 0 : i32
      %dma_wait3A_145 = tpu.memref_slice %arg8[%dma_wait3A_143, %dma_wait3A_144] : memref<80x128xi32, #tpu.memory_space<vmem>> -> memref<1x128xi32, #tpu.memory_space<vmem>>
      %dma_wait3A_146 = tpu.memref_squeeze %dma_wait3A_145 : memref<1x128xi32, #tpu.memory_space<vmem>> -> memref<128xi32, #tpu.memory_space<vmem>>
      %dma_wait3A_147 = arith.constant 0 : i32
      %dma_wait3A_148 = arith.constant 0 : i32
      %dma_wait3A_149 = tpu.memref_slice %arg2[%dma_wait3A_147, %dma_wait3A_148] : memref<10112x48xf32, #tpu.memory_space<hbm>> -> memref<10112x48xf32, #tpu.memory_space<hbm>>
      tpu.wait_indirect_dma semaphore(%arg21 : memref<!tpu.dma_semaphore, #tpu.memory_space<semaphore_mem>>) src(%dma_wait3A_149 : memref<10112x48xf32, #tpu.memory_space<hbm>>) dst(%arg11 : memref<128x48xf32, #tpu.memory_space<vmem>>)
      %dma_wait3A_150 = arith.constant 0 : i32
      %dma_wait3A_151 = arith.constant 0 : i32
      %dma_wait3A_152 = tpu.memref_slice %arg8[%dma_wait3A_150, %dma_wait3A_151] : memref<80x128xi32, #tpu.memory_space<vmem>> -> memref<1x128xi32, #tpu.memory_space<vmem>>
      %dma_wait3A_153 = tpu.memref_squeeze %dma_wait3A_152 : memref<1x128xi32, #tpu.memory_space<vmem>> -> memref<128xi32, #tpu.memory_space<vmem>>
      %dma_wait3A_154 = arith.constant 0 : i32
      %dma_wait3A_155 = arith.constant 0 : i32
      %dma_wait3A_156 = tpu.memref_slice %arg2[%dma_wait3A_154, %dma_wait3A_155] : memref<10112x48xf32, #tpu.memory_space<hbm>> -> memref<10112x48xf32, #tpu.memory_space<hbm>>
      tpu.wait_indirect_dma semaphore(%arg21 : memref<!tpu.dma_semaphore, #tpu.memory_space<semaphore_mem>>) src(%dma_wait3A_156 : memref<10112x48xf32, #tpu.memory_space<hbm>>) dst(%arg12 : memref<128x48xf32, #tpu.memory_space<vmem>>)
      %dma_wait3A_157 = arith.constant 0 : i32
      %dma_wait3A_158 = arith.constant 0 : i32
      %dma_wait3A_159 = tpu.memref_slice %arg8[%dma_wait3A_157, %dma_wait3A_158] : memref<80x128xi32, #tpu.memory_space<vmem>> -> memref<1x128xi32, #tpu.memory_space<vmem>>
      %dma_wait3A_160 = tpu.memref_squeeze %dma_wait3A_159 : memref<1x128xi32, #tpu.memory_space<vmem>> -> memref<128xi32, #tpu.memory_space<vmem>>
      %dma_wait3A_161 = arith.constant 0 : i32
      %dma_wait3A_162 = arith.constant 0 : i32
      %dma_wait3A_163 = tpu.memref_slice %arg2[%dma_wait3A_161, %dma_wait3A_162] : memref<10112x48xf32, #tpu.memory_space<hbm>> -> memref<10112x48xf32, #tpu.memory_space<hbm>>
      tpu.wait_indirect_dma semaphore(%arg21 : memref<!tpu.dma_semaphore, #tpu.memory_space<semaphore_mem>>) src(%dma_wait3A_163 : memref<10112x48xf32, #tpu.memory_space<hbm>>) dst(%arg13 : memref<128x48xf32, #tpu.memory_space<vmem>>)
      %dma_wait3A_164 = arith.constant 0 : i32
      %dma_wait3A_165 = arith.constant 0 : i32
      %dma_wait3A_166 = tpu.memref_slice %arg8[%dma_wait3A_164, %dma_wait3A_165] : memref<80x128xi32, #tpu.memory_space<vmem>> -> memref<1x128xi32, #tpu.memory_space<vmem>>
      %dma_wait3A_167 = tpu.memref_squeeze %dma_wait3A_166 : memref<1x128xi32, #tpu.memory_space<vmem>> -> memref<128xi32, #tpu.memory_space<vmem>>
      %dma_wait3A_168 = arith.constant 0 : i32
      %dma_wait3A_169 = arith.constant 0 : i32
      %dma_wait3A_170 = tpu.memref_slice %arg2[%dma_wait3A_168, %dma_wait3A_169] : memref<10112x48xf32, #tpu.memory_space<hbm>> -> memref<10112x48xf32, #tpu.memory_space<hbm>>
      tpu.wait_indirect_dma semaphore(%arg21 : memref<!tpu.dma_semaphore, #tpu.memory_space<semaphore_mem>>) src(%dma_wait3A_170 : memref<10112x48xf32, #tpu.memory_space<hbm>>) dst(%arg14 : memref<128x48xf32, #tpu.memory_space<vmem>>)
      %mul3A_171 = arith.constant 5 : i32
      %mul3A_172 = arith.muli %mul3A_83, %mul3A_171 : i32
      %add3A_173 = arith.constant 0 : i32
      %add3A_174 = arith.addi %mul3A_172, %add3A_173 : i32
      %dma_start3A_175 = arith.constant 0 : i32
      %dma_start3A_176 = tpu.memref_slice %arg9[%add3A_174, %dma_start3A_175] : memref<80x128xi32, #tpu.memory_space<vmem>> -> memref<1x128xi32, #tpu.memory_space<vmem>>
      %dma_start3A_177 = tpu.memref_squeeze %dma_start3A_176 : memref<1x128xi32, #tpu.memory_space<vmem>> -> memref<128xi32, #tpu.memory_space<vmem>>
      %dma_start3A_178 = arith.constant 0 : i32
      %dma_start3A_179 = arith.constant 0 : i32
      %dma_start3A_180 = tpu.memref_slice %arg20[%dma_start3A_178, %dma_start3A_179] : memref<10112x48xf32, #tpu.memory_space<vmem_shared>> -> memref<10112x48xf32, #tpu.memory_space<vmem_shared>>
      tpu.enqueue_indirect_dma source(%arg10 : memref<128x48xf32, #tpu.memory_space<vmem>>) target(%dma_start3A_180 : memref<10112x48xf32, #tpu.memory_space<vmem_shared>>) offsets(%dma_start3A_177 : memref<128xi32, #tpu.memory_space<vmem>>) semaphore(%arg23 : memref<!tpu.dma_semaphore, #tpu.memory_space<semaphore_mem>>) {add = true}
      %mul3A_181 = arith.constant 5 : i32
      %mul3A_182 = arith.muli %mul3A_83, %mul3A_181 : i32
      %add3A_183 = arith.constant 1 : i32
      %add3A_184 = arith.addi %mul3A_182, %add3A_183 : i32
      %dma_start3A_185 = arith.constant 0 : i32
      %dma_start3A_186 = tpu.memref_slice %arg9[%add3A_184, %dma_start3A_185] : memref<80x128xi32, #tpu.memory_space<vmem>> -> memref<1x128xi32, #tpu.memory_space<vmem>>
      %dma_start3A_187 = tpu.memref_squeeze %dma_start3A_186 : memref<1x128xi32, #tpu.memory_space<vmem>> -> memref<128xi32, #tpu.memory_space<vmem>>
      %dma_start3A_188 = arith.constant 0 : i32
      %dma_start3A_189 = arith.constant 0 : i32
      %dma_start3A_190 = tpu.memref_slice %arg20[%dma_start3A_188, %dma_start3A_189] : memref<10112x48xf32, #tpu.memory_space<vmem_shared>> -> memref<10112x48xf32, #tpu.memory_space<vmem_shared>>
      tpu.enqueue_indirect_dma source(%arg11 : memref<128x48xf32, #tpu.memory_space<vmem>>) target(%dma_start3A_190 : memref<10112x48xf32, #tpu.memory_space<vmem_shared>>) offsets(%dma_start3A_187 : memref<128xi32, #tpu.memory_space<vmem>>) semaphore(%arg23 : memref<!tpu.dma_semaphore, #tpu.memory_space<semaphore_mem>>) {add = true}
      %mul3A_191 = arith.constant 5 : i32
      %mul3A_192 = arith.muli %mul3A_83, %mul3A_191 : i32
      %add3A_193 = arith.constant 2 : i32
      %add3A_194 = arith.addi %mul3A_192, %add3A_193 : i32
      %dma_start3A_195 = arith.constant 0 : i32
      %dma_start3A_196 = tpu.memref_slice %arg9[%add3A_194, %dma_start3A_195] : memref<80x128xi32, #tpu.memory_space<vmem>> -> memref<1x128xi32, #tpu.memory_space<vmem>>
      %dma_start3A_197 = tpu.memref_squeeze %dma_start3A_196 : memref<1x128xi32, #tpu.memory_space<vmem>> -> memref<128xi32, #tpu.memory_space<vmem>>
      %dma_start3A_198 = arith.constant 0 : i32
      %dma_start3A_199 = arith.constant 0 : i32
      %dma_start3A_200 = tpu.memref_slice %arg20[%dma_start3A_198, %dma_start3A_199] : memref<10112x48xf32, #tpu.memory_space<vmem_shared>> -> memref<10112x48xf32, #tpu.memory_space<vmem_shared>>
      tpu.enqueue_indirect_dma source(%arg12 : memref<128x48xf32, #tpu.memory_space<vmem>>) target(%dma_start3A_200 : memref<10112x48xf32, #tpu.memory_space<vmem_shared>>) offsets(%dma_start3A_197 : memref<128xi32, #tpu.memory_space<vmem>>) semaphore(%arg23 : memref<!tpu.dma_semaphore, #tpu.memory_space<semaphore_mem>>) {add = true}
      %mul3A_201 = arith.constant 5 : i32
      %mul3A_202 = arith.muli %mul3A_83, %mul3A_201 : i32
      %add3A_203 = arith.constant 3 : i32
      %add3A_204 = arith.addi %mul3A_202, %add3A_203 : i32
      %dma_start3A_205 = arith.constant 0 : i32
      %dma_start3A_206 = tpu.memref_slice %arg9[%add3A_204, %dma_start3A_205] : memref<80x128xi32, #tpu.memory_space<vmem>> -> memref<1x128xi32, #tpu.memory_space<vmem>>
      %dma_start3A_207 = tpu.memref_squeeze %dma_start3A_206 : memref<1x128xi32, #tpu.memory_space<vmem>> -> memref<128xi32, #tpu.memory_space<vmem>>
      %dma_start3A_208 = arith.constant 0 : i32
      %dma_start3A_209 = arith.constant 0 : i32
      %dma_start3A_210 = tpu.memref_slice %arg20[%dma_start3A_208, %dma_start3A_209] : memref<10112x48xf32, #tpu.memory_space<vmem_shared>> -> memref<10112x48xf32, #tpu.memory_space<vmem_shared>>
      tpu.enqueue_indirect_dma source(%arg13 : memref<128x48xf32, #tpu.memory_space<vmem>>) target(%dma_start3A_210 : memref<10112x48xf32, #tpu.memory_space<vmem_shared>>) offsets(%dma_start3A_207 : memref<128xi32, #tpu.memory_space<vmem>>) semaphore(%arg23 : memref<!tpu.dma_semaphore, #tpu.memory_space<semaphore_mem>>) {add = true}
      %mul3A_211 = arith.constant 5 : i32
      %mul3A_212 = arith.muli %mul3A_83, %mul3A_211 : i32
      %add3A_213 = arith.constant 4 : i32
      %add3A_214 = arith.addi %mul3A_212, %add3A_213 : i32
      %dma_start3A_215 = arith.constant 0 : i32
      %dma_start3A_216 = tpu.memref_slice %arg9[%add3A_214, %dma_start3A_215] : memref<80x128xi32, #tpu.memory_space<vmem>> -> memref<1x128xi32, #tpu.memory_space<vmem>>
      %dma_start3A_217 = tpu.memref_squeeze %dma_start3A_216 : memref<1x128xi32, #tpu.memory_space<vmem>> -> memref<128xi32, #tpu.memory_space<vmem>>
      %dma_start3A_218 = arith.constant 0 : i32
      %dma_start3A_219 = arith.constant 0 : i32
      %dma_start3A_220 = tpu.memref_slice %arg20[%dma_start3A_218, %dma_start3A_219] : memref<10112x48xf32, #tpu.memory_space<vmem_shared>> -> memref<10112x48xf32, #tpu.memory_space<vmem_shared>>
      tpu.enqueue_indirect_dma source(%arg14 : memref<128x48xf32, #tpu.memory_space<vmem>>) target(%dma_start3A_220 : memref<10112x48xf32, #tpu.memory_space<vmem_shared>>) offsets(%dma_start3A_217 : memref<128xi32, #tpu.memory_space<vmem>>) semaphore(%arg23 : memref<!tpu.dma_semaphore, #tpu.memory_space<semaphore_mem>>) {add = true}
      %dma_wait3A_221 = arith.constant 0 : i32
      %dma_wait3A_222 = tpu.memref_slice %arg9[%add3A_174, %dma_wait3A_221] : memref<80x128xi32, #tpu.memory_space<vmem>> -> memref<1x128xi32, #tpu.memory_space<vmem>>
      %dma_wait3A_223 = tpu.memref_squeeze %dma_wait3A_222 : memref<1x128xi32, #tpu.memory_space<vmem>> -> memref<128xi32, #tpu.memory_space<vmem>>
      %dma_wait3A_224 = arith.constant 0 : i32
      %dma_wait3A_225 = arith.constant 0 : i32
      %dma_wait3A_226 = tpu.memref_slice %arg20[%dma_wait3A_224, %dma_wait3A_225] : memref<10112x48xf32, #tpu.memory_space<vmem_shared>> -> memref<10112x48xf32, #tpu.memory_space<vmem_shared>>
      tpu.wait_indirect_dma semaphore(%arg23 : memref<!tpu.dma_semaphore, #tpu.memory_space<semaphore_mem>>) src(%arg10 : memref<128x48xf32, #tpu.memory_space<vmem>>) dst(%dma_wait3A_226 : memref<10112x48xf32, #tpu.memory_space<vmem_shared>>)
      %dma_wait3A_227 = arith.constant 0 : i32
      %dma_wait3A_228 = tpu.memref_slice %arg9[%add3A_184, %dma_wait3A_227] : memref<80x128xi32, #tpu.memory_space<vmem>> -> memref<1x128xi32, #tpu.memory_space<vmem>>
      %dma_wait3A_229 = tpu.memref_squeeze %dma_wait3A_228 : memref<1x128xi32, #tpu.memory_space<vmem>> -> memref<128xi32, #tpu.memory_space<vmem>>
      %dma_wait3A_230 = arith.constant 0 : i32
      %dma_wait3A_231 = arith.constant 0 : i32
      %dma_wait3A_232 = tpu.memref_slice %arg20[%dma_wait3A_230, %dma_wait3A_231] : memref<10112x48xf32, #tpu.memory_space<vmem_shared>> -> memref<10112x48xf32, #tpu.memory_space<vmem_shared>>
      tpu.wait_indirect_dma semaphore(%arg23 : memref<!tpu.dma_semaphore, #tpu.memory_space<semaphore_mem>>) src(%arg11 : memref<128x48xf32, #tpu.memory_space<vmem>>) dst(%dma_wait3A_232 : memref<10112x48xf32, #tpu.memory_space<vmem_shared>>)
      %dma_wait3A_233 = arith.constant 0 : i32
      %dma_wait3A_234 = tpu.memref_slice %arg9[%add3A_194, %dma_wait3A_233] : memref<80x128xi32, #tpu.memory_space<vmem>> -> memref<1x128xi32, #tpu.memory_space<vmem>>
      %dma_wait3A_235 = tpu.memref_squeeze %dma_wait3A_234 : memref<1x128xi32, #tpu.memory_space<vmem>> -> memref<128xi32, #tpu.memory_space<vmem>>
      %dma_wait3A_236 = arith.constant 0 : i32
      %dma_wait3A_237 = arith.constant 0 : i32
      %dma_wait3A_238 = tpu.memref_slice %arg20[%dma_wait3A_236, %dma_wait3A_237] : memref<10112x48xf32, #tpu.memory_space<vmem_shared>> -> memref<10112x48xf32, #tpu.memory_space<vmem_shared>>
      tpu.wait_indirect_dma semaphore(%arg23 : memref<!tpu.dma_semaphore, #tpu.memory_space<semaphore_mem>>) src(%arg12 : memref<128x48xf32, #tpu.memory_space<vmem>>) dst(%dma_wait3A_238 : memref<10112x48xf32, #tpu.memory_space<vmem_shared>>)
      %dma_wait3A_239 = arith.constant 0 : i32
      %dma_wait3A_240 = tpu.memref_slice %arg9[%add3A_204, %dma_wait3A_239] : memref<80x128xi32, #tpu.memory_space<vmem>> -> memref<1x128xi32, #tpu.memory_space<vmem>>
      %dma_wait3A_241 = tpu.memref_squeeze %dma_wait3A_240 : memref<1x128xi32, #tpu.memory_space<vmem>> -> memref<128xi32, #tpu.memory_space<vmem>>
      %dma_wait3A_242 = arith.constant 0 : i32
      %dma_wait3A_243 = arith.constant 0 : i32
      %dma_wait3A_244 = tpu.memref_slice %arg20[%dma_wait3A_242, %dma_wait3A_243] : memref<10112x48xf32, #tpu.memory_space<vmem_shared>> -> memref<10112x48xf32, #tpu.memory_space<vmem_shared>>
      tpu.wait_indirect_dma semaphore(%arg23 : memref<!tpu.dma_semaphore, #tpu.memory_space<semaphore_mem>>) src(%arg13 : memref<128x48xf32, #tpu.memory_space<vmem>>) dst(%dma_wait3A_244 : memref<10112x48xf32, #tpu.memory_space<vmem_shared>>)
      %dma_wait3A_245 = arith.constant 0 : i32
      %dma_wait3A_246 = tpu.memref_slice %arg9[%add3A_214, %dma_wait3A_245] : memref<80x128xi32, #tpu.memory_space<vmem>> -> memref<1x128xi32, #tpu.memory_space<vmem>>
      %dma_wait3A_247 = tpu.memref_squeeze %dma_wait3A_246 : memref<1x128xi32, #tpu.memory_space<vmem>> -> memref<128xi32, #tpu.memory_space<vmem>>
      %dma_wait3A_248 = arith.constant 0 : i32
      %dma_wait3A_249 = arith.constant 0 : i32
      %dma_wait3A_250 = tpu.memref_slice %arg20[%dma_wait3A_248, %dma_wait3A_249] : memref<10112x48xf32, #tpu.memory_space<vmem_shared>> -> memref<10112x48xf32, #tpu.memory_space<vmem_shared>>
      tpu.wait_indirect_dma semaphore(%arg23 : memref<!tpu.dma_semaphore, #tpu.memory_space<semaphore_mem>>) src(%arg14 : memref<128x48xf32, #tpu.memory_space<vmem>>) dst(%dma_wait3A_250 : memref<10112x48xf32, #tpu.memory_space<vmem_shared>>)
      %add3A_251 = arith.constant 1 : i32
      %add3A_252 = arith.addi %scan3A_81, %add3A_251 : i32
      %lt3A = arith.constant 8 : i32
      %lt3A_253 = arith.cmpi slt, %add3A_252, %lt3A : i32
      %convert_element_type3A_254 = arith.extui %lt3A_253 : i1 to i32
      %cond3A_255 = arith.constant 0 : i32
      %cond3A_256 = arith.cmpi ne, %convert_element_type3A_254, %cond3A_255 : i32
      scf.if %cond3A_256 {
        %add3A_374 = arith.constant 2 : i32
        %add3A_375 = arith.addi %mul3A_83, %add3A_374 : i32
        %mul3A_376 = arith.constant 5 : i32
        %mul3A_377 = arith.muli %add3A_375, %mul3A_376 : i32
        %add3A_378 = arith.constant 0 : i32
        %add3A_379 = arith.addi %mul3A_377, %add3A_378 : i32
        %dma_start3A_380 = arith.constant 0 : i32
        %dma_start3A_381 = tpu.memref_slice %arg8[%add3A_379, %dma_start3A_380] : memref<80x128xi32, #tpu.memory_space<vmem>> -> memref<1x128xi32, #tpu.memory_space<vmem>>
        %dma_start3A_382 = tpu.memref_squeeze %dma_start3A_381 : memref<1x128xi32, #tpu.memory_space<vmem>> -> memref<128xi32, #tpu.memory_space<vmem>>
        %dma_start3A_383 = arith.constant 0 : i32
        %dma_start3A_384 = arith.constant 0 : i32
        %dma_start3A_385 = tpu.memref_slice %arg2[%dma_start3A_383, %dma_start3A_384] : memref<10112x48xf32, #tpu.memory_space<hbm>> -> memref<10112x48xf32, #tpu.memory_space<hbm>>
        tpu.enqueue_indirect_dma source(%dma_start3A_385 : memref<10112x48xf32, #tpu.memory_space<hbm>>) target(%arg10 : memref<128x48xf32, #tpu.memory_space<vmem>>) offsets(%dma_start3A_382 : memref<128xi32, #tpu.memory_space<vmem>>) semaphore(%arg21 : memref<!tpu.dma_semaphore, #tpu.memory_space<semaphore_mem>>)
        %mul3A_386 = arith.constant 5 : i32
        %mul3A_387 = arith.muli %add3A_375, %mul3A_386 : i32
        %add3A_388 = arith.constant 1 : i32
        %add3A_389 = arith.addi %mul3A_387, %add3A_388 : i32
        %dma_start3A_390 = arith.constant 0 : i32
        %dma_start3A_391 = tpu.memref_slice %arg8[%add3A_389, %dma_start3A_390] : memref<80x128xi32, #tpu.memory_space<vmem>> -> memref<1x128xi32, #tpu.memory_space<vmem>>
        %dma_start3A_392 = tpu.memref_squeeze %dma_start3A_391 : memref<1x128xi32, #tpu.memory_space<vmem>> -> memref<128xi32, #tpu.memory_space<vmem>>
        %dma_start3A_393 = arith.constant 0 : i32
        %dma_start3A_394 = arith.constant 0 : i32
        %dma_start3A_395 = tpu.memref_slice %arg2[%dma_start3A_393, %dma_start3A_394] : memref<10112x48xf32, #tpu.memory_space<hbm>> -> memref<10112x48xf32, #tpu.memory_space<hbm>>
        tpu.enqueue_indirect_dma source(%dma_start3A_395 : memref<10112x48xf32, #tpu.memory_space<hbm>>) target(%arg11 : memref<128x48xf32, #tpu.memory_space<vmem>>) offsets(%dma_start3A_392 : memref<128xi32, #tpu.memory_space<vmem>>) semaphore(%arg21 : memref<!tpu.dma_semaphore, #tpu.memory_space<semaphore_mem>>)
        %mul3A_396 = arith.constant 5 : i32
        %mul3A_397 = arith.muli %add3A_375, %mul3A_396 : i32
        %add3A_398 = arith.constant 2 : i32
        %add3A_399 = arith.addi %mul3A_397, %add3A_398 : i32
        %dma_start3A_400 = arith.constant 0 : i32
        %dma_start3A_401 = tpu.memref_slice %arg8[%add3A_399, %dma_start3A_400] : memref<80x128xi32, #tpu.memory_space<vmem>> -> memref<1x128xi32, #tpu.memory_space<vmem>>
        %dma_start3A_402 = tpu.memref_squeeze %dma_start3A_401 : memref<1x128xi32, #tpu.memory_space<vmem>> -> memref<128xi32, #tpu.memory_space<vmem>>
        %dma_start3A_403 = arith.constant 0 : i32
        %dma_start3A_404 = arith.constant 0 : i32
        %dma_start3A_405 = tpu.memref_slice %arg2[%dma_start3A_403, %dma_start3A_404] : memref<10112x48xf32, #tpu.memory_space<hbm>> -> memref<10112x48xf32, #tpu.memory_space<hbm>>
        tpu.enqueue_indirect_dma source(%dma_start3A_405 : memref<10112x48xf32, #tpu.memory_space<hbm>>) target(%arg12 : memref<128x48xf32, #tpu.memory_space<vmem>>) offsets(%dma_start3A_402 : memref<128xi32, #tpu.memory_space<vmem>>) semaphore(%arg21 : memref<!tpu.dma_semaphore, #tpu.memory_space<semaphore_mem>>)
        %mul3A_406 = arith.constant 5 : i32
        %mul3A_407 = arith.muli %add3A_375, %mul3A_406 : i32
        %add3A_408 = arith.constant 3 : i32
        %add3A_409 = arith.addi %mul3A_407, %add3A_408 : i32
        %dma_start3A_410 = arith.constant 0 : i32
        %dma_start3A_411 = tpu.memref_slice %arg8[%add3A_409, %dma_start3A_410] : memref<80x128xi32, #tpu.memory_space<vmem>> -> memref<1x128xi32, #tpu.memory_space<vmem>>
        %dma_start3A_412 = tpu.memref_squeeze %dma_start3A_411 : memref<1x128xi32, #tpu.memory_space<vmem>> -> memref<128xi32, #tpu.memory_space<vmem>>
        %dma_start3A_413 = arith.constant 0 : i32
        %dma_start3A_414 = arith.constant 0 : i32
        %dma_start3A_415 = tpu.memref_slice %arg2[%dma_start3A_413, %dma_start3A_414] : memref<10112x48xf32, #tpu.memory_space<hbm>> -> memref<10112x48xf32, #tpu.memory_space<hbm>>
        tpu.enqueue_indirect_dma source(%dma_start3A_415 : memref<10112x48xf32, #tpu.memory_space<hbm>>) target(%arg13 : memref<128x48xf32, #tpu.memory_space<vmem>>) offsets(%dma_start3A_412 : memref<128xi32, #tpu.memory_space<vmem>>) semaphore(%arg21 : memref<!tpu.dma_semaphore, #tpu.memory_space<semaphore_mem>>)
        %mul3A_416 = arith.constant 5 : i32
        %mul3A_417 = arith.muli %add3A_375, %mul3A_416 : i32
        %add3A_418 = arith.constant 4 : i32
        %add3A_419 = arith.addi %mul3A_417, %add3A_418 : i32
        %dma_start3A_420 = arith.constant 0 : i32
        %dma_start3A_421 = tpu.memref_slice %arg8[%add3A_419, %dma_start3A_420] : memref<80x128xi32, #tpu.memory_space<vmem>> -> memref<1x128xi32, #tpu.memory_space<vmem>>
        %dma_start3A_422 = tpu.memref_squeeze %dma_start3A_421 : memref<1x128xi32, #tpu.memory_space<vmem>> -> memref<128xi32, #tpu.memory_space<vmem>>
        %dma_start3A_423 = arith.constant 0 : i32
        %dma_start3A_424 = arith.constant 0 : i32
        %dma_start3A_425 = tpu.memref_slice %arg2[%dma_start3A_423, %dma_start3A_424] : memref<10112x48xf32, #tpu.memory_space<hbm>> -> memref<10112x48xf32, #tpu.memory_space<hbm>>
        tpu.enqueue_indirect_dma source(%dma_start3A_425 : memref<10112x48xf32, #tpu.memory_space<hbm>>) target(%arg14 : memref<128x48xf32, #tpu.memory_space<vmem>>) offsets(%dma_start3A_422 : memref<128xi32, #tpu.memory_space<vmem>>) semaphore(%arg21 : memref<!tpu.dma_semaphore, #tpu.memory_space<semaphore_mem>>)
      } else {
      }
      %dma_wait3A_257 = arith.constant 0 : i32
      %dma_wait3A_258 = arith.constant 0 : i32
      %dma_wait3A_259 = tpu.memref_slice %arg8[%dma_wait3A_257, %dma_wait3A_258] : memref<80x128xi32, #tpu.memory_space<vmem>> -> memref<1x128xi32, #tpu.memory_space<vmem>>
      %dma_wait3A_260 = tpu.memref_squeeze %dma_wait3A_259 : memref<1x128xi32, #tpu.memory_space<vmem>> -> memref<128xi32, #tpu.memory_space<vmem>>
      %dma_wait3A_261 = arith.constant 0 : i32
      %dma_wait3A_262 = arith.constant 0 : i32
      %dma_wait3A_263 = tpu.memref_slice %arg2[%dma_wait3A_261, %dma_wait3A_262] : memref<10112x48xf32, #tpu.memory_space<hbm>> -> memref<10112x48xf32, #tpu.memory_space<hbm>>
      tpu.wait_indirect_dma semaphore(%arg22 : memref<!tpu.dma_semaphore, #tpu.memory_space<semaphore_mem>>) src(%dma_wait3A_263 : memref<10112x48xf32, #tpu.memory_space<hbm>>) dst(%arg15 : memref<128x48xf32, #tpu.memory_space<vmem>>)
      %dma_wait3A_264 = arith.constant 0 : i32
      %dma_wait3A_265 = arith.constant 0 : i32
      %dma_wait3A_266 = tpu.memref_slice %arg8[%dma_wait3A_264, %dma_wait3A_265] : memref<80x128xi32, #tpu.memory_space<vmem>> -> memref<1x128xi32, #tpu.memory_space<vmem>>
      %dma_wait3A_267 = tpu.memref_squeeze %dma_wait3A_266 : memref<1x128xi32, #tpu.memory_space<vmem>> -> memref<128xi32, #tpu.memory_space<vmem>>
      %dma_wait3A_268 = arith.constant 0 : i32
      %dma_wait3A_269 = arith.constant 0 : i32
      %dma_wait3A_270 = tpu.memref_slice %arg2[%dma_wait3A_268, %dma_wait3A_269] : memref<10112x48xf32, #tpu.memory_space<hbm>> -> memref<10112x48xf32, #tpu.memory_space<hbm>>
      tpu.wait_indirect_dma semaphore(%arg22 : memref<!tpu.dma_semaphore, #tpu.memory_space<semaphore_mem>>) src(%dma_wait3A_270 : memref<10112x48xf32, #tpu.memory_space<hbm>>) dst(%arg16 : memref<128x48xf32, #tpu.memory_space<vmem>>)
      %dma_wait3A_271 = arith.constant 0 : i32
      %dma_wait3A_272 = arith.constant 0 : i32
      %dma_wait3A_273 = tpu.memref_slice %arg8[%dma_wait3A_271, %dma_wait3A_272] : memref<80x128xi32, #tpu.memory_space<vmem>> -> memref<1x128xi32, #tpu.memory_space<vmem>>
      %dma_wait3A_274 = tpu.memref_squeeze %dma_wait3A_273 : memref<1x128xi32, #tpu.memory_space<vmem>> -> memref<128xi32, #tpu.memory_space<vmem>>
      %dma_wait3A_275 = arith.constant 0 : i32
      %dma_wait3A_276 = arith.constant 0 : i32
      %dma_wait3A_277 = tpu.memref_slice %arg2[%dma_wait3A_275, %dma_wait3A_276] : memref<10112x48xf32, #tpu.memory_space<hbm>> -> memref<10112x48xf32, #tpu.memory_space<hbm>>
      tpu.wait_indirect_dma semaphore(%arg22 : memref<!tpu.dma_semaphore, #tpu.memory_space<semaphore_mem>>) src(%dma_wait3A_277 : memref<10112x48xf32, #tpu.memory_space<hbm>>) dst(%arg17 : memref<128x48xf32, #tpu.memory_space<vmem>>)
      %dma_wait3A_278 = arith.constant 0 : i32
      %dma_wait3A_279 = arith.constant 0 : i32
      %dma_wait3A_280 = tpu.memref_slice %arg8[%dma_wait3A_278, %dma_wait3A_279] : memref<80x128xi32, #tpu.memory_space<vmem>> -> memref<1x128xi32, #tpu.memory_space<vmem>>
      %dma_wait3A_281 = tpu.memref_squeeze %dma_wait3A_280 : memref<1x128xi32, #tpu.memory_space<vmem>> -> memref<128xi32, #tpu.memory_space<vmem>>
      %dma_wait3A_282 = arith.constant 0 : i32
      %dma_wait3A_283 = arith.constant 0 : i32
      %dma_wait3A_284 = tpu.memref_slice %arg2[%dma_wait3A_282, %dma_wait3A_283] : memref<10112x48xf32, #tpu.memory_space<hbm>> -> memref<10112x48xf32, #tpu.memory_space<hbm>>
      tpu.wait_indirect_dma semaphore(%arg22 : memref<!tpu.dma_semaphore, #tpu.memory_space<semaphore_mem>>) src(%dma_wait3A_284 : memref<10112x48xf32, #tpu.memory_space<hbm>>) dst(%arg18 : memref<128x48xf32, #tpu.memory_space<vmem>>)
      %dma_wait3A_285 = arith.constant 0 : i32
      %dma_wait3A_286 = arith.constant 0 : i32
      %dma_wait3A_287 = tpu.memref_slice %arg8[%dma_wait3A_285, %dma_wait3A_286] : memref<80x128xi32, #tpu.memory_space<vmem>> -> memref<1x128xi32, #tpu.memory_space<vmem>>
      %dma_wait3A_288 = tpu.memref_squeeze %dma_wait3A_287 : memref<1x128xi32, #tpu.memory_space<vmem>> -> memref<128xi32, #tpu.memory_space<vmem>>
      %dma_wait3A_289 = arith.constant 0 : i32
      %dma_wait3A_290 = arith.constant 0 : i32
      %dma_wait3A_291 = tpu.memref_slice %arg2[%dma_wait3A_289, %dma_wait3A_290] : memref<10112x48xf32, #tpu.memory_space<hbm>> -> memref<10112x48xf32, #tpu.memory_space<hbm>>
      tpu.wait_indirect_dma semaphore(%arg22 : memref<!tpu.dma_semaphore, #tpu.memory_space<semaphore_mem>>) src(%dma_wait3A_291 : memref<10112x48xf32, #tpu.memory_space<hbm>>) dst(%arg19 : memref<128x48xf32, #tpu.memory_space<vmem>>)
      %add3A_292 = arith.constant 1 : i32
      %add3A_293 = arith.addi %mul3A_83, %add3A_292 : i32
      %mul3A_294 = arith.constant 5 : i32
      %mul3A_295 = arith.muli %add3A_293, %mul3A_294 : i32
      %add3A_296 = arith.constant 0 : i32
      %add3A_297 = arith.addi %mul3A_295, %add3A_296 : i32
      %dma_start3A_298 = arith.constant 0 : i32
      %dma_start3A_299 = tpu.memref_slice %arg9[%add3A_297, %dma_start3A_298] : memref<80x128xi32, #tpu.memory_space<vmem>> -> memref<1x128xi32, #tpu.memory_space<vmem>>
      %dma_start3A_300 = tpu.memref_squeeze %dma_start3A_299 : memref<1x128xi32, #tpu.memory_space<vmem>> -> memref<128xi32, #tpu.memory_space<vmem>>
      %dma_start3A_301 = arith.constant 0 : i32
      %dma_start3A_302 = arith.constant 0 : i32
      %dma_start3A_303 = tpu.memref_slice %arg20[%dma_start3A_301, %dma_start3A_302] : memref<10112x48xf32, #tpu.memory_space<vmem_shared>> -> memref<10112x48xf32, #tpu.memory_space<vmem_shared>>
      tpu.enqueue_indirect_dma source(%arg15 : memref<128x48xf32, #tpu.memory_space<vmem>>) target(%dma_start3A_303 : memref<10112x48xf32, #tpu.memory_space<vmem_shared>>) offsets(%dma_start3A_300 : memref<128xi32, #tpu.memory_space<vmem>>) semaphore(%arg24 : memref<!tpu.dma_semaphore, #tpu.memory_space<semaphore_mem>>) {add = true}
      %mul3A_304 = arith.constant 5 : i32
      %mul3A_305 = arith.muli %add3A_293, %mul3A_304 : i32
      %add3A_306 = arith.constant 1 : i32
      %add3A_307 = arith.addi %mul3A_305, %add3A_306 : i32
      %dma_start3A_308 = arith.constant 0 : i32
      %dma_start3A_309 = tpu.memref_slice %arg9[%add3A_307, %dma_start3A_308] : memref<80x128xi32, #tpu.memory_space<vmem>> -> memref<1x128xi32, #tpu.memory_space<vmem>>
      %dma_start3A_310 = tpu.memref_squeeze %dma_start3A_309 : memref<1x128xi32, #tpu.memory_space<vmem>> -> memref<128xi32, #tpu.memory_space<vmem>>
      %dma_start3A_311 = arith.constant 0 : i32
      %dma_start3A_312 = arith.constant 0 : i32
      %dma_start3A_313 = tpu.memref_slice %arg20[%dma_start3A_311, %dma_start3A_312] : memref<10112x48xf32, #tpu.memory_space<vmem_shared>> -> memref<10112x48xf32, #tpu.memory_space<vmem_shared>>
      tpu.enqueue_indirect_dma source(%arg16 : memref<128x48xf32, #tpu.memory_space<vmem>>) target(%dma_start3A_313 : memref<10112x48xf32, #tpu.memory_space<vmem_shared>>) offsets(%dma_start3A_310 : memref<128xi32, #tpu.memory_space<vmem>>) semaphore(%arg24 : memref<!tpu.dma_semaphore, #tpu.memory_space<semaphore_mem>>) {add = true}
      %mul3A_314 = arith.constant 5 : i32
      %mul3A_315 = arith.muli %add3A_293, %mul3A_314 : i32
      %add3A_316 = arith.constant 2 : i32
      %add3A_317 = arith.addi %mul3A_315, %add3A_316 : i32
      %dma_start3A_318 = arith.constant 0 : i32
      %dma_start3A_319 = tpu.memref_slice %arg9[%add3A_317, %dma_start3A_318] : memref<80x128xi32, #tpu.memory_space<vmem>> -> memref<1x128xi32, #tpu.memory_space<vmem>>
      %dma_start3A_320 = tpu.memref_squeeze %dma_start3A_319 : memref<1x128xi32, #tpu.memory_space<vmem>> -> memref<128xi32, #tpu.memory_space<vmem>>
      %dma_start3A_321 = arith.constant 0 : i32
      %dma_start3A_322 = arith.constant 0 : i32
      %dma_start3A_323 = tpu.memref_slice %arg20[%dma_start3A_321, %dma_start3A_322] : memref<10112x48xf32, #tpu.memory_space<vmem_shared>> -> memref<10112x48xf32, #tpu.memory_space<vmem_shared>>
      tpu.enqueue_indirect_dma source(%arg17 : memref<128x48xf32, #tpu.memory_space<vmem>>) target(%dma_start3A_323 : memref<10112x48xf32, #tpu.memory_space<vmem_shared>>) offsets(%dma_start3A_320 : memref<128xi32, #tpu.memory_space<vmem>>) semaphore(%arg24 : memref<!tpu.dma_semaphore, #tpu.memory_space<semaphore_mem>>) {add = true}
      %mul3A_324 = arith.constant 5 : i32
      %mul3A_325 = arith.muli %add3A_293, %mul3A_324 : i32
      %add3A_326 = arith.constant 3 : i32
      %add3A_327 = arith.addi %mul3A_325, %add3A_326 : i32
      %dma_start3A_328 = arith.constant 0 : i32
      %dma_start3A_329 = tpu.memref_slice %arg9[%add3A_327, %dma_start3A_328] : memref<80x128xi32, #tpu.memory_space<vmem>> -> memref<1x128xi32, #tpu.memory_space<vmem>>
      %dma_start3A_330 = tpu.memref_squeeze %dma_start3A_329 : memref<1x128xi32, #tpu.memory_space<vmem>> -> memref<128xi32, #tpu.memory_space<vmem>>
      %dma_start3A_331 = arith.constant 0 : i32
      %dma_start3A_332 = arith.constant 0 : i32
      %dma_start3A_333 = tpu.memref_slice %arg20[%dma_start3A_331, %dma_start3A_332] : memref<10112x48xf32, #tpu.memory_space<vmem_shared>> -> memref<10112x48xf32, #tpu.memory_space<vmem_shared>>
      tpu.enqueue_indirect_dma source(%arg18 : memref<128x48xf32, #tpu.memory_space<vmem>>) target(%dma_start3A_333 : memref<10112x48xf32, #tpu.memory_space<vmem_shared>>) offsets(%dma_start3A_330 : memref<128xi32, #tpu.memory_space<vmem>>) semaphore(%arg24 : memref<!tpu.dma_semaphore, #tpu.memory_space<semaphore_mem>>) {add = true}
      %mul3A_334 = arith.constant 5 : i32
      %mul3A_335 = arith.muli %add3A_293, %mul3A_334 : i32
      %add3A_336 = arith.constant 4 : i32
      %add3A_337 = arith.addi %mul3A_335, %add3A_336 : i32
      %dma_start3A_338 = arith.constant 0 : i32
      %dma_start3A_339 = tpu.memref_slice %arg9[%add3A_337, %dma_start3A_338] : memref<80x128xi32, #tpu.memory_space<vmem>> -> memref<1x128xi32, #tpu.memory_space<vmem>>
      %dma_start3A_340 = tpu.memref_squeeze %dma_start3A_339 : memref<1x128xi32, #tpu.memory_space<vmem>> -> memref<128xi32, #tpu.memory_space<vmem>>
      %dma_start3A_341 = arith.constant 0 : i32
      %dma_start3A_342 = arith.constant 0 : i32
      %dma_start3A_343 = tpu.memref_slice %arg20[%dma_start3A_341, %dma_start3A_342] : memref<10112x48xf32, #tpu.memory_space<vmem_shared>> -> memref<10112x48xf32, #tpu.memory_space<vmem_shared>>
      tpu.enqueue_indirect_dma source(%arg19 : memref<128x48xf32, #tpu.memory_space<vmem>>) target(%dma_start3A_343 : memref<10112x48xf32, #tpu.memory_space<vmem_shared>>) offsets(%dma_start3A_340 : memref<128xi32, #tpu.memory_space<vmem>>) semaphore(%arg24 : memref<!tpu.dma_semaphore, #tpu.memory_space<semaphore_mem>>) {add = true}
      %dma_wait3A_344 = arith.constant 0 : i32
      %dma_wait3A_345 = tpu.memref_slice %arg9[%add3A_297, %dma_wait3A_344] : memref<80x128xi32, #tpu.memory_space<vmem>> -> memref<1x128xi32, #tpu.memory_space<vmem>>
      %dma_wait3A_346 = tpu.memref_squeeze %dma_wait3A_345 : memref<1x128xi32, #tpu.memory_space<vmem>> -> memref<128xi32, #tpu.memory_space<vmem>>
      %dma_wait3A_347 = arith.constant 0 : i32
      %dma_wait3A_348 = arith.constant 0 : i32
      %dma_wait3A_349 = tpu.memref_slice %arg20[%dma_wait3A_347, %dma_wait3A_348] : memref<10112x48xf32, #tpu.memory_space<vmem_shared>> -> memref<10112x48xf32, #tpu.memory_space<vmem_shared>>
      tpu.wait_indirect_dma semaphore(%arg24 : memref<!tpu.dma_semaphore, #tpu.memory_space<semaphore_mem>>) src(%arg15 : memref<128x48xf32, #tpu.memory_space<vmem>>) dst(%dma_wait3A_349 : memref<10112x48xf32, #tpu.memory_space<vmem_shared>>)
      %dma_wait3A_350 = arith.constant 0 : i32
      %dma_wait3A_351 = tpu.memref_slice %arg9[%add3A_307, %dma_wait3A_350] : memref<80x128xi32, #tpu.memory_space<vmem>> -> memref<1x128xi32, #tpu.memory_space<vmem>>
      %dma_wait3A_352 = tpu.memref_squeeze %dma_wait3A_351 : memref<1x128xi32, #tpu.memory_space<vmem>> -> memref<128xi32, #tpu.memory_space<vmem>>
      %dma_wait3A_353 = arith.constant 0 : i32
      %dma_wait3A_354 = arith.constant 0 : i32
      %dma_wait3A_355 = tpu.memref_slice %arg20[%dma_wait3A_353, %dma_wait3A_354] : memref<10112x48xf32, #tpu.memory_space<vmem_shared>> -> memref<10112x48xf32, #tpu.memory_space<vmem_shared>>
      tpu.wait_indirect_dma semaphore(%arg24 : memref<!tpu.dma_semaphore, #tpu.memory_space<semaphore_mem>>) src(%arg16 : memref<128x48xf32, #tpu.memory_space<vmem>>) dst(%dma_wait3A_355 : memref<10112x48xf32, #tpu.memory_space<vmem_shared>>)
      %dma_wait3A_356 = arith.constant 0 : i32
      %dma_wait3A_357 = tpu.memref_slice %arg9[%add3A_317, %dma_wait3A_356] : memref<80x128xi32, #tpu.memory_space<vmem>> -> memref<1x128xi32, #tpu.memory_space<vmem>>
      %dma_wait3A_358 = tpu.memref_squeeze %dma_wait3A_357 : memref<1x128xi32, #tpu.memory_space<vmem>> -> memref<128xi32, #tpu.memory_space<vmem>>
      %dma_wait3A_359 = arith.constant 0 : i32
      %dma_wait3A_360 = arith.constant 0 : i32
      %dma_wait3A_361 = tpu.memref_slice %arg20[%dma_wait3A_359, %dma_wait3A_360] : memref<10112x48xf32, #tpu.memory_space<vmem_shared>> -> memref<10112x48xf32, #tpu.memory_space<vmem_shared>>
      tpu.wait_indirect_dma semaphore(%arg24 : memref<!tpu.dma_semaphore, #tpu.memory_space<semaphore_mem>>) src(%arg17 : memref<128x48xf32, #tpu.memory_space<vmem>>) dst(%dma_wait3A_361 : memref<10112x48xf32, #tpu.memory_space<vmem_shared>>)
      %dma_wait3A_362 = arith.constant 0 : i32
      %dma_wait3A_363 = tpu.memref_slice %arg9[%add3A_327, %dma_wait3A_362] : memref<80x128xi32, #tpu.memory_space<vmem>> -> memref<1x128xi32, #tpu.memory_space<vmem>>
      %dma_wait3A_364 = tpu.memref_squeeze %dma_wait3A_363 : memref<1x128xi32, #tpu.memory_space<vmem>> -> memref<128xi32, #tpu.memory_space<vmem>>
      %dma_wait3A_365 = arith.constant 0 : i32
      %dma_wait3A_366 = arith.constant 0 : i32
      %dma_wait3A_367 = tpu.memref_slice %arg20[%dma_wait3A_365, %dma_wait3A_366] : memref<10112x48xf32, #tpu.memory_space<vmem_shared>> -> memref<10112x48xf32, #tpu.memory_space<vmem_shared>>
      tpu.wait_indirect_dma semaphore(%arg24 : memref<!tpu.dma_semaphore, #tpu.memory_space<semaphore_mem>>) src(%arg18 : memref<128x48xf32, #tpu.memory_space<vmem>>) dst(%dma_wait3A_367 : memref<10112x48xf32, #tpu.memory_space<vmem_shared>>)
      %dma_wait3A_368 = arith.constant 0 : i32
      %dma_wait3A_369 = tpu.memref_slice %arg9[%add3A_337, %dma_wait3A_368] : memref<80x128xi32, #tpu.memory_space<vmem>> -> memref<1x128xi32, #tpu.memory_space<vmem>>
      %dma_wait3A_370 = tpu.memref_squeeze %dma_wait3A_369 : memref<1x128xi32, #tpu.memory_space<vmem>> -> memref<128xi32, #tpu.memory_space<vmem>>
      %dma_wait3A_371 = arith.constant 0 : i32
      %dma_wait3A_372 = arith.constant 0 : i32
      %dma_wait3A_373 = tpu.memref_slice %arg20[%dma_wait3A_371, %dma_wait3A_372] : memref<10112x48xf32, #tpu.memory_space<vmem_shared>> -> memref<10112x48xf32, #tpu.memory_space<vmem_shared>>
      tpu.wait_indirect_dma semaphore(%arg24 : memref<!tpu.dma_semaphore, #tpu.memory_space<semaphore_mem>>) src(%arg19 : memref<128x48xf32, #tpu.memory_space<vmem>>) dst(%dma_wait3A_373 : memref<10112x48xf32, #tpu.memory_space<vmem_shared>>)
    }
    %scan3A_72 = arith.constant 8 : i32
    %barrier3A_73 = arith.constant 0 : index
    tpu.barrier barrier_id(%barrier3A_73)
    %eq3A = arith.constant 0 : i32
    %eq3A_74 = arith.cmpi eq, %arg0, %eq3A : i32
    %convert_element_type3A = arith.extui %eq3A_74 : i1 to i32
    %cond3A = arith.constant 0 : i32
    %cond3A_75 = arith.cmpi ne, %convert_element_type3A, %cond3A : i32
    scf.if %cond3A_75 {
      "tpu.region"() ({
        %run_scoped3A = tpu.sem_alloc : memref<!tpu.dma_semaphore, #tpu.memory_space<semaphore_mem>>
        %dma_start3A_81 = arith.constant 0 : i32
        %dma_start3A_82 = tpu.memref_slice %arg6[%mul3A_2, %dma_start3A_81] : memref<10112x48xf32, #tpu.memory_space<hbm>> -> memref<632x48xf32, #tpu.memory_space<hbm>>
        %dma_start3A_83 = arith.constant 0 : i32
        %dma_start3A_84 = tpu.memref_slice %arg20[%mul3A_2, %dma_start3A_83] : memref<10112x48xf32, #tpu.memory_space<vmem_shared>> -> memref<632x48xf32, #tpu.memory_space<vmem_shared>>
        tpu.enqueue_dma source(%dma_start3A_84 : memref<632x48xf32, #tpu.memory_space<vmem_shared>>) target(%dma_start3A_82 : memref<632x48xf32, #tpu.memory_space<hbm>>) target_semaphore(%run_scoped3A : memref<!tpu.dma_semaphore, #tpu.memory_space<semaphore_mem>>)
        %dma_wait3A_85 = arith.constant 0 : i32
        %dma_wait3A_86 = tpu.memref_slice %arg6[%mul3A_2, %dma_wait3A_85] : memref<10112x48xf32, #tpu.memory_space<hbm>> -> memref<632x48xf32, #tpu.memory_space<hbm>>
        %dma_wait3A_87 = arith.constant 0 : i32
        %dma_wait3A_88 = tpu.memref_slice %arg20[%mul3A_2, %dma_wait3A_87] : memref<10112x48xf32, #tpu.memory_space<vmem_shared>> -> memref<632x48xf32, #tpu.memory_space<vmem_shared>>
        tpu.wait_dma2 semaphore(%run_scoped3A : memref<!tpu.dma_semaphore, #tpu.memory_space<semaphore_mem>>) src(%dma_wait3A_88 : memref<632x48xf32, #tpu.memory_space<vmem_shared>>) dst(%dma_wait3A_86 : memref<632x48xf32, #tpu.memory_space<hbm>>)
        tpu.yield
      }) : () -> ()
    } else {
    }
    %eq3A_76 = arith.constant 1 : i32
    %eq3A_77 = arith.cmpi eq, %arg0, %eq3A_76 : i32
    %convert_element_type3A_78 = arith.extui %eq3A_77 : i1 to i32
    %cond3A_79 = arith.constant 0 : i32
    %cond3A_80 = arith.cmpi ne, %convert_element_type3A_78, %cond3A_79 : i32
    scf.if %cond3A_80 {
      "tpu.region"() ({
        %run_scoped3A = tpu.sem_alloc : memref<!tpu.dma_semaphore, #tpu.memory_space<semaphore_mem>>
        %dma_start3A_81 = arith.constant 0 : i32
        %dma_start3A_82 = tpu.memref_slice %arg7[%mul3A_2, %dma_start3A_81] : memref<10112x48xf32, #tpu.memory_space<hbm>> -> memref<632x48xf32, #tpu.memory_space<hbm>>
        %dma_start3A_83 = arith.constant 0 : i32
        %dma_start3A_84 = tpu.memref_slice %arg20[%mul3A_2, %dma_start3A_83] : memref<10112x48xf32, #tpu.memory_space<vmem_shared>> -> memref<632x48xf32, #tpu.memory_space<vmem_shared>>
        tpu.enqueue_dma source(%dma_start3A_84 : memref<632x48xf32, #tpu.memory_space<vmem_shared>>) target(%dma_start3A_82 : memref<632x48xf32, #tpu.memory_space<hbm>>) target_semaphore(%run_scoped3A : memref<!tpu.dma_semaphore, #tpu.memory_space<semaphore_mem>>)
        %dma_wait3A_85 = arith.constant 0 : i32
        %dma_wait3A_86 = tpu.memref_slice %arg7[%mul3A_2, %dma_wait3A_85] : memref<10112x48xf32, #tpu.memory_space<hbm>> -> memref<632x48xf32, #tpu.memory_space<hbm>>
        %dma_wait3A_87 = arith.constant 0 : i32
        %dma_wait3A_88 = tpu.memref_slice %arg20[%mul3A_2, %dma_wait3A_87] : memref<10112x48xf32, #tpu.memory_space<vmem_shared>> -> memref<632x48xf32, #tpu.memory_space<vmem_shared>>
        tpu.wait_dma2 semaphore(%run_scoped3A : memref<!tpu.dma_semaphore, #tpu.memory_space<semaphore_mem>>) src(%dma_wait3A_88 : memref<632x48xf32, #tpu.memory_space<vmem_shared>>) dst(%dma_wait3A_86 : memref<632x48xf32, #tpu.memory_space<hbm>>)
        tpu.yield
      }) : () -> ()
    } else {
    }
    return
  }
}

#map = affine_map<(d0, d1) -> (0, 0)>
#map1 = affine_map<(d0, d1) -> (0, 0, 0)>
module attributes {stable_mosaic.version = 14 : i64} {
  func.func @_scatter_kernel(%arg0: i32, %arg1: i32, %arg2: memref<10112x48xf32, #tpu.memory_space<hbm>>, %arg3: memref<32x80x128xi32, #tpu.memory_space<hbm>>, %arg4: memref<32x80x128xi32, #tpu.memory_space<hbm>>, %arg5: memref<632x48xf32, #tpu.memory_space<hbm>>, %arg6: memref<10112x48xf32, #tpu.memory_space<hbm>>, %arg7: memref<10112x48xf32, #tpu.memory_space<hbm>>, %arg8: memref<80x128xi32, #tpu.memory_space<vmem>>, %arg9: memref<80x128xi32, #tpu.memory_space<vmem>>, %arg10: memref<128x48xf32, #tpu.memory_space<vmem>>, %arg11: memref<128x48xf32, #tpu.memory_space<vmem>>, %arg12: memref<128x48xf32, #tpu.memory_space<vmem>>, %arg13: memref<128x48xf32, #tpu.memory_space<vmem>>, %arg14: memref<128x48xf32, #tpu.memory_space<vmem>>, %arg15: memref<128x48xf32, #tpu.memory_space<vmem>>, %arg16: memref<128x48xf32, #tpu.memory_space<vmem>>, %arg17: memref<128x48xf32, #tpu.memory_space<vmem>>, %arg18: memref<128x48xf32, #tpu.memory_space<vmem>>, %arg19: memref<128x48xf32, #tpu.memory_space<vmem>>, %arg20: memref<10112x48xf32, #tpu.memory_space<vmem_shared>>, %arg21: memref<!tpu.dma_semaphore, #tpu.memory_space<semaphore_mem>>, %arg22: memref<!tpu.dma_semaphore, #tpu.memory_space<semaphore_mem>>, %arg23: memref<!tpu.dma_semaphore, #tpu.memory_space<semaphore_mem>>, %arg24: memref<!tpu.dma_semaphore, #tpu.memory_space<semaphore_mem>>) attributes {dimension_semantics = [#tpu.dimension_semantics<core_parallel>, #tpu.dimension_semantics<subcore_parallel>], iteration_bounds = array<i64: 2, 16>, scalar_prefetch = 0 : i64, scratch_operands = 17 : i64, tpu.core_type = #tpu.core_type<sc_vector_subcore>, window_params = [{transform_indices = #map}, {transform_indices = #map1}, {transform_indices = #map1}, {transform_indices = #map}, {transform_indices = #map}, {transform_indices = #map}]} {
    %mul3A = arith.constant 16 : i32
    %mul3A_0 = arith.muli %arg0, %mul3A : i32
    %add3A = arith.addi %mul3A_0, %arg1 : i32
    %mul3A_1 = arith.constant 632 : i32
    %mul3A_2 = arith.muli %arg1, %mul3A_1 : i32
    %dma_start3A = arith.constant 0 : i32
    %dma_start3A_3 = arith.constant 0 : i32
    %dma_start3A_4 = tpu.memref_slice %arg3[%add3A, %dma_start3A, %dma_start3A_3] : memref<32x80x128xi32, #tpu.memory_space<hbm>> -> memref<1x80x128xi32, #tpu.memory_space<hbm>>
    %dma_start3A_5 = tpu.memref_squeeze %dma_start3A_4 : memref<1x80x128xi32, #tpu.memory_space<hbm>> -> memref<80x128xi32, #tpu.memory_space<hbm>>
    %dma_start3A_6 = arith.constant 0 : i32
    %dma_start3A_7 = arith.constant 0 : i32
    %dma_start3A_8 = tpu.memref_slice %arg3[%add3A, %dma_start3A_6, %dma_start3A_7] : memref<32x80x128xi32, #tpu.memory_space<hbm>> -> memref<1x80x128xi32, #tpu.memory_space<hbm>>
    %dma_start3A_9 = tpu.memref_squeeze %dma_start3A_8 : memref<1x80x128xi32, #tpu.memory_space<hbm>> -> memref<80x128xi32, #tpu.memory_space<hbm>>
    tpu.enqueue_dma source(%dma_start3A_9 : memref<80x128xi32, #tpu.memory_space<hbm>>) target(%arg8 : memref<80x128xi32, #tpu.memory_space<vmem>>) target_semaphore(%arg21 : memref<!tpu.dma_semaphore, #tpu.memory_space<semaphore_mem>>)
    %dma_start3A_10 = arith.constant 0 : i32
    %dma_start3A_11 = arith.constant 0 : i32
    %dma_start3A_12 = tpu.memref_slice %arg4[%add3A, %dma_start3A_10, %dma_start3A_11] : memref<32x80x128xi32, #tpu.memory_space<hbm>> -> memref<1x80x128xi32, #tpu.memory_space<hbm>>
    %dma_start3A_13 = tpu.memref_squeeze %dma_start3A_12 : memref<1x80x128xi32, #tpu.memory_space<hbm>> -> memref<80x128xi32, #tpu.memory_space<hbm>>
    %dma_start3A_14 = arith.constant 0 : i32
    %dma_start3A_15 = arith.constant 0 : i32
    %dma_start3A_16 = tpu.memref_slice %arg4[%add3A, %dma_start3A_14, %dma_start3A_15] : memref<32x80x128xi32, #tpu.memory_space<hbm>> -> memref<1x80x128xi32, #tpu.memory_space<hbm>>
    %dma_start3A_17 = tpu.memref_squeeze %dma_start3A_16 : memref<1x80x128xi32, #tpu.memory_space<hbm>> -> memref<80x128xi32, #tpu.memory_space<hbm>>
    tpu.enqueue_dma source(%dma_start3A_17 : memref<80x128xi32, #tpu.memory_space<hbm>>) target(%arg9 : memref<80x128xi32, #tpu.memory_space<vmem>>) target_semaphore(%arg23 : memref<!tpu.dma_semaphore, #tpu.memory_space<semaphore_mem>>)
    "tpu.region"() ({
      %run_scoped3A = tpu.sem_alloc : memref<!tpu.dma_semaphore, #tpu.memory_space<semaphore_mem>>
      %dma_start3A_81 = arith.constant 0 : i32
      %dma_start3A_82 = tpu.memref_slice %arg20[%mul3A_2, %dma_start3A_81] : memref<10112x48xf32, #tpu.memory_space<vmem_shared>> -> memref<632x48xf32, #tpu.memory_space<vmem_shared>>
      tpu.enqueue_dma source(%arg5 : memref<632x48xf32, #tpu.memory_space<hbm>>) target(%dma_start3A_82 : memref<632x48xf32, #tpu.memory_space<vmem_shared>>) target_semaphore(%run_scoped3A : memref<!tpu.dma_semaphore, #tpu.memory_space<semaphore_mem>>)
      %dma_wait3A_83 = arith.constant 0 : i32
      %dma_wait3A_84 = tpu.memref_slice %arg20[%mul3A_2, %dma_wait3A_83] : memref<10112x48xf32, #tpu.memory_space<vmem_shared>> -> memref<632x48xf32, #tpu.memory_space<vmem_shared>>
      tpu.wait_dma2 semaphore(%run_scoped3A : memref<!tpu.dma_semaphore, #tpu.memory_space<semaphore_mem>>) src(%arg5 : memref<632x48xf32, #tpu.memory_space<hbm>>) dst(%dma_wait3A_84 : memref<632x48xf32, #tpu.memory_space<vmem_shared>>)
      tpu.yield
    }) : () -> ()
    %dma_wait3A = arith.constant 0 : i32
    %dma_wait3A_18 = arith.constant 0 : i32
    %dma_wait3A_19 = tpu.memref_slice %arg3[%add3A, %dma_wait3A, %dma_wait3A_18] : memref<32x80x128xi32, #tpu.memory_space<hbm>> -> memref<1x80x128xi32, #tpu.memory_space<hbm>>
    %dma_wait3A_20 = tpu.memref_squeeze %dma_wait3A_19 : memref<1x80x128xi32, #tpu.memory_space<hbm>> -> memref<80x128xi32, #tpu.memory_space<hbm>>
    %dma_wait3A_21 = arith.constant 0 : i32
    %dma_wait3A_22 = arith.constant 0 : i32
    %dma_wait3A_23 = tpu.memref_slice %arg3[%add3A, %dma_wait3A_21, %dma_wait3A_22] : memref<32x80x128xi32, #tpu.memory_space<hbm>> -> memref<1x80x128xi32, #tpu.memory_space<hbm>>
    %dma_wait3A_24 = tpu.memref_squeeze %dma_wait3A_23 : memref<1x80x128xi32, #tpu.memory_space<hbm>> -> memref<80x128xi32, #tpu.memory_space<hbm>>
    tpu.wait_dma2 semaphore(%arg21 : memref<!tpu.dma_semaphore, #tpu.memory_space<semaphore_mem>>) src(%dma_wait3A_24 : memref<80x128xi32, #tpu.memory_space<hbm>>) dst(%arg8 : memref<80x128xi32, #tpu.memory_space<vmem>>)
    %dma_wait3A_25 = arith.constant 0 : i32
    %dma_wait3A_26 = arith.constant 0 : i32
    %dma_wait3A_27 = tpu.memref_slice %arg4[%add3A, %dma_wait3A_25, %dma_wait3A_26] : memref<32x80x128xi32, #tpu.memory_space<hbm>> -> memref<1x80x128xi32, #tpu.memory_space<hbm>>
    %dma_wait3A_28 = tpu.memref_squeeze %dma_wait3A_27 : memref<1x80x128xi32, #tpu.memory_space<hbm>> -> memref<80x128xi32, #tpu.memory_space<hbm>>
    %dma_wait3A_29 = arith.constant 0 : i32
    %dma_wait3A_30 = arith.constant 0 : i32
    %dma_wait3A_31 = tpu.memref_slice %arg4[%add3A, %dma_wait3A_29, %dma_wait3A_30] : memref<32x80x128xi32, #tpu.memory_space<hbm>> -> memref<1x80x128xi32, #tpu.memory_space<hbm>>
    %dma_wait3A_32 = tpu.memref_squeeze %dma_wait3A_31 : memref<1x80x128xi32, #tpu.memory_space<hbm>> -> memref<80x128xi32, #tpu.memory_space<hbm>>
    tpu.wait_dma2 semaphore(%arg23 : memref<!tpu.dma_semaphore, #tpu.memory_space<semaphore_mem>>) src(%dma_wait3A_32 : memref<80x128xi32, #tpu.memory_space<hbm>>) dst(%arg9 : memref<80x128xi32, #tpu.memory_space<vmem>>)
    %barrier3A = arith.constant 0 : index
    tpu.barrier barrier_id(%barrier3A)
    %dma_start3A_33 = arith.constant 0 : i32
    %dma_start3A_34 = arith.constant 0 : i32
    %dma_start3A_35 = tpu.memref_slice %arg8[%dma_start3A_33, %dma_start3A_34] : memref<80x128xi32, #tpu.memory_space<vmem>> -> memref<1x128xi32, #tpu.memory_space<vmem>>
    %dma_start3A_36 = tpu.memref_squeeze %dma_start3A_35 : memref<1x128xi32, #tpu.memory_space<vmem>> -> memref<128xi32, #tpu.memory_space<vmem>>
    %dma_start3A_37 = arith.constant 0 : i32
    %dma_start3A_38 = arith.constant 0 : i32
    %dma_start3A_39 = tpu.memref_slice %arg2[%dma_start3A_37, %dma_start3A_38] : memref<10112x48xf32, #tpu.memory_space<hbm>> -> memref<10112x48xf32, #tpu.memory_space<hbm>>
    tpu.enqueue_indirect_dma source(%dma_start3A_39 : memref<10112x48xf32, #tpu.memory_space<hbm>>) target(%arg10 : memref<128x48xf32, #tpu.memory_space<vmem>>) offsets(%dma_start3A_36 : memref<128xi32, #tpu.memory_space<vmem>>) semaphore(%arg21 : memref<!tpu.dma_semaphore, #tpu.memory_space<semaphore_mem>>)
    %dma_start3A_40 = arith.constant 1 : i32
    %dma_start3A_41 = arith.constant 0 : i32
    %dma_start3A_42 = tpu.memref_slice %arg8[%dma_start3A_40, %dma_start3A_41] : memref<80x128xi32, #tpu.memory_space<vmem>> -> memref<1x128xi32, #tpu.memory_space<vmem>>
    %dma_start3A_43 = tpu.memref_squeeze %dma_start3A_42 : memref<1x128xi32, #tpu.memory_space<vmem>> -> memref<128xi32, #tpu.memory_space<vmem>>
    %dma_start3A_44 = arith.constant 0 : i32
    %dma_start3A_45 = arith.constant 0 : i32
    %dma_start3A_46 = tpu.memref_slice %arg2[%dma_start3A_44, %dma_start3A_45] : memref<10112x48xf32, #tpu.memory_space<hbm>> -> memref<10112x48xf32, #tpu.memory_space<hbm>>
    tpu.enqueue_indirect_dma source(%dma_start3A_46 : memref<10112x48xf32, #tpu.memory_space<hbm>>) target(%arg11 : memref<128x48xf32, #tpu.memory_space<vmem>>) offsets(%dma_start3A_43 : memref<128xi32, #tpu.memory_space<vmem>>) semaphore(%arg21 : memref<!tpu.dma_semaphore, #tpu.memory_space<semaphore_mem>>)
    %dma_start3A_47 = arith.constant 2 : i32
    %dma_start3A_48 = arith.constant 0 : i32
    %dma_start3A_49 = tpu.memref_slice %arg8[%dma_start3A_47, %dma_start3A_48] : memref<80x128xi32, #tpu.memory_space<vmem>> -> memref<1x128xi32, #tpu.memory_space<vmem>>
    %dma_start3A_50 = tpu.memref_squeeze %dma_start3A_49 : memref<1x128xi32, #tpu.memory_space<vmem>> -> memref<128xi32, #tpu.memory_space<vmem>>
    %dma_start3A_51 = arith.constant 0 : i32
    %dma_start3A_52 = arith.constant 0 : i32
    %dma_start3A_53 = tpu.memref_slice %arg2[%dma_start3A_51, %dma_start3A_52] : memref<10112x48xf32, #tpu.memory_space<hbm>> -> memref<10112x48xf32, #tpu.memory_space<hbm>>
    tpu.enqueue_indirect_dma source(%dma_start3A_53 : memref<10112x48xf32, #tpu.memory_space<hbm>>) target(%arg12 : memref<128x48xf32, #tpu.memory_space<vmem>>) offsets(%dma_start3A_50 : memref<128xi32, #tpu.memory_space<vmem>>) semaphore(%arg21 : memref<!tpu.dma_semaphore, #tpu.memory_space<semaphore_mem>>)
    %dma_start3A_54 = arith.constant 3 : i32
    %dma_start3A_55 = arith.constant 0 : i32
    %dma_start3A_56 = tpu.memref_slice %arg8[%dma_start3A_54, %dma_start3A_55] : memref<80x128xi32, #tpu.memory_space<vmem>> -> memref<1x128xi32, #tpu.memory_space<vmem>>
    %dma_start3A_57 = tpu.memref_squeeze %dma_start3A_56 : memref<1x128xi32, #tpu.memory_space<vmem>> -> memref<128xi32, #tpu.memory_space<vmem>>
    %dma_start3A_58 = arith.constant 0 : i32
    %dma_start3A_59 = arith.constant 0 : i32
    %dma_start3A_60 = tpu.memref_slice %arg2[%dma_start3A_58, %dma_start3A_59] : memref<10112x48xf32, #tpu.memory_space<hbm>> -> memref<10112x48xf32, #tpu.memory_space<hbm>>
    tpu.enqueue_indirect_dma source(%dma_start3A_60 : memref<10112x48xf32, #tpu.memory_space<hbm>>) target(%arg13 : memref<128x48xf32, #tpu.memory_space<vmem>>) offsets(%dma_start3A_57 : memref<128xi32, #tpu.memory_space<vmem>>) semaphore(%arg21 : memref<!tpu.dma_semaphore, #tpu.memory_space<semaphore_mem>>)
    %dma_start3A_61 = arith.constant 4 : i32
    %dma_start3A_62 = arith.constant 0 : i32
    %dma_start3A_63 = tpu.memref_slice %arg8[%dma_start3A_61, %dma_start3A_62] : memref<80x128xi32, #tpu.memory_space<vmem>> -> memref<1x128xi32, #tpu.memory_space<vmem>>
    %dma_start3A_64 = tpu.memref_squeeze %dma_start3A_63 : memref<1x128xi32, #tpu.memory_space<vmem>> -> memref<128xi32, #tpu.memory_space<vmem>>
    %dma_start3A_65 = arith.constant 0 : i32
    %dma_start3A_66 = arith.constant 0 : i32
    %dma_start3A_67 = tpu.memref_slice %arg2[%dma_start3A_65, %dma_start3A_66] : memref<10112x48xf32, #tpu.memory_space<hbm>> -> memref<10112x48xf32, #tpu.memory_space<hbm>>
    tpu.enqueue_indirect_dma source(%dma_start3A_67 : memref<10112x48xf32, #tpu.memory_space<hbm>>) target(%arg14 : memref<128x48xf32, #tpu.memory_space<vmem>>) offsets(%dma_start3A_64 : memref<128xi32, #tpu.memory_space<vmem>>) semaphore(%arg21 : memref<!tpu.dma_semaphore, #tpu.memory_space<semaphore_mem>>)
    %scan3A = arith.constant 0 : i32
    %scan3A_68 = arith.constant 0 : i32
    %scan3A_69 = arith.constant 8 : i32
    %scan3A_70 = arith.addi %scan3A_68, %scan3A_69 : i32
    %scan3A_71 = arith.constant 1 : i32
    scf.for %scan3A_81 = %scan3A_68 to %scan3A_70 step %scan3A_71  : i32 {
      %mul3A_82 = arith.constant 2 : i32
      %mul3A_83 = arith.muli %mul3A_82, %scan3A_81 : i32
      %add3A_84 = arith.constant 1 : i32
      %add3A_85 = arith.addi %mul3A_83, %add3A_84 : i32
      %mul3A_86 = arith.constant 5 : i32
      %mul3A_87 = arith.muli %add3A_85, %mul3A_86 : i32
      %add3A_88 = arith.constant 0 : i32
      %add3A_89 = arith.addi %mul3A_87, %add3A_88 : i32
      %dma_start3A_90 = arith.constant 0 : i32
      %dma_start3A_91 = tpu.memref_slice %arg8[%add3A_89, %dma_start3A_90] : memref<80x128xi32, #tpu.memory_space<vmem>> -> memref<1x128xi32, #tpu.memory_space<vmem>>
      %dma_start3A_92 = tpu.memref_squeeze %dma_start3A_91 : memref<1x128xi32, #tpu.memory_space<vmem>> -> memref<128xi32, #tpu.memory_space<vmem>>
      %dma_start3A_93 = arith.constant 0 : i32
      %dma_start3A_94 = arith.constant 0 : i32
      %dma_start3A_95 = tpu.memref_slice %arg2[%dma_start3A_93, %dma_start3A_94] : memref<10112x48xf32, #tpu.memory_space<hbm>> -> memref<10112x48xf32, #tpu.memory_space<hbm>>
      tpu.enqueue_indirect_dma source(%dma_start3A_95 : memref<10112x48xf32, #tpu.memory_space<hbm>>) target(%arg15 : memref<128x48xf32, #tpu.memory_space<vmem>>) offsets(%dma_start3A_92 : memref<128xi32, #tpu.memory_space<vmem>>) semaphore(%arg22 : memref<!tpu.dma_semaphore, #tpu.memory_space<semaphore_mem>>)
      %mul3A_96 = arith.constant 5 : i32
      %mul3A_97 = arith.muli %add3A_85, %mul3A_96 : i32
      %add3A_98 = arith.constant 1 : i32
      %add3A_99 = arith.addi %mul3A_97, %add3A_98 : i32
      %dma_start3A_100 = arith.constant 0 : i32
      %dma_start3A_101 = tpu.memref_slice %arg8[%add3A_99, %dma_start3A_100] : memref<80x128xi32, #tpu.memory_space<vmem>> -> memref<1x128xi32, #tpu.memory_space<vmem>>
      %dma_start3A_102 = tpu.memref_squeeze %dma_start3A_101 : memref<1x128xi32, #tpu.memory_space<vmem>> -> memref<128xi32, #tpu.memory_space<vmem>>
      %dma_start3A_103 = arith.constant 0 : i32
      %dma_start3A_104 = arith.constant 0 : i32
      %dma_start3A_105 = tpu.memref_slice %arg2[%dma_start3A_103, %dma_start3A_104] : memref<10112x48xf32, #tpu.memory_space<hbm>> -> memref<10112x48xf32, #tpu.memory_space<hbm>>
      tpu.enqueue_indirect_dma source(%dma_start3A_105 : memref<10112x48xf32, #tpu.memory_space<hbm>>) target(%arg16 : memref<128x48xf32, #tpu.memory_space<vmem>>) offsets(%dma_start3A_102 : memref<128xi32, #tpu.memory_space<vmem>>) semaphore(%arg22 : memref<!tpu.dma_semaphore, #tpu.memory_space<semaphore_mem>>)
      %mul3A_106 = arith.constant 5 : i32
      %mul3A_107 = arith.muli %add3A_85, %mul3A_106 : i32
      %add3A_108 = arith.constant 2 : i32
      %add3A_109 = arith.addi %mul3A_107, %add3A_108 : i32
      %dma_start3A_110 = arith.constant 0 : i32
      %dma_start3A_111 = tpu.memref_slice %arg8[%add3A_109, %dma_start3A_110] : memref<80x128xi32, #tpu.memory_space<vmem>> -> memref<1x128xi32, #tpu.memory_space<vmem>>
      %dma_start3A_112 = tpu.memref_squeeze %dma_start3A_111 : memref<1x128xi32, #tpu.memory_space<vmem>> -> memref<128xi32, #tpu.memory_space<vmem>>
      %dma_start3A_113 = arith.constant 0 : i32
      %dma_start3A_114 = arith.constant 0 : i32
      %dma_start3A_115 = tpu.memref_slice %arg2[%dma_start3A_113, %dma_start3A_114] : memref<10112x48xf32, #tpu.memory_space<hbm>> -> memref<10112x48xf32, #tpu.memory_space<hbm>>
      tpu.enqueue_indirect_dma source(%dma_start3A_115 : memref<10112x48xf32, #tpu.memory_space<hbm>>) target(%arg17 : memref<128x48xf32, #tpu.memory_space<vmem>>) offsets(%dma_start3A_112 : memref<128xi32, #tpu.memory_space<vmem>>) semaphore(%arg22 : memref<!tpu.dma_semaphore, #tpu.memory_space<semaphore_mem>>)
      %mul3A_116 = arith.constant 5 : i32
      %mul3A_117 = arith.muli %add3A_85, %mul3A_116 : i32
      %add3A_118 = arith.constant 3 : i32
      %add3A_119 = arith.addi %mul3A_117, %add3A_118 : i32
      %dma_start3A_120 = arith.constant 0 : i32
      %dma_start3A_121 = tpu.memref_slice %arg8[%add3A_119, %dma_start3A_120] : memref<80x128xi32, #tpu.memory_space<vmem>> -> memref<1x128xi32, #tpu.memory_space<vmem>>
      %dma_start3A_122 = tpu.memref_squeeze %dma_start3A_121 : memref<1x128xi32, #tpu.memory_space<vmem>> -> memref<128xi32, #tpu.memory_space<vmem>>
      %dma_start3A_123 = arith.constant 0 : i32
      %dma_start3A_124 = arith.constant 0 : i32
      %dma_start3A_125 = tpu.memref_slice %arg2[%dma_start3A_123, %dma_start3A_124] : memref<10112x48xf32, #tpu.memory_space<hbm>> -> memref<10112x48xf32, #tpu.memory_space<hbm>>
      tpu.enqueue_indirect_dma source(%dma_start3A_125 : memref<10112x48xf32, #tpu.memory_space<hbm>>) target(%arg18 : memref<128x48xf32, #tpu.memory_space<vmem>>) offsets(%dma_start3A_122 : memref<128xi32, #tpu.memory_space<vmem>>) semaphore(%arg22 : memref<!tpu.dma_semaphore, #tpu.memory_space<semaphore_mem>>)
      %mul3A_126 = arith.constant 5 : i32
      %mul3A_127 = arith.muli %add3A_85, %mul3A_126 : i32
      %add3A_128 = arith.constant 4 : i32
      %add3A_129 = arith.addi %mul3A_127, %add3A_128 : i32
      %dma_start3A_130 = arith.constant 0 : i32
      %dma_start3A_131 = tpu.memref_slice %arg8[%add3A_129, %dma_start3A_130] : memref<80x128xi32, #tpu.memory_space<vmem>> -> memref<1x128xi32, #tpu.memory_space<vmem>>
      %dma_start3A_132 = tpu.memref_squeeze %dma_start3A_131 : memref<1x128xi32, #tpu.memory_space<vmem>> -> memref<128xi32, #tpu.memory_space<vmem>>
      %dma_start3A_133 = arith.constant 0 : i32
      %dma_start3A_134 = arith.constant 0 : i32
      %dma_start3A_135 = tpu.memref_slice %arg2[%dma_start3A_133, %dma_start3A_134] : memref<10112x48xf32, #tpu.memory_space<hbm>> -> memref<10112x48xf32, #tpu.memory_space<hbm>>
      tpu.enqueue_indirect_dma source(%dma_start3A_135 : memref<10112x48xf32, #tpu.memory_space<hbm>>) target(%arg19 : memref<128x48xf32, #tpu.memory_space<vmem>>) offsets(%dma_start3A_132 : memref<128xi32, #tpu.memory_space<vmem>>) semaphore(%arg22 : memref<!tpu.dma_semaphore, #tpu.memory_space<semaphore_mem>>)
      %dma_wait3A_136 = arith.constant 0 : i32
      %dma_wait3A_137 = arith.constant 0 : i32
      %dma_wait3A_138 = tpu.memref_slice %arg8[%dma_wait3A_136, %dma_wait3A_137] : memref<80x128xi32, #tpu.memory_space<vmem>> -> memref<1x128xi32, #tpu.memory_space<vmem>>
      %dma_wait3A_139 = tpu.memref_squeeze %dma_wait3A_138 : memref<1x128xi32, #tpu.memory_space<vmem>> -> memref<128xi32, #tpu.memory_space<vmem>>
      %dma_wait3A_140 = arith.constant 0 : i32
      %dma_wait3A_141 = arith.constant 0 : i32
      %dma_wait3A_142 = tpu.memref_slice %arg2[%dma_wait3A_140, %dma_wait3A_141] : memref<10112x48xf32, #tpu.memory_space<hbm>> -> memref<10112x48xf32, #tpu.memory_space<hbm>>
      tpu.wait_indirect_dma semaphore(%arg21 : memref<!tpu.dma_semaphore, #tpu.memory_space<semaphore_mem>>) src(%dma_wait3A_142 : memref<10112x48xf32, #tpu.memory_space<hbm>>) dst(%arg10 : memref<128x48xf32, #tpu.memory_space<vmem>>)
      %dma_wait3A_143 = arith.constant 0 : i32
      %dma_wait3A_144 = arith.constant 0 : i32
      %dma_wait3A_145 = tpu.memref_slice %arg8[%dma_wait3A_143, %dma_wait3A_144] : memref<80x128xi32, #tpu.memory_space<vmem>> -> memref<1x128xi32, #tpu.memory_space<vmem>>
      %dma_wait3A_146 = tpu.memref_squeeze %dma_wait3A_145 : memref<1x128xi32, #tpu.memory_space<vmem>> -> memref<128xi32, #tpu.memory_space<vmem>>
      %dma_wait3A_147 = arith.constant 0 : i32
      %dma_wait3A_148 = arith.constant 0 : i32
      %dma_wait3A_149 = tpu.memref_slice %arg2[%dma_wait3A_147, %dma_wait3A_148] : memref<10112x48xf32, #tpu.memory_space<hbm>> -> memref<10112x48xf32, #tpu.memory_space<hbm>>
      tpu.wait_indirect_dma semaphore(%arg21 : memref<!tpu.dma_semaphore, #tpu.memory_space<semaphore_mem>>) src(%dma_wait3A_149 : memref<10112x48xf32, #tpu.memory_space<hbm>>) dst(%arg11 : memref<128x48xf32, #tpu.memory_space<vmem>>)
      %dma_wait3A_150 = arith.constant 0 : i32
      %dma_wait3A_151 = arith.constant 0 : i32
      %dma_wait3A_152 = tpu.memref_slice %arg8[%dma_wait3A_150, %dma_wait3A_151] : memref<80x128xi32, #tpu.memory_space<vmem>> -> memref<1x128xi32, #tpu.memory_space<vmem>>
      %dma_wait3A_153 = tpu.memref_squeeze %dma_wait3A_152 : memref<1x128xi32, #tpu.memory_space<vmem>> -> memref<128xi32, #tpu.memory_space<vmem>>
      %dma_wait3A_154 = arith.constant 0 : i32
      %dma_wait3A_155 = arith.constant 0 : i32
      %dma_wait3A_156 = tpu.memref_slice %arg2[%dma_wait3A_154, %dma_wait3A_155] : memref<10112x48xf32, #tpu.memory_space<hbm>> -> memref<10112x48xf32, #tpu.memory_space<hbm>>
      tpu.wait_indirect_dma semaphore(%arg21 : memref<!tpu.dma_semaphore, #tpu.memory_space<semaphore_mem>>) src(%dma_wait3A_156 : memref<10112x48xf32, #tpu.memory_space<hbm>>) dst(%arg12 : memref<128x48xf32, #tpu.memory_space<vmem>>)
      %dma_wait3A_157 = arith.constant 0 : i32
      %dma_wait3A_158 = arith.constant 0 : i32
      %dma_wait3A_159 = tpu.memref_slice %arg8[%dma_wait3A_157, %dma_wait3A_158] : memref<80x128xi32, #tpu.memory_space<vmem>> -> memref<1x128xi32, #tpu.memory_space<vmem>>
      %dma_wait3A_160 = tpu.memref_squeeze %dma_wait3A_159 : memref<1x128xi32, #tpu.memory_space<vmem>> -> memref<128xi32, #tpu.memory_space<vmem>>
      %dma_wait3A_161 = arith.constant 0 : i32
      %dma_wait3A_162 = arith.constant 0 : i32
      %dma_wait3A_163 = tpu.memref_slice %arg2[%dma_wait3A_161, %dma_wait3A_162] : memref<10112x48xf32, #tpu.memory_space<hbm>> -> memref<10112x48xf32, #tpu.memory_space<hbm>>
      tpu.wait_indirect_dma semaphore(%arg21 : memref<!tpu.dma_semaphore, #tpu.memory_space<semaphore_mem>>) src(%dma_wait3A_163 : memref<10112x48xf32, #tpu.memory_space<hbm>>) dst(%arg13 : memref<128x48xf32, #tpu.memory_space<vmem>>)
      %dma_wait3A_164 = arith.constant 0 : i32
      %dma_wait3A_165 = arith.constant 0 : i32
      %dma_wait3A_166 = tpu.memref_slice %arg8[%dma_wait3A_164, %dma_wait3A_165] : memref<80x128xi32, #tpu.memory_space<vmem>> -> memref<1x128xi32, #tpu.memory_space<vmem>>
      %dma_wait3A_167 = tpu.memref_squeeze %dma_wait3A_166 : memref<1x128xi32, #tpu.memory_space<vmem>> -> memref<128xi32, #tpu.memory_space<vmem>>
      %dma_wait3A_168 = arith.constant 0 : i32
      %dma_wait3A_169 = arith.constant 0 : i32
      %dma_wait3A_170 = tpu.memref_slice %arg2[%dma_wait3A_168, %dma_wait3A_169] : memref<10112x48xf32, #tpu.memory_space<hbm>> -> memref<10112x48xf32, #tpu.memory_space<hbm>>
      tpu.wait_indirect_dma semaphore(%arg21 : memref<!tpu.dma_semaphore, #tpu.memory_space<semaphore_mem>>) src(%dma_wait3A_170 : memref<10112x48xf32, #tpu.memory_space<hbm>>) dst(%arg14 : memref<128x48xf32, #tpu.memory_space<vmem>>)
      %mul3A_171 = arith.constant 5 : i32
      %mul3A_172 = arith.muli %mul3A_83, %mul3A_171 : i32
      %add3A_173 = arith.constant 0 : i32
      %add3A_174 = arith.addi %mul3A_172, %add3A_173 : i32
      %dma_start3A_175 = arith.constant 0 : i32
      %dma_start3A_176 = tpu.memref_slice %arg9[%add3A_174, %dma_start3A_175] : memref<80x128xi32, #tpu.memory_space<vmem>> -> memref<1x128xi32, #tpu.memory_space<vmem>>
      %dma_start3A_177 = tpu.memref_squeeze %dma_start3A_176 : memref<1x128xi32, #tpu.memory_space<vmem>> -> memref<128xi32, #tpu.memory_space<vmem>>
      %dma_start3A_178 = arith.constant 0 : i32
      %dma_start3A_179 = arith.constant 0 : i32
      %dma_start3A_180 = tpu.memref_slice %arg20[%dma_start3A_178, %dma_start3A_179] : memref<10112x48xf32, #tpu.memory_space<vmem_shared>> -> memref<10112x48xf32, #tpu.memory_space<vmem_shared>>
      tpu.enqueue_indirect_dma source(%arg10 : memref<128x48xf32, #tpu.memory_space<vmem>>) target(%dma_start3A_180 : memref<10112x48xf32, #tpu.memory_space<vmem_shared>>) offsets(%dma_start3A_177 : memref<128xi32, #tpu.memory_space<vmem>>) semaphore(%arg23 : memref<!tpu.dma_semaphore, #tpu.memory_space<semaphore_mem>>) {add = true}
      %mul3A_181 = arith.constant 5 : i32
      %mul3A_182 = arith.muli %mul3A_83, %mul3A_181 : i32
      %add3A_183 = arith.constant 1 : i32
      %add3A_184 = arith.addi %mul3A_182, %add3A_183 : i32
      %dma_start3A_185 = arith.constant 0 : i32
      %dma_start3A_186 = tpu.memref_slice %arg9[%add3A_184, %dma_start3A_185] : memref<80x128xi32, #tpu.memory_space<vmem>> -> memref<1x128xi32, #tpu.memory_space<vmem>>
      %dma_start3A_187 = tpu.memref_squeeze %dma_start3A_186 : memref<1x128xi32, #tpu.memory_space<vmem>> -> memref<128xi32, #tpu.memory_space<vmem>>
      %dma_start3A_188 = arith.constant 0 : i32
      %dma_start3A_189 = arith.constant 0 : i32
      %dma_start3A_190 = tpu.memref_slice %arg20[%dma_start3A_188, %dma_start3A_189] : memref<10112x48xf32, #tpu.memory_space<vmem_shared>> -> memref<10112x48xf32, #tpu.memory_space<vmem_shared>>
      tpu.enqueue_indirect_dma source(%arg11 : memref<128x48xf32, #tpu.memory_space<vmem>>) target(%dma_start3A_190 : memref<10112x48xf32, #tpu.memory_space<vmem_shared>>) offsets(%dma_start3A_187 : memref<128xi32, #tpu.memory_space<vmem>>) semaphore(%arg23 : memref<!tpu.dma_semaphore, #tpu.memory_space<semaphore_mem>>) {add = true}
      %mul3A_191 = arith.constant 5 : i32
      %mul3A_192 = arith.muli %mul3A_83, %mul3A_191 : i32
      %add3A_193 = arith.constant 2 : i32
      %add3A_194 = arith.addi %mul3A_192, %add3A_193 : i32
      %dma_start3A_195 = arith.constant 0 : i32
      %dma_start3A_196 = tpu.memref_slice %arg9[%add3A_194, %dma_start3A_195] : memref<80x128xi32, #tpu.memory_space<vmem>> -> memref<1x128xi32, #tpu.memory_space<vmem>>
      %dma_start3A_197 = tpu.memref_squeeze %dma_start3A_196 : memref<1x128xi32, #tpu.memory_space<vmem>> -> memref<128xi32, #tpu.memory_space<vmem>>
      %dma_start3A_198 = arith.constant 0 : i32
      %dma_start3A_199 = arith.constant 0 : i32
      %dma_start3A_200 = tpu.memref_slice %arg20[%dma_start3A_198, %dma_start3A_199] : memref<10112x48xf32, #tpu.memory_space<vmem_shared>> -> memref<10112x48xf32, #tpu.memory_space<vmem_shared>>
      tpu.enqueue_indirect_dma source(%arg12 : memref<128x48xf32, #tpu.memory_space<vmem>>) target(%dma_start3A_200 : memref<10112x48xf32, #tpu.memory_space<vmem_shared>>) offsets(%dma_start3A_197 : memref<128xi32, #tpu.memory_space<vmem>>) semaphore(%arg23 : memref<!tpu.dma_semaphore, #tpu.memory_space<semaphore_mem>>) {add = true}
      %mul3A_201 = arith.constant 5 : i32
      %mul3A_202 = arith.muli %mul3A_83, %mul3A_201 : i32
      %add3A_203 = arith.constant 3 : i32
      %add3A_204 = arith.addi %mul3A_202, %add3A_203 : i32
      %dma_start3A_205 = arith.constant 0 : i32
      %dma_start3A_206 = tpu.memref_slice %arg9[%add3A_204, %dma_start3A_205] : memref<80x128xi32, #tpu.memory_space<vmem>> -> memref<1x128xi32, #tpu.memory_space<vmem>>
      %dma_start3A_207 = tpu.memref_squeeze %dma_start3A_206 : memref<1x128xi32, #tpu.memory_space<vmem>> -> memref<128xi32, #tpu.memory_space<vmem>>
      %dma_start3A_208 = arith.constant 0 : i32
      %dma_start3A_209 = arith.constant 0 : i32
      %dma_start3A_210 = tpu.memref_slice %arg20[%dma_start3A_208, %dma_start3A_209] : memref<10112x48xf32, #tpu.memory_space<vmem_shared>> -> memref<10112x48xf32, #tpu.memory_space<vmem_shared>>
      tpu.enqueue_indirect_dma source(%arg13 : memref<128x48xf32, #tpu.memory_space<vmem>>) target(%dma_start3A_210 : memref<10112x48xf32, #tpu.memory_space<vmem_shared>>) offsets(%dma_start3A_207 : memref<128xi32, #tpu.memory_space<vmem>>) semaphore(%arg23 : memref<!tpu.dma_semaphore, #tpu.memory_space<semaphore_mem>>) {add = true}
      %mul3A_211 = arith.constant 5 : i32
      %mul3A_212 = arith.muli %mul3A_83, %mul3A_211 : i32
      %add3A_213 = arith.constant 4 : i32
      %add3A_214 = arith.addi %mul3A_212, %add3A_213 : i32
      %dma_start3A_215 = arith.constant 0 : i32
      %dma_start3A_216 = tpu.memref_slice %arg9[%add3A_214, %dma_start3A_215] : memref<80x128xi32, #tpu.memory_space<vmem>> -> memref<1x128xi32, #tpu.memory_space<vmem>>
      %dma_start3A_217 = tpu.memref_squeeze %dma_start3A_216 : memref<1x128xi32, #tpu.memory_space<vmem>> -> memref<128xi32, #tpu.memory_space<vmem>>
      %dma_start3A_218 = arith.constant 0 : i32
      %dma_start3A_219 = arith.constant 0 : i32
      %dma_start3A_220 = tpu.memref_slice %arg20[%dma_start3A_218, %dma_start3A_219] : memref<10112x48xf32, #tpu.memory_space<vmem_shared>> -> memref<10112x48xf32, #tpu.memory_space<vmem_shared>>
      tpu.enqueue_indirect_dma source(%arg14 : memref<128x48xf32, #tpu.memory_space<vmem>>) target(%dma_start3A_220 : memref<10112x48xf32, #tpu.memory_space<vmem_shared>>) offsets(%dma_start3A_217 : memref<128xi32, #tpu.memory_space<vmem>>) semaphore(%arg23 : memref<!tpu.dma_semaphore, #tpu.memory_space<semaphore_mem>>) {add = true}
      %dma_wait3A_221 = arith.constant 0 : i32
      %dma_wait3A_222 = tpu.memref_slice %arg9[%add3A_174, %dma_wait3A_221] : memref<80x128xi32, #tpu.memory_space<vmem>> -> memref<1x128xi32, #tpu.memory_space<vmem>>
      %dma_wait3A_223 = tpu.memref_squeeze %dma_wait3A_222 : memref<1x128xi32, #tpu.memory_space<vmem>> -> memref<128xi32, #tpu.memory_space<vmem>>
      %dma_wait3A_224 = arith.constant 0 : i32
      %dma_wait3A_225 = arith.constant 0 : i32
      %dma_wait3A_226 = tpu.memref_slice %arg20[%dma_wait3A_224, %dma_wait3A_225] : memref<10112x48xf32, #tpu.memory_space<vmem_shared>> -> memref<10112x48xf32, #tpu.memory_space<vmem_shared>>
      tpu.wait_indirect_dma semaphore(%arg23 : memref<!tpu.dma_semaphore, #tpu.memory_space<semaphore_mem>>) src(%arg10 : memref<128x48xf32, #tpu.memory_space<vmem>>) dst(%dma_wait3A_226 : memref<10112x48xf32, #tpu.memory_space<vmem_shared>>)
      %dma_wait3A_227 = arith.constant 0 : i32
      %dma_wait3A_228 = tpu.memref_slice %arg9[%add3A_184, %dma_wait3A_227] : memref<80x128xi32, #tpu.memory_space<vmem>> -> memref<1x128xi32, #tpu.memory_space<vmem>>
      %dma_wait3A_229 = tpu.memref_squeeze %dma_wait3A_228 : memref<1x128xi32, #tpu.memory_space<vmem>> -> memref<128xi32, #tpu.memory_space<vmem>>
      %dma_wait3A_230 = arith.constant 0 : i32
      %dma_wait3A_231 = arith.constant 0 : i32
      %dma_wait3A_232 = tpu.memref_slice %arg20[%dma_wait3A_230, %dma_wait3A_231] : memref<10112x48xf32, #tpu.memory_space<vmem_shared>> -> memref<10112x48xf32, #tpu.memory_space<vmem_shared>>
      tpu.wait_indirect_dma semaphore(%arg23 : memref<!tpu.dma_semaphore, #tpu.memory_space<semaphore_mem>>) src(%arg11 : memref<128x48xf32, #tpu.memory_space<vmem>>) dst(%dma_wait3A_232 : memref<10112x48xf32, #tpu.memory_space<vmem_shared>>)
      %dma_wait3A_233 = arith.constant 0 : i32
      %dma_wait3A_234 = tpu.memref_slice %arg9[%add3A_194, %dma_wait3A_233] : memref<80x128xi32, #tpu.memory_space<vmem>> -> memref<1x128xi32, #tpu.memory_space<vmem>>
      %dma_wait3A_235 = tpu.memref_squeeze %dma_wait3A_234 : memref<1x128xi32, #tpu.memory_space<vmem>> -> memref<128xi32, #tpu.memory_space<vmem>>
      %dma_wait3A_236 = arith.constant 0 : i32
      %dma_wait3A_237 = arith.constant 0 : i32
      %dma_wait3A_238 = tpu.memref_slice %arg20[%dma_wait3A_236, %dma_wait3A_237] : memref<10112x48xf32, #tpu.memory_space<vmem_shared>> -> memref<10112x48xf32, #tpu.memory_space<vmem_shared>>
      tpu.wait_indirect_dma semaphore(%arg23 : memref<!tpu.dma_semaphore, #tpu.memory_space<semaphore_mem>>) src(%arg12 : memref<128x48xf32, #tpu.memory_space<vmem>>) dst(%dma_wait3A_238 : memref<10112x48xf32, #tpu.memory_space<vmem_shared>>)
      %dma_wait3A_239 = arith.constant 0 : i32
      %dma_wait3A_240 = tpu.memref_slice %arg9[%add3A_204, %dma_wait3A_239] : memref<80x128xi32, #tpu.memory_space<vmem>> -> memref<1x128xi32, #tpu.memory_space<vmem>>
      %dma_wait3A_241 = tpu.memref_squeeze %dma_wait3A_240 : memref<1x128xi32, #tpu.memory_space<vmem>> -> memref<128xi32, #tpu.memory_space<vmem>>
      %dma_wait3A_242 = arith.constant 0 : i32
      %dma_wait3A_243 = arith.constant 0 : i32
      %dma_wait3A_244 = tpu.memref_slice %arg20[%dma_wait3A_242, %dma_wait3A_243] : memref<10112x48xf32, #tpu.memory_space<vmem_shared>> -> memref<10112x48xf32, #tpu.memory_space<vmem_shared>>
      tpu.wait_indirect_dma semaphore(%arg23 : memref<!tpu.dma_semaphore, #tpu.memory_space<semaphore_mem>>) src(%arg13 : memref<128x48xf32, #tpu.memory_space<vmem>>) dst(%dma_wait3A_244 : memref<10112x48xf32, #tpu.memory_space<vmem_shared>>)
      %dma_wait3A_245 = arith.constant 0 : i32
      %dma_wait3A_246 = tpu.memref_slice %arg9[%add3A_214, %dma_wait3A_245] : memref<80x128xi32, #tpu.memory_space<vmem>> -> memref<1x128xi32, #tpu.memory_space<vmem>>
      %dma_wait3A_247 = tpu.memref_squeeze %dma_wait3A_246 : memref<1x128xi32, #tpu.memory_space<vmem>> -> memref<128xi32, #tpu.memory_space<vmem>>
      %dma_wait3A_248 = arith.constant 0 : i32
      %dma_wait3A_249 = arith.constant 0 : i32
      %dma_wait3A_250 = tpu.memref_slice %arg20[%dma_wait3A_248, %dma_wait3A_249] : memref<10112x48xf32, #tpu.memory_space<vmem_shared>> -> memref<10112x48xf32, #tpu.memory_space<vmem_shared>>
      tpu.wait_indirect_dma semaphore(%arg23 : memref<!tpu.dma_semaphore, #tpu.memory_space<semaphore_mem>>) src(%arg14 : memref<128x48xf32, #tpu.memory_space<vmem>>) dst(%dma_wait3A_250 : memref<10112x48xf32, #tpu.memory_space<vmem_shared>>)
      %add3A_251 = arith.constant 1 : i32
      %add3A_252 = arith.addi %scan3A_81, %add3A_251 : i32
      %lt3A = arith.constant 8 : i32
      %lt3A_253 = arith.cmpi slt, %add3A_252, %lt3A : i32
      %convert_element_type3A_254 = arith.extui %lt3A_253 : i1 to i32
      %cond3A_255 = arith.constant 0 : i32
      %cond3A_256 = arith.cmpi ne, %convert_element_type3A_254, %cond3A_255 : i32
      scf.if %cond3A_256 {
        %add3A_374 = arith.constant 2 : i32
        %add3A_375 = arith.addi %mul3A_83, %add3A_374 : i32
        %mul3A_376 = arith.constant 5 : i32
        %mul3A_377 = arith.muli %add3A_375, %mul3A_376 : i32
        %add3A_378 = arith.constant 0 : i32
        %add3A_379 = arith.addi %mul3A_377, %add3A_378 : i32
        %dma_start3A_380 = arith.constant 0 : i32
        %dma_start3A_381 = tpu.memref_slice %arg8[%add3A_379, %dma_start3A_380] : memref<80x128xi32, #tpu.memory_space<vmem>> -> memref<1x128xi32, #tpu.memory_space<vmem>>
        %dma_start3A_382 = tpu.memref_squeeze %dma_start3A_381 : memref<1x128xi32, #tpu.memory_space<vmem>> -> memref<128xi32, #tpu.memory_space<vmem>>
        %dma_start3A_383 = arith.constant 0 : i32
        %dma_start3A_384 = arith.constant 0 : i32
        %dma_start3A_385 = tpu.memref_slice %arg2[%dma_start3A_383, %dma_start3A_384] : memref<10112x48xf32, #tpu.memory_space<hbm>> -> memref<10112x48xf32, #tpu.memory_space<hbm>>
        tpu.enqueue_indirect_dma source(%dma_start3A_385 : memref<10112x48xf32, #tpu.memory_space<hbm>>) target(%arg10 : memref<128x48xf32, #tpu.memory_space<vmem>>) offsets(%dma_start3A_382 : memref<128xi32, #tpu.memory_space<vmem>>) semaphore(%arg21 : memref<!tpu.dma_semaphore, #tpu.memory_space<semaphore_mem>>)
        %mul3A_386 = arith.constant 5 : i32
        %mul3A_387 = arith.muli %add3A_375, %mul3A_386 : i32
        %add3A_388 = arith.constant 1 : i32
        %add3A_389 = arith.addi %mul3A_387, %add3A_388 : i32
        %dma_start3A_390 = arith.constant 0 : i32
        %dma_start3A_391 = tpu.memref_slice %arg8[%add3A_389, %dma_start3A_390] : memref<80x128xi32, #tpu.memory_space<vmem>> -> memref<1x128xi32, #tpu.memory_space<vmem>>
        %dma_start3A_392 = tpu.memref_squeeze %dma_start3A_391 : memref<1x128xi32, #tpu.memory_space<vmem>> -> memref<128xi32, #tpu.memory_space<vmem>>
        %dma_start3A_393 = arith.constant 0 : i32
        %dma_start3A_394 = arith.constant 0 : i32
        %dma_start3A_395 = tpu.memref_slice %arg2[%dma_start3A_393, %dma_start3A_394] : memref<10112x48xf32, #tpu.memory_space<hbm>> -> memref<10112x48xf32, #tpu.memory_space<hbm>>
        tpu.enqueue_indirect_dma source(%dma_start3A_395 : memref<10112x48xf32, #tpu.memory_space<hbm>>) target(%arg11 : memref<128x48xf32, #tpu.memory_space<vmem>>) offsets(%dma_start3A_392 : memref<128xi32, #tpu.memory_space<vmem>>) semaphore(%arg21 : memref<!tpu.dma_semaphore, #tpu.memory_space<semaphore_mem>>)
        %mul3A_396 = arith.constant 5 : i32
        %mul3A_397 = arith.muli %add3A_375, %mul3A_396 : i32
        %add3A_398 = arith.constant 2 : i32
        %add3A_399 = arith.addi %mul3A_397, %add3A_398 : i32
        %dma_start3A_400 = arith.constant 0 : i32
        %dma_start3A_401 = tpu.memref_slice %arg8[%add3A_399, %dma_start3A_400] : memref<80x128xi32, #tpu.memory_space<vmem>> -> memref<1x128xi32, #tpu.memory_space<vmem>>
        %dma_start3A_402 = tpu.memref_squeeze %dma_start3A_401 : memref<1x128xi32, #tpu.memory_space<vmem>> -> memref<128xi32, #tpu.memory_space<vmem>>
        %dma_start3A_403 = arith.constant 0 : i32
        %dma_start3A_404 = arith.constant 0 : i32
        %dma_start3A_405 = tpu.memref_slice %arg2[%dma_start3A_403, %dma_start3A_404] : memref<10112x48xf32, #tpu.memory_space<hbm>> -> memref<10112x48xf32, #tpu.memory_space<hbm>>
        tpu.enqueue_indirect_dma source(%dma_start3A_405 : memref<10112x48xf32, #tpu.memory_space<hbm>>) target(%arg12 : memref<128x48xf32, #tpu.memory_space<vmem>>) offsets(%dma_start3A_402 : memref<128xi32, #tpu.memory_space<vmem>>) semaphore(%arg21 : memref<!tpu.dma_semaphore, #tpu.memory_space<semaphore_mem>>)
        %mul3A_406 = arith.constant 5 : i32
        %mul3A_407 = arith.muli %add3A_375, %mul3A_406 : i32
        %add3A_408 = arith.constant 3 : i32
        %add3A_409 = arith.addi %mul3A_407, %add3A_408 : i32
        %dma_start3A_410 = arith.constant 0 : i32
        %dma_start3A_411 = tpu.memref_slice %arg8[%add3A_409, %dma_start3A_410] : memref<80x128xi32, #tpu.memory_space<vmem>> -> memref<1x128xi32, #tpu.memory_space<vmem>>
        %dma_start3A_412 = tpu.memref_squeeze %dma_start3A_411 : memref<1x128xi32, #tpu.memory_space<vmem>> -> memref<128xi32, #tpu.memory_space<vmem>>
        %dma_start3A_413 = arith.constant 0 : i32
        %dma_start3A_414 = arith.constant 0 : i32
        %dma_start3A_415 = tpu.memref_slice %arg2[%dma_start3A_413, %dma_start3A_414] : memref<10112x48xf32, #tpu.memory_space<hbm>> -> memref<10112x48xf32, #tpu.memory_space<hbm>>
        tpu.enqueue_indirect_dma source(%dma_start3A_415 : memref<10112x48xf32, #tpu.memory_space<hbm>>) target(%arg13 : memref<128x48xf32, #tpu.memory_space<vmem>>) offsets(%dma_start3A_412 : memref<128xi32, #tpu.memory_space<vmem>>) semaphore(%arg21 : memref<!tpu.dma_semaphore, #tpu.memory_space<semaphore_mem>>)
        %mul3A_416 = arith.constant 5 : i32
        %mul3A_417 = arith.muli %add3A_375, %mul3A_416 : i32
        %add3A_418 = arith.constant 4 : i32
        %add3A_419 = arith.addi %mul3A_417, %add3A_418 : i32
        %dma_start3A_420 = arith.constant 0 : i32
        %dma_start3A_421 = tpu.memref_slice %arg8[%add3A_419, %dma_start3A_420] : memref<80x128xi32, #tpu.memory_space<vmem>> -> memref<1x128xi32, #tpu.memory_space<vmem>>
        %dma_start3A_422 = tpu.memref_squeeze %dma_start3A_421 : memref<1x128xi32, #tpu.memory_space<vmem>> -> memref<128xi32, #tpu.memory_space<vmem>>
        %dma_start3A_423 = arith.constant 0 : i32
        %dma_start3A_424 = arith.constant 0 : i32
        %dma_start3A_425 = tpu.memref_slice %arg2[%dma_start3A_423, %dma_start3A_424] : memref<10112x48xf32, #tpu.memory_space<hbm>> -> memref<10112x48xf32, #tpu.memory_space<hbm>>
        tpu.enqueue_indirect_dma source(%dma_start3A_425 : memref<10112x48xf32, #tpu.memory_space<hbm>>) target(%arg14 : memref<128x48xf32, #tpu.memory_space<vmem>>) offsets(%dma_start3A_422 : memref<128xi32, #tpu.memory_space<vmem>>) semaphore(%arg21 : memref<!tpu.dma_semaphore, #tpu.memory_space<semaphore_mem>>)
      } else {
      }
      %dma_wait3A_257 = arith.constant 0 : i32
      %dma_wait3A_258 = arith.constant 0 : i32
      %dma_wait3A_259 = tpu.memref_slice %arg8[%dma_wait3A_257, %dma_wait3A_258] : memref<80x128xi32, #tpu.memory_space<vmem>> -> memref<1x128xi32, #tpu.memory_space<vmem>>
      %dma_wait3A_260 = tpu.memref_squeeze %dma_wait3A_259 : memref<1x128xi32, #tpu.memory_space<vmem>> -> memref<128xi32, #tpu.memory_space<vmem>>
      %dma_wait3A_261 = arith.constant 0 : i32
      %dma_wait3A_262 = arith.constant 0 : i32
      %dma_wait3A_263 = tpu.memref_slice %arg2[%dma_wait3A_261, %dma_wait3A_262] : memref<10112x48xf32, #tpu.memory_space<hbm>> -> memref<10112x48xf32, #tpu.memory_space<hbm>>
      tpu.wait_indirect_dma semaphore(%arg22 : memref<!tpu.dma_semaphore, #tpu.memory_space<semaphore_mem>>) src(%dma_wait3A_263 : memref<10112x48xf32, #tpu.memory_space<hbm>>) dst(%arg15 : memref<128x48xf32, #tpu.memory_space<vmem>>)
      %dma_wait3A_264 = arith.constant 0 : i32
      %dma_wait3A_265 = arith.constant 0 : i32
      %dma_wait3A_266 = tpu.memref_slice %arg8[%dma_wait3A_264, %dma_wait3A_265] : memref<80x128xi32, #tpu.memory_space<vmem>> -> memref<1x128xi32, #tpu.memory_space<vmem>>
      %dma_wait3A_267 = tpu.memref_squeeze %dma_wait3A_266 : memref<1x128xi32, #tpu.memory_space<vmem>> -> memref<128xi32, #tpu.memory_space<vmem>>
      %dma_wait3A_268 = arith.constant 0 : i32
      %dma_wait3A_269 = arith.constant 0 : i32
      %dma_wait3A_270 = tpu.memref_slice %arg2[%dma_wait3A_268, %dma_wait3A_269] : memref<10112x48xf32, #tpu.memory_space<hbm>> -> memref<10112x48xf32, #tpu.memory_space<hbm>>
      tpu.wait_indirect_dma semaphore(%arg22 : memref<!tpu.dma_semaphore, #tpu.memory_space<semaphore_mem>>) src(%dma_wait3A_270 : memref<10112x48xf32, #tpu.memory_space<hbm>>) dst(%arg16 : memref<128x48xf32, #tpu.memory_space<vmem>>)
      %dma_wait3A_271 = arith.constant 0 : i32
      %dma_wait3A_272 = arith.constant 0 : i32
      %dma_wait3A_273 = tpu.memref_slice %arg8[%dma_wait3A_271, %dma_wait3A_272] : memref<80x128xi32, #tpu.memory_space<vmem>> -> memref<1x128xi32, #tpu.memory_space<vmem>>
      %dma_wait3A_274 = tpu.memref_squeeze %dma_wait3A_273 : memref<1x128xi32, #tpu.memory_space<vmem>> -> memref<128xi32, #tpu.memory_space<vmem>>
      %dma_wait3A_275 = arith.constant 0 : i32
      %dma_wait3A_276 = arith.constant 0 : i32
      %dma_wait3A_277 = tpu.memref_slice %arg2[%dma_wait3A_275, %dma_wait3A_276] : memref<10112x48xf32, #tpu.memory_space<hbm>> -> memref<10112x48xf32, #tpu.memory_space<hbm>>
      tpu.wait_indirect_dma semaphore(%arg22 : memref<!tpu.dma_semaphore, #tpu.memory_space<semaphore_mem>>) src(%dma_wait3A_277 : memref<10112x48xf32, #tpu.memory_space<hbm>>) dst(%arg17 : memref<128x48xf32, #tpu.memory_space<vmem>>)
      %dma_wait3A_278 = arith.constant 0 : i32
      %dma_wait3A_279 = arith.constant 0 : i32
      %dma_wait3A_280 = tpu.memref_slice %arg8[%dma_wait3A_278, %dma_wait3A_279] : memref<80x128xi32, #tpu.memory_space<vmem>> -> memref<1x128xi32, #tpu.memory_space<vmem>>
      %dma_wait3A_281 = tpu.memref_squeeze %dma_wait3A_280 : memref<1x128xi32, #tpu.memory_space<vmem>> -> memref<128xi32, #tpu.memory_space<vmem>>
      %dma_wait3A_282 = arith.constant 0 : i32
      %dma_wait3A_283 = arith.constant 0 : i32
      %dma_wait3A_284 = tpu.memref_slice %arg2[%dma_wait3A_282, %dma_wait3A_283] : memref<10112x48xf32, #tpu.memory_space<hbm>> -> memref<10112x48xf32, #tpu.memory_space<hbm>>
      tpu.wait_indirect_dma semaphore(%arg22 : memref<!tpu.dma_semaphore, #tpu.memory_space<semaphore_mem>>) src(%dma_wait3A_284 : memref<10112x48xf32, #tpu.memory_space<hbm>>) dst(%arg18 : memref<128x48xf32, #tpu.memory_space<vmem>>)
      %dma_wait3A_285 = arith.constant 0 : i32
      %dma_wait3A_286 = arith.constant 0 : i32
      %dma_wait3A_287 = tpu.memref_slice %arg8[%dma_wait3A_285, %dma_wait3A_286] : memref<80x128xi32, #tpu.memory_space<vmem>> -> memref<1x128xi32, #tpu.memory_space<vmem>>
      %dma_wait3A_288 = tpu.memref_squeeze %dma_wait3A_287 : memref<1x128xi32, #tpu.memory_space<vmem>> -> memref<128xi32, #tpu.memory_space<vmem>>
      %dma_wait3A_289 = arith.constant 0 : i32
      %dma_wait3A_290 = arith.constant 0 : i32
      %dma_wait3A_291 = tpu.memref_slice %arg2[%dma_wait3A_289, %dma_wait3A_290] : memref<10112x48xf32, #tpu.memory_space<hbm>> -> memref<10112x48xf32, #tpu.memory_space<hbm>>
      tpu.wait_indirect_dma semaphore(%arg22 : memref<!tpu.dma_semaphore, #tpu.memory_space<semaphore_mem>>) src(%dma_wait3A_291 : memref<10112x48xf32, #tpu.memory_space<hbm>>) dst(%arg19 : memref<128x48xf32, #tpu.memory_space<vmem>>)
      %add3A_292 = arith.constant 1 : i32
      %add3A_293 = arith.addi %mul3A_83, %add3A_292 : i32
      %mul3A_294 = arith.constant 5 : i32
      %mul3A_295 = arith.muli %add3A_293, %mul3A_294 : i32
      %add3A_296 = arith.constant 0 : i32
      %add3A_297 = arith.addi %mul3A_295, %add3A_296 : i32
      %dma_start3A_298 = arith.constant 0 : i32
      %dma_start3A_299 = tpu.memref_slice %arg9[%add3A_297, %dma_start3A_298] : memref<80x128xi32, #tpu.memory_space<vmem>> -> memref<1x128xi32, #tpu.memory_space<vmem>>
      %dma_start3A_300 = tpu.memref_squeeze %dma_start3A_299 : memref<1x128xi32, #tpu.memory_space<vmem>> -> memref<128xi32, #tpu.memory_space<vmem>>
      %dma_start3A_301 = arith.constant 0 : i32
      %dma_start3A_302 = arith.constant 0 : i32
      %dma_start3A_303 = tpu.memref_slice %arg20[%dma_start3A_301, %dma_start3A_302] : memref<10112x48xf32, #tpu.memory_space<vmem_shared>> -> memref<10112x48xf32, #tpu.memory_space<vmem_shared>>
      tpu.enqueue_indirect_dma source(%arg15 : memref<128x48xf32, #tpu.memory_space<vmem>>) target(%dma_start3A_303 : memref<10112x48xf32, #tpu.memory_space<vmem_shared>>) offsets(%dma_start3A_300 : memref<128xi32, #tpu.memory_space<vmem>>) semaphore(%arg24 : memref<!tpu.dma_semaphore, #tpu.memory_space<semaphore_mem>>) {add = true}
      %mul3A_304 = arith.constant 5 : i32
      %mul3A_305 = arith.muli %add3A_293, %mul3A_304 : i32
      %add3A_306 = arith.constant 1 : i32
      %add3A_307 = arith.addi %mul3A_305, %add3A_306 : i32
      %dma_start3A_308 = arith.constant 0 : i32
      %dma_start3A_309 = tpu.memref_slice %arg9[%add3A_307, %dma_start3A_308] : memref<80x128xi32, #tpu.memory_space<vmem>> -> memref<1x128xi32, #tpu.memory_space<vmem>>
      %dma_start3A_310 = tpu.memref_squeeze %dma_start3A_309 : memref<1x128xi32, #tpu.memory_space<vmem>> -> memref<128xi32, #tpu.memory_space<vmem>>
      %dma_start3A_311 = arith.constant 0 : i32
      %dma_start3A_312 = arith.constant 0 : i32
      %dma_start3A_313 = tpu.memref_slice %arg20[%dma_start3A_311, %dma_start3A_312] : memref<10112x48xf32, #tpu.memory_space<vmem_shared>> -> memref<10112x48xf32, #tpu.memory_space<vmem_shared>>
      tpu.enqueue_indirect_dma source(%arg16 : memref<128x48xf32, #tpu.memory_space<vmem>>) target(%dma_start3A_313 : memref<10112x48xf32, #tpu.memory_space<vmem_shared>>) offsets(%dma_start3A_310 : memref<128xi32, #tpu.memory_space<vmem>>) semaphore(%arg24 : memref<!tpu.dma_semaphore, #tpu.memory_space<semaphore_mem>>) {add = true}
      %mul3A_314 = arith.constant 5 : i32
      %mul3A_315 = arith.muli %add3A_293, %mul3A_314 : i32
      %add3A_316 = arith.constant 2 : i32
      %add3A_317 = arith.addi %mul3A_315, %add3A_316 : i32
      %dma_start3A_318 = arith.constant 0 : i32
      %dma_start3A_319 = tpu.memref_slice %arg9[%add3A_317, %dma_start3A_318] : memref<80x128xi32, #tpu.memory_space<vmem>> -> memref<1x128xi32, #tpu.memory_space<vmem>>
      %dma_start3A_320 = tpu.memref_squeeze %dma_start3A_319 : memref<1x128xi32, #tpu.memory_space<vmem>> -> memref<128xi32, #tpu.memory_space<vmem>>
      %dma_start3A_321 = arith.constant 0 : i32
      %dma_start3A_322 = arith.constant 0 : i32
      %dma_start3A_323 = tpu.memref_slice %arg20[%dma_start3A_321, %dma_start3A_322] : memref<10112x48xf32, #tpu.memory_space<vmem_shared>> -> memref<10112x48xf32, #tpu.memory_space<vmem_shared>>
      tpu.enqueue_indirect_dma source(%arg17 : memref<128x48xf32, #tpu.memory_space<vmem>>) target(%dma_start3A_323 : memref<10112x48xf32, #tpu.memory_space<vmem_shared>>) offsets(%dma_start3A_320 : memref<128xi32, #tpu.memory_space<vmem>>) semaphore(%arg24 : memref<!tpu.dma_semaphore, #tpu.memory_space<semaphore_mem>>) {add = true}
      %mul3A_324 = arith.constant 5 : i32
      %mul3A_325 = arith.muli %add3A_293, %mul3A_324 : i32
      %add3A_326 = arith.constant 3 : i32
      %add3A_327 = arith.addi %mul3A_325, %add3A_326 : i32
      %dma_start3A_328 = arith.constant 0 : i32
      %dma_start3A_329 = tpu.memref_slice %arg9[%add3A_327, %dma_start3A_328] : memref<80x128xi32, #tpu.memory_space<vmem>> -> memref<1x128xi32, #tpu.memory_space<vmem>>
      %dma_start3A_330 = tpu.memref_squeeze %dma_start3A_329 : memref<1x128xi32, #tpu.memory_space<vmem>> -> memref<128xi32, #tpu.memory_space<vmem>>
      %dma_start3A_331 = arith.constant 0 : i32
      %dma_start3A_332 = arith.constant 0 : i32
      %dma_start3A_333 = tpu.memref_slice %arg20[%dma_start3A_331, %dma_start3A_332] : memref<10112x48xf32, #tpu.memory_space<vmem_shared>> -> memref<10112x48xf32, #tpu.memory_space<vmem_shared>>
      tpu.enqueue_indirect_dma source(%arg18 : memref<128x48xf32, #tpu.memory_space<vmem>>) target(%dma_start3A_333 : memref<10112x48xf32, #tpu.memory_space<vmem_shared>>) offsets(%dma_start3A_330 : memref<128xi32, #tpu.memory_space<vmem>>) semaphore(%arg24 : memref<!tpu.dma_semaphore, #tpu.memory_space<semaphore_mem>>) {add = true}
      %mul3A_334 = arith.constant 5 : i32
      %mul3A_335 = arith.muli %add3A_293, %mul3A_334 : i32
      %add3A_336 = arith.constant 4 : i32
      %add3A_337 = arith.addi %mul3A_335, %add3A_336 : i32
      %dma_start3A_338 = arith.constant 0 : i32
      %dma_start3A_339 = tpu.memref_slice %arg9[%add3A_337, %dma_start3A_338] : memref<80x128xi32, #tpu.memory_space<vmem>> -> memref<1x128xi32, #tpu.memory_space<vmem>>
      %dma_start3A_340 = tpu.memref_squeeze %dma_start3A_339 : memref<1x128xi32, #tpu.memory_space<vmem>> -> memref<128xi32, #tpu.memory_space<vmem>>
      %dma_start3A_341 = arith.constant 0 : i32
      %dma_start3A_342 = arith.constant 0 : i32
      %dma_start3A_343 = tpu.memref_slice %arg20[%dma_start3A_341, %dma_start3A_342] : memref<10112x48xf32, #tpu.memory_space<vmem_shared>> -> memref<10112x48xf32, #tpu.memory_space<vmem_shared>>
      tpu.enqueue_indirect_dma source(%arg19 : memref<128x48xf32, #tpu.memory_space<vmem>>) target(%dma_start3A_343 : memref<10112x48xf32, #tpu.memory_space<vmem_shared>>) offsets(%dma_start3A_340 : memref<128xi32, #tpu.memory_space<vmem>>) semaphore(%arg24 : memref<!tpu.dma_semaphore, #tpu.memory_space<semaphore_mem>>) {add = true}
      %dma_wait3A_344 = arith.constant 0 : i32
      %dma_wait3A_345 = tpu.memref_slice %arg9[%add3A_297, %dma_wait3A_344] : memref<80x128xi32, #tpu.memory_space<vmem>> -> memref<1x128xi32, #tpu.memory_space<vmem>>
      %dma_wait3A_346 = tpu.memref_squeeze %dma_wait3A_345 : memref<1x128xi32, #tpu.memory_space<vmem>> -> memref<128xi32, #tpu.memory_space<vmem>>
      %dma_wait3A_347 = arith.constant 0 : i32
      %dma_wait3A_348 = arith.constant 0 : i32
      %dma_wait3A_349 = tpu.memref_slice %arg20[%dma_wait3A_347, %dma_wait3A_348] : memref<10112x48xf32, #tpu.memory_space<vmem_shared>> -> memref<10112x48xf32, #tpu.memory_space<vmem_shared>>
      tpu.wait_indirect_dma semaphore(%arg24 : memref<!tpu.dma_semaphore, #tpu.memory_space<semaphore_mem>>) src(%arg15 : memref<128x48xf32, #tpu.memory_space<vmem>>) dst(%dma_wait3A_349 : memref<10112x48xf32, #tpu.memory_space<vmem_shared>>)
      %dma_wait3A_350 = arith.constant 0 : i32
      %dma_wait3A_351 = tpu.memref_slice %arg9[%add3A_307, %dma_wait3A_350] : memref<80x128xi32, #tpu.memory_space<vmem>> -> memref<1x128xi32, #tpu.memory_space<vmem>>
      %dma_wait3A_352 = tpu.memref_squeeze %dma_wait3A_351 : memref<1x128xi32, #tpu.memory_space<vmem>> -> memref<128xi32, #tpu.memory_space<vmem>>
      %dma_wait3A_353 = arith.constant 0 : i32
      %dma_wait3A_354 = arith.constant 0 : i32
      %dma_wait3A_355 = tpu.memref_slice %arg20[%dma_wait3A_353, %dma_wait3A_354] : memref<10112x48xf32, #tpu.memory_space<vmem_shared>> -> memref<10112x48xf32, #tpu.memory_space<vmem_shared>>
      tpu.wait_indirect_dma semaphore(%arg24 : memref<!tpu.dma_semaphore, #tpu.memory_space<semaphore_mem>>) src(%arg16 : memref<128x48xf32, #tpu.memory_space<vmem>>) dst(%dma_wait3A_355 : memref<10112x48xf32, #tpu.memory_space<vmem_shared>>)
      %dma_wait3A_356 = arith.constant 0 : i32
      %dma_wait3A_357 = tpu.memref_slice %arg9[%add3A_317, %dma_wait3A_356] : memref<80x128xi32, #tpu.memory_space<vmem>> -> memref<1x128xi32, #tpu.memory_space<vmem>>
      %dma_wait3A_358 = tpu.memref_squeeze %dma_wait3A_357 : memref<1x128xi32, #tpu.memory_space<vmem>> -> memref<128xi32, #tpu.memory_space<vmem>>
      %dma_wait3A_359 = arith.constant 0 : i32
      %dma_wait3A_360 = arith.constant 0 : i32
      %dma_wait3A_361 = tpu.memref_slice %arg20[%dma_wait3A_359, %dma_wait3A_360] : memref<10112x48xf32, #tpu.memory_space<vmem_shared>> -> memref<10112x48xf32, #tpu.memory_space<vmem_shared>>
      tpu.wait_indirect_dma semaphore(%arg24 : memref<!tpu.dma_semaphore, #tpu.memory_space<semaphore_mem>>) src(%arg17 : memref<128x48xf32, #tpu.memory_space<vmem>>) dst(%dma_wait3A_361 : memref<10112x48xf32, #tpu.memory_space<vmem_shared>>)
      %dma_wait3A_362 = arith.constant 0 : i32
      %dma_wait3A_363 = tpu.memref_slice %arg9[%add3A_327, %dma_wait3A_362] : memref<80x128xi32, #tpu.memory_space<vmem>> -> memref<1x128xi32, #tpu.memory_space<vmem>>
      %dma_wait3A_364 = tpu.memref_squeeze %dma_wait3A_363 : memref<1x128xi32, #tpu.memory_space<vmem>> -> memref<128xi32, #tpu.memory_space<vmem>>
      %dma_wait3A_365 = arith.constant 0 : i32
      %dma_wait3A_366 = arith.constant 0 : i32
      %dma_wait3A_367 = tpu.memref_slice %arg20[%dma_wait3A_365, %dma_wait3A_366] : memref<10112x48xf32, #tpu.memory_space<vmem_shared>> -> memref<10112x48xf32, #tpu.memory_space<vmem_shared>>
      tpu.wait_indirect_dma semaphore(%arg24 : memref<!tpu.dma_semaphore, #tpu.memory_space<semaphore_mem>>) src(%arg18 : memref<128x48xf32, #tpu.memory_space<vmem>>) dst(%dma_wait3A_367 : memref<10112x48xf32, #tpu.memory_space<vmem_shared>>)
      %dma_wait3A_368 = arith.constant 0 : i32
      %dma_wait3A_369 = tpu.memref_slice %arg9[%add3A_337, %dma_wait3A_368] : memref<80x128xi32, #tpu.memory_space<vmem>> -> memref<1x128xi32, #tpu.memory_space<vmem>>
      %dma_wait3A_370 = tpu.memref_squeeze %dma_wait3A_369 : memref<1x128xi32, #tpu.memory_space<vmem>> -> memref<128xi32, #tpu.memory_space<vmem>>
      %dma_wait3A_371 = arith.constant 0 : i32
      %dma_wait3A_372 = arith.constant 0 : i32
      %dma_wait3A_373 = tpu.memref_slice %arg20[%dma_wait3A_371, %dma_wait3A_372] : memref<10112x48xf32, #tpu.memory_space<vmem_shared>> -> memref<10112x48xf32, #tpu.memory_space<vmem_shared>>
      tpu.wait_indirect_dma semaphore(%arg24 : memref<!tpu.dma_semaphore, #tpu.memory_space<semaphore_mem>>) src(%arg19 : memref<128x48xf32, #tpu.memory_space<vmem>>) dst(%dma_wait3A_373 : memref<10112x48xf32, #tpu.memory_space<vmem_shared>>)
    }
    %scan3A_72 = arith.constant 8 : i32
    %barrier3A_73 = arith.constant 0 : index
    tpu.barrier barrier_id(%barrier3A_73)
    %eq3A = arith.constant 0 : i32
    %eq3A_74 = arith.cmpi eq, %arg0, %eq3A : i32
    %convert_element_type3A = arith.extui %eq3A_74 : i1 to i32
    %cond3A = arith.constant 0 : i32
    %cond3A_75 = arith.cmpi ne, %convert_element_type3A, %cond3A : i32
    scf.if %cond3A_75 {
      "tpu.region"() ({
        %run_scoped3A = tpu.sem_alloc : memref<!tpu.dma_semaphore, #tpu.memory_space<semaphore_mem>>
        %dma_start3A_81 = arith.constant 0 : i32
        %dma_start3A_82 = tpu.memref_slice %arg6[%mul3A_2, %dma_start3A_81] : memref<10112x48xf32, #tpu.memory_space<hbm>> -> memref<632x48xf32, #tpu.memory_space<hbm>>
        %dma_start3A_83 = arith.constant 0 : i32
        %dma_start3A_84 = tpu.memref_slice %arg20[%mul3A_2, %dma_start3A_83] : memref<10112x48xf32, #tpu.memory_space<vmem_shared>> -> memref<632x48xf32, #tpu.memory_space<vmem_shared>>
        tpu.enqueue_dma source(%dma_start3A_84 : memref<632x48xf32, #tpu.memory_space<vmem_shared>>) target(%dma_start3A_82 : memref<632x48xf32, #tpu.memory_space<hbm>>) target_semaphore(%run_scoped3A : memref<!tpu.dma_semaphore, #tpu.memory_space<semaphore_mem>>)
        %dma_wait3A_85 = arith.constant 0 : i32
        %dma_wait3A_86 = tpu.memref_slice %arg6[%mul3A_2, %dma_wait3A_85] : memref<10112x48xf32, #tpu.memory_space<hbm>> -> memref<632x48xf32, #tpu.memory_space<hbm>>
        %dma_wait3A_87 = arith.constant 0 : i32
        %dma_wait3A_88 = tpu.memref_slice %arg20[%mul3A_2, %dma_wait3A_87] : memref<10112x48xf32, #tpu.memory_space<vmem_shared>> -> memref<632x48xf32, #tpu.memory_space<vmem_shared>>
        tpu.wait_dma2 semaphore(%run_scoped3A : memref<!tpu.dma_semaphore, #tpu.memory_space<semaphore_mem>>) src(%dma_wait3A_88 : memref<632x48xf32, #tpu.memory_space<vmem_shared>>) dst(%dma_wait3A_86 : memref<632x48xf32, #tpu.memory_space<hbm>>)
        tpu.yield
      }) : () -> ()
    } else {
    }
    %eq3A_76 = arith.constant 1 : i32
    %eq3A_77 = arith.cmpi eq, %arg0, %eq3A_76 : i32
    %convert_element_type3A_78 = arith.extui %eq3A_77 : i1 to i32
    %cond3A_79 = arith.constant 0 : i32
    %cond3A_80 = arith.cmpi ne, %convert_element_type3A_78, %cond3A_79 : i32
    scf.if %cond3A_80 {
      "tpu.region"() ({
        %run_scoped3A = tpu.sem_alloc : memref<!tpu.dma_semaphore, #tpu.memory_space<semaphore_mem>>
        %dma_start3A_81 = arith.constant 0 : i32
        %dma_start3A_82 = tpu.memref_slice %arg7[%mul3A_2, %dma_start3A_81] : memref<10112x48xf32, #tpu.memory_space<hbm>> -> memref<632x48xf32, #tpu.memory_space<hbm>>
        %dma_start3A_83 = arith.constant 0 : i32
        %dma_start3A_84 = tpu.memref_slice %arg20[%mul3A_2, %dma_start3A_83] : memref<10112x48xf32, #tpu.memory_space<vmem_shared>> -> memref<632x48xf32, #tpu.memory_space<vmem_shared>>
        tpu.enqueue_dma source(%dma_start3A_84 : memref<632x48xf32, #tpu.memory_space<vmem_shared>>) target(%dma_start3A_82 : memref<632x48xf32, #tpu.memory_space<hbm>>) target_semaphore(%run_scoped3A : memref<!tpu.dma_semaphore, #tpu.memory_space<semaphore_mem>>)
        %dma_wait3A_85 = arith.constant 0 : i32
        %dma_wait3A_86 = tpu.memref_slice %arg7[%mul3A_2, %dma_wait3A_85] : memref<10112x48xf32, #tpu.memory_space<hbm>> -> memref<632x48xf32, #tpu.memory_space<hbm>>
        %dma_wait3A_87 = arith.constant 0 : i32
        %dma_wait3A_88 = tpu.memref_slice %arg20[%mul3A_2, %dma_wait3A_87] : memref<10112x48xf32, #tpu.memory_space<vmem_shared>> -> memref<632x48xf32, #tpu.memory_space<vmem_shared>>
        tpu.wait_dma2 semaphore(%run_scoped3A : memref<!tpu.dma_semaphore, #tpu.memory_space<semaphore_mem>>) src(%dma_wait3A_88 : memref<632x48xf32, #tpu.memory_space<vmem_shared>>) dst(%dma_wait3A_86 : memref<632x48xf32, #tpu.memory_space<hbm>>)
        tpu.yield
      }) : () -> ()
    } else {
    }
    return
  }
}

module attributes {stable_mosaic.version = 14 : i64} {
  func.func @_tcz_body(%arg0: memref<10112x128xf32, #tpu.memory_space<vmem>>, %arg1: memref<128x48xf32, #tpu.memory_space<vmem>>, %arg2: memref<10112x48xf32, #tpu.memory_space<vmem>>) attributes {dimension_semantics = [], scalar_prefetch = 0 : i64, scratch_operands = 0 : i64, tpu.core_type = #tpu.core_type<tc>} {
    %get3A = arith.constant 0 : index
    %get3A_0 = arith.constant 0 : index
    %get3A_1 = vector.load %arg0[%get3A, %get3A_0] : memref<10112x128xf32, #tpu.memory_space<vmem>>, vector<10112x128xf32>
    %get3A_2 = arith.constant 0 : index
    %get3A_3 = arith.constant 0 : index
    %get3A_4 = vector.load %arg1[%get3A_2, %get3A_3] : memref<128x48xf32, #tpu.memory_space<vmem>>, vector<128x48xf32>
    %dot_general3A = arith.constant dense<0.000000e+00> : vector<10112x48xf32>
    %dot_general3A_5 = tpu.matmul %get3A_1, %get3A_4, %dot_general3A {dimension_numbers = #tpu.dot_dimension_numbers<[1], [0], [0], [1], [0, 0, 1, 1], [], []>, transpose_lhs_hint = false} : vector<10112x128xf32>, vector<128x48xf32>, vector<10112x48xf32> -> vector<10112x48xf32>
    %swap3A = arith.constant 0 : index
    %swap3A_6 = arith.constant 0 : index
    %swap3A_7 = vector.load %arg2[%swap3A, %swap3A_6] : memref<10112x48xf32, #tpu.memory_space<vmem>>, vector<10112x48xf32>
    tpu.vector_store %arg2[%swap3A, %swap3A_6], %dot_general3A_5 {strides = array<i32>} : memref<10112x48xf32, #tpu.memory_space<vmem>>, vector<10112x48xf32>,
    return
  }
}

module attributes {stable_mosaic.version = 14 : i64} {
  func.func @_tcn_body(%arg0: memref<10112x48xf32, #tpu.memory_space<vmem>>, %arg1: memref<10112x32xf32, #tpu.memory_space<vmem>>, %arg2: memref<10112x48xf32, #tpu.memory_space<vmem>>, %arg3: memref<10112x1xf32, #tpu.memory_space<vmem>>) attributes {dimension_semantics = [], scalar_prefetch = 0 : i64, scratch_operands = 0 : i64, tpu.core_type = #tpu.core_type<tc>} {
    %get3A = arith.constant 0 : index
    %get3A_0 = arith.constant 0 : index
    %get3A_1 = vector.load %arg1[%get3A, %get3A_0] : memref<10112x32xf32, #tpu.memory_space<vmem>>, vector<10112x32xf32>
    %reduce_sum3A = arith.constant dense<0.000000e+00> : vector<10112xf32>
    %reduce_sum3A_2 = vector.multi_reduction <add>, %get3A_1, %reduce_sum3A [1] : vector<10112x32xf32> to vector<10112xf32>
    %broadcast_in_dim3A = vector.shape_cast %reduce_sum3A_2 : vector<10112xf32> to vector<10112x1xf32>
    %add3A = arith.constant 1.000000e+00 : f32
    %add3A_3 = vector.broadcast %add3A : f32 to vector<10112x1xf32>
    %add3A_4 = arith.addf %broadcast_in_dim3A, %add3A_3 : vector<10112x1xf32>
    %rsqrt3A = math.rsqrt %add3A_4 : vector<10112x1xf32>
    %get3A_5 = arith.constant 0 : index
    %get3A_6 = arith.constant 0 : index
    %get3A_7 = vector.load %arg0[%get3A_5, %get3A_6] : memref<10112x48xf32, #tpu.memory_space<vmem>>, vector<10112x48xf32>
    %mul3A = vector.broadcast %rsqrt3A : vector<10112x1xf32> to vector<10112x48xf32>
    %mul3A_8 = arith.mulf %get3A_7, %mul3A : vector<10112x48xf32>
    %swap3A = arith.constant 0 : index
    %swap3A_9 = arith.constant 0 : index
    %swap3A_10 = vector.load %arg2[%swap3A, %swap3A_9] : memref<10112x48xf32, #tpu.memory_space<vmem>>, vector<10112x48xf32>
    tpu.vector_store %arg2[%swap3A, %swap3A_9], %mul3A_8 {strides = array<i32>} : memref<10112x48xf32, #tpu.memory_space<vmem>>, vector<10112x48xf32>,
    %swap3A_11 = arith.constant 0 : index
    %swap3A_12 = arith.constant 0 : index
    %swap3A_13 = vector.load %arg3[%swap3A_11, %swap3A_12] : memref<10112x1xf32, #tpu.memory_space<vmem>>, vector<10112x1xf32>
    tpu.vector_store %arg3[%swap3A_11, %swap3A_12], %rsqrt3A {strides = array<i32>} : memref<10112x1xf32, #tpu.memory_space<vmem>>, vector<10112x1xf32>,
    return
  }
}

module attributes {stable_mosaic.version = 14 : i64} {
  func.func @_tc2_body(%arg0: memref<10112x48xf32, #tpu.memory_space<vmem>>, %arg1: memref<10112x1xf32, #tpu.memory_space<vmem>>, %arg2: memref<10112x48xf32, #tpu.memory_space<vmem>>, %arg3: memref<10112x48xf32, #tpu.memory_space<vmem>>, %arg4: memref<10112x48xf32, #tpu.memory_space<vmem>>, %arg5: memref<10112x48xf32, #tpu.memory_space<vmem>>) attributes {dimension_semantics = [], scalar_prefetch = 0 : i64, scratch_operands = 0 : i64, tpu.core_type = #tpu.core_type<tc>} {
    %get3A = arith.constant 0 : index
    %get3A_0 = arith.constant 0 : index
    %get3A_1 = vector.load %arg1[%get3A, %get3A_0] : memref<10112x1xf32, #tpu.memory_space<vmem>>, vector<10112x1xf32>
    %get3A_2 = arith.constant 0 : index
    %get3A_3 = arith.constant 0 : index
    %get3A_4 = vector.load %arg0[%get3A_2, %get3A_3] : memref<10112x48xf32, #tpu.memory_space<vmem>>, vector<10112x48xf32>
    %get3A_5 = arith.constant 0 : index
    %get3A_6 = arith.constant 0 : index
    %get3A_7 = vector.load %arg2[%get3A_5, %get3A_6] : memref<10112x48xf32, #tpu.memory_space<vmem>>, vector<10112x48xf32>
    %get3A_8 = arith.constant 0 : index
    %get3A_9 = arith.constant 0 : index
    %get3A_10 = vector.load %arg3[%get3A_8, %get3A_9] : memref<10112x48xf32, #tpu.memory_space<vmem>>, vector<10112x48xf32>
    %add3A = arith.addf %get3A_7, %get3A_10 : vector<10112x48xf32>
    %mul3A = arith.constant 5.000000e-01 : f32
    %mul3A_11 = vector.broadcast %mul3A : f32 to vector<10112x48xf32>
    %mul3A_12 = arith.mulf %mul3A_11, %get3A_4 : vector<10112x48xf32>
    %mul3A_13 = arith.mulf %get3A_1, %get3A_1 : vector<10112x1xf32>
    %mul3A_14 = vector.broadcast %mul3A_13 : vector<10112x1xf32> to vector<10112x48xf32>
    %mul3A_15 = arith.mulf %mul3A_14, %get3A_4 : vector<10112x48xf32>
    %mul3A_16 = vector.broadcast %get3A_1 : vector<10112x1xf32> to vector<10112x48xf32>
    %mul3A_17 = arith.mulf %mul3A_16, %add3A : vector<10112x48xf32>
    %add3A_18 = arith.addf %mul3A_15, %mul3A_17 : vector<10112x48xf32>
    %mul3A_19 = arith.constant 5.000000e-01 : f32
    %mul3A_20 = vector.broadcast %mul3A_19 : f32 to vector<10112x48xf32>
    %mul3A_21 = arith.mulf %mul3A_20, %add3A_18 : vector<10112x48xf32>
    %add3A_22 = arith.addf %mul3A_12, %mul3A_21 : vector<10112x48xf32>
    %swap3A = arith.constant 0 : index
    %swap3A_23 = arith.constant 0 : index
    %swap3A_24 = vector.load %arg4[%swap3A, %swap3A_23] : memref<10112x48xf32, #tpu.memory_space<vmem>>, vector<10112x48xf32>
    tpu.vector_store %arg4[%swap3A, %swap3A_23], %add3A_22 {strides = array<i32>} : memref<10112x48xf32, #tpu.memory_space<vmem>>, vector<10112x48xf32>,
    %mul3A_25 = vector.broadcast %get3A_1 : vector<10112x1xf32> to vector<10112x48xf32>
    %mul3A_26 = arith.mulf %mul3A_25, %add3A_22 : vector<10112x48xf32>
    %swap3A_27 = arith.constant 0 : index
    %swap3A_28 = arith.constant 0 : index
    %swap3A_29 = vector.load %arg5[%swap3A_27, %swap3A_28] : memref<10112x48xf32, #tpu.memory_space<vmem>>, vector<10112x48xf32>
    tpu.vector_store %arg5[%swap3A_27, %swap3A_28], %mul3A_26 {strides = array<i32>} : memref<10112x48xf32, #tpu.memory_space<vmem>>, vector<10112x48xf32>,
    return
  }
}

module attributes {stable_mosaic.version = 14 : i64} {
  func.func @_tc3_body(%arg0: memref<10112x48xf32, #tpu.memory_space<vmem>>, %arg1: memref<10112x1xf32, #tpu.memory_space<vmem>>, %arg2: memref<10112x48xf32, #tpu.memory_space<vmem>>, %arg3: memref<10112x48xf32, #tpu.memory_space<vmem>>, %arg4: memref<1x40xf32, #tpu.memory_space<vmem>>, %arg5: memref<10000x40xf32, #tpu.memory_space<vmem>>) attributes {dimension_semantics = [], scalar_prefetch = 0 : i64, scratch_operands = 0 : i64, tpu.core_type = #tpu.core_type<tc>} {
    %get3A = arith.constant 0 : index
    %get3A_0 = arith.constant 0 : index
    %get3A_1 = vector.load %arg1[%get3A, %get3A_0] : memref<10112x1xf32, #tpu.memory_space<vmem>>, vector<10112x1xf32>
    %get3A_2 = arith.constant 0 : index
    %get3A_3 = arith.constant 0 : index
    %get3A_4 = vector.load %arg0[%get3A_2, %get3A_3] : memref<10112x48xf32, #tpu.memory_space<vmem>>, vector<10112x48xf32>
    %get3A_5 = arith.constant 0 : index
    %get3A_6 = arith.constant 0 : index
    %get3A_7 = vector.load %arg2[%get3A_5, %get3A_6] : memref<10112x48xf32, #tpu.memory_space<vmem>>, vector<10112x48xf32>
    %get3A_8 = arith.constant 0 : index
    %get3A_9 = arith.constant 0 : index
    %get3A_10 = vector.load %arg3[%get3A_8, %get3A_9] : memref<10112x48xf32, #tpu.memory_space<vmem>>, vector<10112x48xf32>
    %add3A = arith.addf %get3A_7, %get3A_10 : vector<10112x48xf32>
    %mul3A = arith.constant 5.000000e-01 : f32
    %mul3A_11 = vector.broadcast %mul3A : f32 to vector<10112x48xf32>
    %mul3A_12 = arith.mulf %mul3A_11, %get3A_4 : vector<10112x48xf32>
    %mul3A_13 = arith.mulf %get3A_1, %get3A_1 : vector<10112x1xf32>
    %mul3A_14 = vector.broadcast %mul3A_13 : vector<10112x1xf32> to vector<10112x48xf32>
    %mul3A_15 = arith.mulf %mul3A_14, %get3A_4 : vector<10112x48xf32>
    %mul3A_16 = vector.broadcast %get3A_1 : vector<10112x1xf32> to vector<10112x48xf32>
    %mul3A_17 = arith.mulf %mul3A_16, %add3A : vector<10112x48xf32>
    %add3A_18 = arith.addf %mul3A_15, %mul3A_17 : vector<10112x48xf32>
    %mul3A_19 = arith.constant 5.000000e-01 : f32
    %mul3A_20 = vector.broadcast %mul3A_19 : f32 to vector<10112x48xf32>
    %mul3A_21 = arith.mulf %mul3A_20, %add3A_18 : vector<10112x48xf32>
    %add3A_22 = arith.addf %mul3A_12, %mul3A_21 : vector<10112x48xf32>
    %slice3A = vector.extract_strided_slice %add3A_22 {offsets = [0, 0], sizes = [10000, 40], strides = [1, 1]} : vector<10112x48xf32> to vector<10000x40xf32>
    %get3A_23 = arith.constant 0 : index
    %get3A_24 = arith.constant 0 : index
    %get3A_25 = vector.load %arg4[%get3A_23, %get3A_24] : memref<1x40xf32, #tpu.memory_space<vmem>>, vector<1x40xf32>
    %add3A_26 = vector.broadcast %get3A_25 : vector<1x40xf32> to vector<10000x40xf32>
    %add3A_27 = arith.addf %slice3A, %add3A_26 : vector<10000x40xf32>
    %swap3A = arith.constant 0 : index
    %swap3A_28 = arith.constant 0 : index
    %swap3A_29 = vector.load %arg5[%swap3A, %swap3A_28] : memref<10000x40xf32, #tpu.memory_space<vmem>>, vector<10000x40xf32>
    tpu.vector_store %arg5[%swap3A, %swap3A_28], %add3A_27 {strides = array<i32>} : memref<10000x40xf32, #tpu.memory_space<vmem>>, vector<10000x40xf32>,
    return
  }
}

</mosaic_0001>

<sc_bundles>
// kernel: kernel.12.cloned.1.call-start
scs
__scs_entry_jumppad:
0x0: {  	(pc) =	sbr.rel $0x88, $3  }
0x1: {  	(tag) =	ssettag $0x0;
	lr =	simm.s32 $0x1  }
0x2: {  	[smem:$0x3F9D] =	sst lr;
	_ =	strace $0xD0000000  }
0x3: {  	_ = 	snop  }
0x4: {  	_ = 	snop  }
0x5: {  	_ = 	snop  }
0x6: {  	_ = 	snop  }
0x7: {  	_ = 	snop  }
__scs_overlays_trampoline_lowered:
0x8: {  	[smem:$0x3FAC] =	sst s0  }
0x9: {  	[smem:$0x3FAD] =	sst s1  }
0xa: {  	[smem:$0x3FAE] =	sst s2  }
0xb: {  	[smem:$0x3FAF] =	sst s3  }
0xc: {  	[smem:$0x3FB0] =	sst s4  }
0xd: {  	[smem:$0x3FB1] =	sst s5  }
0xe: {  	[smem:$0x3FB2] =	sst s6  }
0xf: {  	[smem:$0x3FB3] =	sst s7  }
0x10: {  	[smem:$0x3FB4] =	sst s8  }
0x11: {  	[smem:$0x3FB5] =	sst s9;
	s0 =	simm.s32 @!p0 $0x0  }
0x12: {  	s1 =	sld [smem:$0x3F9B];
	s0 =	simm.s32 @p0 $0x1  }
0x13: {  	[smem:$0x3FB6] =	sst s0;
	s0 =	simm.s32 @!p1 $0x0  }
0x14: {  	s2 =	sld [smem:$0x3F9A];
	s0 =	simm.s32 @p1 $0x1  }
0x15: {  	[smem:$0x3FB7] =	sst s0;
	s0 =	simm.s32 @!p2 $0x0  }
0x16: {  	s3 =	sld [smem:$0x3FDB];
	s0 =	simm.s32 @p2 $0x1  }
0x17: {  	s4 =	simm.s32 $0x1BF5;
	[smem:$0x3FB9] =	sst s0  }
0x18: {  	s0 =	sld [smem:$0x3F9C];
	_ =	swait.ge [sflag:s4], $0x0  }
0x19: {  	s7 =	sld [smem:$0x3F9D]  }
0x1a: {  	s8 =	sadd.s32 $0xFFFFE003, lr  }
0x1b: {  	s9 =	sadd.s32 $0xFFFFFEF7, lr;
	s5 =	simm.s32 $0xFFFFFFFF;
	p2 =	slt.u32 s8, $0xFFFFF086  }
0x1c: {  	p1 =	slt.u32 s9, $0xF7A;
	s5 =	simm.s32 @!p2 $0x0  }
0x1d: {  	s5 =	simm.s32 @p1 $0x1;
	p0 =	seq.s32 s7, s2  }
0x1e: {  	s7 =	smul.u32 @!p0 $0xF7A, s2;
	p2 =	seq.s32 @!p0 s5, $0x0  }
0x1f: {  	s9 =	smul.u32 $0xF7A, s1;
	s8 =	simm.s32 @!p0 $0x1BF5;
	p2 =	por !p2, p0  }
0x20: {  	[sflag:s8] =	ssyncset.s32 @!p0 $0xFFFFF086;
	s6 =	sadd.s32 @!p0 s3, s7;
	s7 =	simm.s32 @!p0 $0x108  }
0x21: {  	s3 =	sadd.s32 s3, s9;
	s6 =	sadd.s32 @!p0 $0x88, s6;
	s7 =	simm.s32 @p2 $0x1082  }
0x22: {  	[simem:s7], [sflag:s8] =	dma.local @!p0 [hbm:s6], $0xF7A  }
0x23: {  	s9 =	sor.u32 $0xD0000000, s2;
	s6 =	simm.s32 $0x108;
	_ =	swait.ge @!p0 [sflag:s8], $0x0  }
0x24: {  	s3 =	sadd.s32 $0x88, s3;
	s6 =	simm.s32 @!p1 $0x1082;
	[sflag:s4] =	ssyncset.s32 $0xFFFFF086  }
0x25: {  	[simem:s6], [sflag:s4] =	dma.local [hbm:s3], $0xF7A  }
0x26: {  	[smem:$0x3F9D] =	sst s1;
	(tag) =	ssettag s2;
	_ =	strace s9  }
0x27: {  	s1 =	sld [smem:$0x3FAD]  }
0x28: {  	s2 =	sld [smem:$0x3FAE]  }
0x29: {  	s4 =	sld [smem:$0x3FB0]  }
0x2a: {  	p0 =	seq.s32 s5, $0x0;
	s5 =	sld [smem:$0x3FB1]  }
0x2b: {  	s6 =	sld [smem:$0x3FB2]  }
0x2c: {  	s7 =	sld [smem:$0x3FB3]  }
0x2d: {  	s3 =	simm.s32 $0x108;
	s8 =	sld [smem:$0x3FB4]  }
0x2e: {  	s3 =	simm.s32 @!p0 $0x1082;
	s9 =	sld [smem:$0x3FB5]  }
0x2f: {  	lr =	sadd.s32 s0, s3;
	s0 =	sld [smem:$0x3FAC]  }
0x30: {  	s3 =	sld [smem:$0x3FAF]  }
0x31: {  	[smem:$0x3FB8] =	sst s10  }
0x32: {  	s10 =	sld [smem:$0x3FB6];
	_ =	sdelay $0x3  }
0x33: {  	p0 =	seq.s32 s10, $0x1;
	s10 =	sld [smem:$0x3FB8];
	_ =	sdelay $0x3  }
0x34: {  	[smem:$0x3FB8] =	sst s10  }
0x35: {  	s10 =	sld [smem:$0x3FB7];
	_ =	sdelay $0x3  }
0x36: {  	p1 =	seq.s32 s10, $0x1;
	s10 =	sld [smem:$0x3FB8];
	_ =	sdelay $0x3  }
0x37: {  	[smem:$0x3FB8] =	sst s10  }
0x38: {  	s10 =	sld [smem:$0x3FB9]  }
0x39: {  	_ = 	snop;
	(pc) =	sbr.ind lr, $3  }
0x3a: {  	_ = 	snop  }
0x3b: {  	_ = 	snop  }
0x3c: {  	p2 =	seq.s32 s10, $0x1;
	s10 =	sld [smem:$0x3FB8]  }
0x3d: {  	_ =	shalt  }
0x3e: {  	_ =	shalt  }
0x3f: {  	_ =	shalt  }
0x40: {  	_ =	shalt  }
0x41: {  	_ =	shalt  }
0x42: {  	_ =	shalt  }
0x43: {  	_ =	shalt  }
0x44: {  	_ =	shalt  }
0x45: {  	_ =	shalt  }
0x46: {  	_ =	shalt  }
0x47: {  	_ =	shalt  }
0x48: {  	_ =	shalt  }
0x49: {  	_ =	shalt  }
0x4a: {  	_ =	shalt  }
0x4b: {  	_ =	shalt  }
0x4c: {  	_ =	shalt  }
0x4d: {  	_ =	shalt  }
0x4e: {  	_ =	shalt  }
0x4f: {  	_ =	shalt  }
0x50: {  	_ =	shalt  }
0x51: {  	_ =	shalt  }
0x52: {  	_ =	shalt  }
0x53: {  	_ =	shalt  }
0x54: {  	_ =	shalt  }
0x55: {  	_ =	shalt  }
0x56: {  	_ =	shalt  }
0x57: {  	_ =	shalt  }
0x58: {  	_ =	shalt  }
0x59: {  	_ =	shalt  }
0x5a: {  	_ =	shalt  }
0x5b: {  	_ =	shalt  }
0x5c: {  	_ =	shalt  }
0x5d: {  	_ =	shalt  }
0x5e: {  	_ =	shalt  }
0x5f: {  	_ =	shalt  }
0x60: {  	_ =	shalt  }
0x61: {  	_ =	shalt  }
0x62: {  	_ =	shalt  }
0x63: {  	_ =	shalt  }
0x64: {  	_ =	shalt  }
0x65: {  	_ =	shalt  }
0x66: {  	_ =	shalt  }
0x67: {  	_ =	shalt  }
0x68: {  	_ =	shalt  }
0x69: {  	_ =	shalt  }
0x6a: {  	_ =	shalt  }
0x6b: {  	_ =	shalt  }
0x6c: {  	_ =	shalt  }
0x6d: {  	_ =	shalt  }
0x6e: {  	_ =	shalt  }
0x6f: {  	_ =	shalt  }
0x70: {  	_ =	shalt  }
0x71: {  	_ =	shalt  }
0x72: {  	_ =	shalt  }
0x73: {  	_ =	shalt  }
0x74: {  	_ =	shalt  }
0x75: {  	_ =	shalt  }
0x76: {  	_ =	shalt  }
0x77: {  	_ =	shalt  }
0x78: {  	_ =	shalt  }
0x79: {  	_ =	shalt  }
0x7a: {  	_ =	shalt  }
0x7b: {  	_ =	shalt  }
0x7c: {  	_ =	shalt  }
0x7d: {  	_ =	shalt  }
0x7e: {  	_ =	shalt  }
0x7f: {  	_ =	shalt  }
0x80: {  	_ =	shalt  }
0x81: {  	_ =	shalt  }
0x82: {  	_ =	shalt  }
0x83: {  	_ =	shalt  }
0x84: {  	_ =	shalt  }
0x85: {  	_ =	shalt  }
0x86: {  	_ =	shalt  }
0x87: {  	_ =	shalt  }
.Lfunc_end0:
.L_simem_size_0:
called_computation.1_lowered:
.L_overlay_start_0:
0x88: {  	s2 =	sld [smem:$0x3FD9]  }
0x89: {  	s3 =	sld [smem:$0x3FFE];
	_ =	sdelay $0x1  }
0x8a: {  	s1 =	srdreg.scid  }
0x8b: {  	s0 =	sand.u32 $0x1, s1  }
0x8c: {  	s17 =	sshll.u32 s0, $0xA;
	s2 =	sadd.s32 s3, s2  }
0x8d: {  	s2 =	sadd.s32 s2, s17  }
0x8e: {  	[smem:$0x3FC4] =	sst s2  }
0x8f: {  	_ = 	snop  }
0x90: {  	s2 =	sld [smem:$0x3FD0];
	(tm) =	ssettm $0x1  }
0x91: {  	s18 =	sld [smem:$0x3FFB];
	_ =	sdelay $0x3  }
0x92: {  	_ =	strace s18  }
0x93: {  	s3 =	sld [smem:$0x3FFC];
	_ =	sdelay $0x3  }
0x94: {  	_ =	strace s3  }
0x95: {  	s3 =	sld [smem:$0x3FFD];
	_ =	sdelay $0x3  }
0x96: {  	_ =	strace s3  }
0x97: {  	_ =	strace $0x8FFFFFFF  }
0x98: {  	s19 =	sld [smem:$0x3FDB];
	_ =	sdelay $0x1  }
0x99: {  	s4 =	simm.s32 $_scs_section_size  }
0x9a: {  	s5 =	simm.s32 $_size__tile_overlayer_lowered;
	s6 =	simm.s32 $_tile_overlayer_lowered  }
0x9b: {  	s22 =	simm.s32 $0x1BFF;
	s21 =	sshll.u32 s6, $0x1;
	s3 =	sadd.s32 s4, s19  }
0x9c: {  	s7 =	simm.s32 $0x0;
	s20 =	sshll.u32 s5, $0x1;
	s5 =	sadd.s32 s21, s3  }
0x9d: {  	[timem:s7], [sflag:s22] =	dma.local [hbm:s5], s20  }
0x9e: {  	_ =	swait.ge [sflag:s22], s20  }
0x9f: {  	s4 =	ssub.s32 $0x0, s20;
	[sflag:s22] =	ssyncset.done $0x0  }
0xa0: {  	[sflag:s22] =	ssyncadd.s32 s4;
	_ =	sdelay $0x1  }
0xa1: {  	s23 =	simm.s32 $0x1B8B  }
0xa2: {  	_ =	swait.ge [sflag:s23], $0x1  }
0xa3: {  	[sflag:s23] =	ssyncset.done $0x0  }
0xa4: {  	s25 =	simm.s32 $0x1B8E;
	s24 =	sld [smem:$0x3FFE];
	[sflag:s23] =	ssyncadd.s32 $0xFFFFFFFF  }
0xa5: {  	s26 =	simm.s32 $execute0_lowered;
	[smem:$0x3FD2] =	sst s25  }
0xa6: {  	s5 =	sshll.u32 s26, $0x1;
	_ =	strace $0x80000049;
	[dreg:$0x1] =	wrdreg $0xFFFFFFFF  }
0xa7: {  	s28 =	simm.s32 $_size_execute0_lowered;
	s3 =	sadd.s32 s3, s5;
	[dreg:$0x0] =	wrdreg $0x0  }
0xa8: {  	s5 =	sshll.u32 s28, $0x1;
	[dreg:$0x2] =	wrdreg s3  }
0xa9: {  	[dreg:$0x3] =	wrdreg s5  }
0xaa: {  	[dreg:$0x4] =	wrdreg $0xC0  }
0xab: {  	_ =	task [dreg:s7], $0x5FFFF  }
0xac: {  	[dreg:$0x1] =	wrdreg $0xFFFFFFFF  }
0xad: {  	[dreg:$0x0] =	wrdreg $0x60  }
0xae: {  	[dreg:$0x2] =	wrdreg s24  }
0xaf: {  	[dreg:$0x3] =	wrdreg s2  }
0xb0: {  	[dreg:$0x4] =	wrdreg $0x140000  }
0xb1: {  	[dreg:$0x5] =	wrdreg $0x9  }
0xb2: {  	_ =	task.clear_ibuf [dreg:s7], $0x6FFFF;
	_ =	strace $0x90000049  }
0xb3: {  	s29 =	simm.s32 $0x9;
	_ =	strace $0x8000004B  }
0xb4: {  	_ =	swait.ge [sflag:s29], $0x1  }
0xb5: {  	[sflag:s29] =	ssyncadd.s32 $0xFFFFFFFF  }
0xb6: {  	_ =	strace $0x9000004B  }
0xb7: {  	_ =	sfence  }
0xb8: {  	s30 =	sld [smem:$0x0];
	_ =	sdelay $0x2  }
0xb9: {  	s31 =	sshll.u32 s1, $0xD;
	s1 =	sshrl.u32 s1, $0x2  }
0xba: {  	s3 =	sand.u32 $0x4000, s31;
	s1 =	sadd.s32 s1, s30  }
0xbb: {  	s0 =	sor.u32 s3, s0;
	s1 =	sshll.u32 s1, $0x11  }
0xbc: {  	s0 =	sor.u32 s1, s0  }
0xbd: {  	s0 =	sadd.s32 $0x8F2B, s0  }
0xbe: {  	[sflag:s0] =	ssyncadd.remote.s32 $0x1  }
0xbf: {  	_ =	sfence.sel $0xFFFF  }
0xc0: {  	[dreg:$0x0] =	wrdreg $0xFFFFFFFF;
	(pc) =	sbr.abs _section_cstart, $3  }
0xc1: {  	[dreg:$0x1] =	wrdreg $0xFFFFFFFF  }
0xc2: {  	_ =	task.clear_ibuf [dreg:s7], $0x2FFFF;
	_ =	strace $0x9FFFFFFF  }
0xc3: {  	(tm) =	ssettm $0x7FFFFFFF  }
tec
execute0_lowered:
.L_overlay_start_1:
0x0: {  	(tag) =	ssettag $0x1  }
0x1: {  	s0 =	rddreg [dreg:$0x0]  }
0x2: {  	s1 =	srdreg.scid;
	s6 =	rddreg [dreg:$0x1]  }
0x3: {  	s2 =	rddreg [dreg:$0x2];
	s5 =	stileid.u32;
	s3 =	simm.s32 $0x0  }
0x4: {  	s13 =	simm.s32 $0x5;
	s14 =	simm.s32 $0x1;
	s15 =	simm.s32 $0x3  }
0x5: {  	s16 =	simm.s32 $0x80;
	s17 =	simm.s32 $0x5000;
	s18 =	simm.s32 $0x6800  }
0x6: {  	s20 =	simm.s32 $0x8000;
	s22 =	simm.s32 $0x9800;
	s28 =	simm.s32 $0xF800  }
0x7: {  	s29 =	simm.s32 $0x11000;
	s30 =	simm.s32 $0x12800;
	s31 =	simm.s32 $0x2  }
0x8: {  	s1 =	sand.u32 $0x1, s1;
	[smem:$0x7FF] =	sst s3;
	s10 =	sadd.s32 $0x1B000, s0  }
0x9: {  	s11 =	smul.u32 $0x7680, s5;
	s25 =	sshll.u32 s5, $0x6;
	s4 =	sshll.u32 s1, $0x4  }
0xa: {  	_ =	strace $0x8000004A;
	s8 =	ssub.s32 $0x2, s1;
	[dreg:$0x4] =	wrdreg s10  }
0xb: {  	p0 =	seq.s32 s1, $0x1;
	s1 =	simm.s32 $0x1C000;
	s4 =	sor.u32 s5, s4  }
0xc: {  	s23 =	sshrl.u32 s8, $0x1;
	s12 =	sadd.s32 s11, s2;
	s1 =	simm.s32 @!p0 $0x2AE00  }
0xd: {  	s11 =	sshrl.u32 s11, $0x3;
	s7 =	smul.u32 $0x500, s4;
	s4 =	sadd.s32 $0xC200, s0  }
0xe: {  	s10 =	ssub.s32 s8, s23;
	s8 =	sor.u32 $0x1C05, s25;
	s12 =	sshrl.u32 s12, $0x3  }
0xf: {  	s25 =	simm.s32 $0xC800;
	s26 =	smax.u32 s10, $0x1;
	s9 =	sadd.s32 s7, s0  }
0x10: {  	s6 =	sadd.s32 s6, s7;
	s0 =	sadd.s32 s1, s0;
	[dreg:$0x7] =	wrdreg s26  }
0x11: {  	s26 =	simm.s32 $0xE000;
	[dreg:$0x5] =	wrdreg s6;
	s24 =	sadd.s32 $0x2200, s9  }
0x12: {  	s1 =	simm.s32 $0x0;
	s0 =	sadd.s32 s0, s11;
	[dreg:$0x6] =	wrdreg s24  }
0x13: {  	[dreg:$0x8] =	wrdreg s0;
	s24 =	simm.s32 $0xB000;
	s0 =	simm.s32 $0x4  }
.LBB2_1:
0x14: {  	s5 =	rddreg [dreg:$0x5]  }
0x15: {  	s11 =	rddreg [dreg:$0x6]  }
0x16: {  	[tilespmem:s3], [sflag:$0x1] =	stream.linear.gather [hbm4b:s5+s3], $0x2800, $0x38;
	[tilespmem:$0x1B680] =	vst v63  }
0x17: {  	s6 =	simm.s32 $0x2800;
	s19 =	rddreg [dreg:$0x4]  }
0x18: {  	[tilespmem:s6], [sflag:$0x3] =	stream.linear.gather [hbm4b:s11+s3], $0x2800, $0x38;
	[tilespmem:$0x1B680] =	vst v63  }
0x19: {  	[spmem:s12], [sflag:s8] =	dma.local [hbm:s19], $0xED0  }
0x1a: {  	_ =	swait.ge [sflag:s13], $0xED0  }
0x1b: {  	[sflag:s13] =	ssyncset.done $0x0  }
0x1c: {  	[sflag:s13] =	ssyncadd.s32 $0xFFFFF130  }
0x1d: {  	_ =	swait.ge [sflag:s14], $0x2800  }
0x1e: {  	[sflag:s14] =	ssyncset.done $0x0  }
0x1f: {  	[sflag:s14] =	ssyncadd.s32 $0xFFFFD800  }
0x20: {  	_ =	swait.ge [sflag:s15], $0x2800  }
0x21: {  	[sflag:s15] =	ssyncset.done $0x0  }
0x22: {  	[sflag:s15] =	ssyncadd.s32 $0xFFFFD800  }
0x23: {  	[bflag:$0x0] =	sbarrier.arrive $0xFFFF  }
0x24: {  	[tilespmem:s17], [sflag:$0x1] =	stream.indirect.gather [hbm4b:s4+s16], $0x30, s3, s16, $0xb8;
	[tilespmem:$0x1B680] =	vst v63  }
0x25: {  	_ = 	snop  }
0x26: {  	[tilespmem:s18], [sflag:$0x1] =	stream.indirect.gather [hbm4b:s4+s16], $0x30, s16, s16, $0xb8;
	[tilespmem:$0x1B680] =	vst v63  }
0x27: {  	s21 =	simm.s32 $0x100  }
0x28: {  	[tilespmem:s20], [sflag:$0x1] =	stream.indirect.gather [hbm4b:s4+s16], $0x30, s21, s16, $0xb8;
	[tilespmem:$0x1B680] =	vst v63  }
0x29: {  	s23 =	simm.s32 $0x180  }
0x2a: {  	[tilespmem:s22], [sflag:$0x1] =	stream.indirect.gather [hbm4b:s4+s16], $0x30, s23, s16, $0xb8;
	[tilespmem:$0x1B680] =	vst v63  }
0x2b: {  	s6 =	simm.s32 $0x200  }
0x2c: {  	[tilespmem:s24], [sflag:$0x1] =	stream.indirect.gather [hbm4b:s4+s16], $0x30, s6, s16, $0xb8;
	[tilespmem:$0x1B680] =	vst v63  }
0x2d: {  	s11 =	simm.s32 $0x280  }
0x2e: {  	[tilespmem:s25], [sflag:$0x2] =	stream.indirect.gather [hbm4b:s4+s16], $0x30, s11, s16, $0xb8;
	[tilespmem:$0x1B680] =	vst v63  }
0x2f: {  	s7 =	simm.s32 $0x300  }
0x30: {  	[tilespmem:s26], [sflag:$0x2] =	stream.indirect.gather [hbm4b:s4+s16], $0x30, s7, s16, $0xb8;
	[tilespmem:$0x1B680] =	vst v63  }
0x31: {  	s9 =	simm.s32 $0x380  }
0x32: {  	[tilespmem:s28], [sflag:$0x2] =	stream.indirect.gather [hbm4b:s4+s16], $0x30, s9, s16, $0xb8;
	[tilespmem:$0x1B680] =	vst v63  }
0x33: {  	s10 =	simm.s32 $0x400  }
0x34: {  	[tilespmem:s29], [sflag:$0x2] =	stream.indirect.gather [hbm4b:s4+s16], $0x30, s10, s16, $0xb8;
	[tilespmem:$0x1B680] =	vst v63  }
0x35: {  	s19 =	simm.s32 $0x480  }
0x36: {  	[tilespmem:s30], [sflag:$0x2] =	stream.indirect.gather [hbm4b:s4+s16], $0x30, s19, s16, $0xb8;
	[tilespmem:$0x1B680] =	vst v63  }
0x37: {  	_ =	swait.ge [sflag:s14], $0x1800  }
0x38: {  	[sflag:s14] =	ssyncset.done $0x0  }
0x39: {  	[sflag:s14] =	ssyncadd.s32 $0xFFFFE800  }
0x3a: {  	_ =	swait.ge [sflag:s14], $0x1800  }
0x3b: {  	[sflag:s14] =	ssyncset.done $0x0  }
0x3c: {  	[sflag:s14] =	ssyncadd.s32 $0xFFFFE800  }
0x3d: {  	_ =	swait.ge [sflag:s14], $0x1800  }
0x3e: {  	[sflag:s14] =	ssyncset.done $0x0  }
0x3f: {  	[sflag:s14] =	ssyncadd.s32 $0xFFFFE800  }
0x40: {  	_ =	swait.ge [sflag:s14], $0x1800  }
0x41: {  	[sflag:s14] =	ssyncset.done $0x0  }
0x42: {  	[sflag:s14] =	ssyncadd.s32 $0xFFFFE800  }
0x43: {  	_ =	swait.ge [sflag:s14], $0x1800  }
0x44: {  	[sflag:s14] =	ssyncset.done $0x0  }
0x45: {  	s21 =	simm.s32 $0x2800;
	[sflag:s14] =	ssyncadd.s32 $0xFFFFE800  }
0x46: {  	[spmem:s2] =	stream.indirect.scatter.add.f32 [tilespmem:s17], [sflag:$0x3], $0x30, s21, s16, $0xb8;
	[tilespmem:$0x1B680] =	vst v63  }
0x47: {  	s23 =	simm.s32 $0x2880  }
0x48: {  	[spmem:s2] =	stream.indirect.scatter.add.f32 [tilespmem:s18], [sflag:$0x3], $0x30, s23, s16, $0xb8;
	[tilespmem:$0x1B680] =	vst v63  }
0x49: {  	s5 =	simm.s32 $0x2900  }
0x4a: {  	[spmem:s2] =	stream.indirect.scatter.add.f32 [tilespmem:s20], [sflag:$0x3], $0x30, s5, s16, $0xb8;
	[tilespmem:$0x1B680] =	vst v63  }
0x4b: {  	s6 =	simm.s32 $0x2980  }
0x4c: {  	[spmem:s2] =	stream.indirect.scatter.add.f32 [tilespmem:s22], [sflag:$0x3], $0x30, s6, s16, $0xb8;
	[tilespmem:$0x1B680] =	vst v63  }
0x4d: {  	s7 =	simm.s32 $0x2A00  }
0x4e: {  	[spmem:s2] =	stream.indirect.scatter.add.f32 [tilespmem:s24], [sflag:$0x3], $0x30, s7, s16, $0xb8;
	[tilespmem:$0x1B680] =	vst v63  }
0x4f: {  	_ =	swait.ge [sflag:s15], $0x1800  }
0x50: {  	[sflag:s15] =	ssyncset.done $0x0  }
0x51: {  	[sflag:s15] =	ssyncadd.s32 $0xFFFFE800  }
0x52: {  	_ =	swait.ge [sflag:s15], $0x1800  }
0x53: {  	[sflag:s15] =	ssyncset.done $0x0  }
0x54: {  	[sflag:s15] =	ssyncadd.s32 $0xFFFFE800  }
0x55: {  	_ =	swait.ge [sflag:s15], $0x1800  }
0x56: {  	[sflag:s15] =	ssyncset.done $0x0  }
0x57: {  	[sflag:s15] =	ssyncadd.s32 $0xFFFFE800  }
0x58: {  	_ =	swait.ge [sflag:s15], $0x1800  }
0x59: {  	[sflag:s15] =	ssyncset.done $0x0  }
0x5a: {  	[sflag:s15] =	ssyncadd.s32 $0xFFFFE800  }
0x5b: {  	p0 =	por $0x0, $0x0;
	_ =	swait.ge [sflag:s15], $0x1800  }
0x5c: {  	s11 =	simm.s32 @!p0 $0x5000;
	[sflag:s15] =	ssyncset.done $0x0  }
0x5d: {  	s19 =	simm.s32 @!p0 $0x500;
	s21 =	simm.s32 @!p0 $0x80;
	[sflag:s15] =	ssyncadd.s32 $0xFFFFE800  }
0x5e: {  	[tilespmem:s11], [sflag:$0x1] =	stream.indirect.gather @!p0 [hbm4b:s4+s21], $0x30, s19, s21, $0xb8;
	[tilespmem:$0x1B680] =	vst v63  }
0x5f: {  	s11 =	simm.s32 @!p0 $0x580;
	s19 =	simm.s32 @!p0 $0x6800  }
0x60: {  	[tilespmem:s19], [sflag:$0x1] =	stream.indirect.gather @!p0 [hbm4b:s4+s21], $0x30, s11, s21, $0xb8;
	[tilespmem:$0x1B680] =	vst v63  }
0x61: {  	s11 =	simm.s32 @!p0 $0x600;
	s19 =	simm.s32 @!p0 $0x8000  }
0x62: {  	[tilespmem:s19], [sflag:$0x1] =	stream.indirect.gather @!p0 [hbm4b:s4+s21], $0x30, s11, s21, $0xb8;
	[tilespmem:$0x1B680] =	vst v63  }
0x63: {  	s11 =	simm.s32 @!p0 $0x680;
	s19 =	simm.s32 @!p0 $0x9800  }
0x64: {  	[tilespmem:s19], [sflag:$0x1] =	stream.indirect.gather @!p0 [hbm4b:s4+s21], $0x30, s11, s21, $0xb8;
	[tilespmem:$0x1B680] =	vst v63  }
0x65: {  	s11 =	simm.s32 @!p0 $0x700;
	s19 =	simm.s32 @!p0 $0xB000  }
0x66: {  	[tilespmem:s19], [sflag:$0x1] =	stream.indirect.gather @!p0 [hbm4b:s4+s21], $0x30, s11, s21, $0xb8;
	[tilespmem:$0x1B680] =	vst v63  }
0x67: {  	_ =	swait.ge [sflag:s31], $0x1800  }
0x68: {  	[sflag:s31] =	ssyncset.done $0x0  }
0x69: {  	[sflag:s31] =	ssyncadd.s32 $0xFFFFE800  }
0x6a: {  	_ =	swait.ge [sflag:s31], $0x1800  }
0x6b: {  	[sflag:s31] =	ssyncset.done $0x0  }
0x6c: {  	[sflag:s31] =	ssyncadd.s32 $0xFFFFE800  }
0x6d: {  	_ =	swait.ge [sflag:s31], $0x1800  }
0x6e: {  	[sflag:s31] =	ssyncset.done $0x0  }
0x6f: {  	[sflag:s31] =	ssyncadd.s32 $0xFFFFE800  }
0x70: {  	_ =	swait.ge [sflag:s31], $0x1800  }
0x71: {  	[sflag:s31] =	ssyncset.done $0x0  }
0x72: {  	[sflag:s31] =	ssyncadd.s32 $0xFFFFE800  }
0x73: {  	_ =	swait.ge [sflag:s31], $0x1800  }
0x74: {  	[sflag:s31] =	ssyncset.done $0x0  }
0x75: {  	s9 =	simm.s32 $0x2A80;
	[sflag:s31] =	ssyncadd.s32 $0xFFFFE800  }
0x76: {  	[spmem:s2] =	stream.indirect.scatter.add.f32 [tilespmem:s25], [sflag:$0x4], $0x30, s9, s16, $0xb8;
	[tilespmem:$0x1B680] =	vst v63  }
0x77: {  	s10 =	simm.s32 $0x2B00  }
0x78: {  	[spmem:s2] =	stream.indirect.scatter.add.f32 [tilespmem:s26], [sflag:$0x4], $0x30, s10, s16, $0xb8;
	[tilespmem:$0x1B680] =	vst v63  }
0x79: {  	s19 =	simm.s32 $0x2B80  }
0x7a: {  	[spmem:s2] =	stream.indirect.scatter.add.f32 [tilespmem:s28], [sflag:$0x4], $0x30, s19, s16, $0xb8;
	[tilespmem:$0x1B680] =	vst v63  }
0x7b: {  	s21 =	simm.s32 $0x2C00  }
0x7c: {  	[spmem:s2] =	stream.indirect.scatter.add.f32 [tilespmem:s29], [sflag:$0x4], $0x30, s21, s16, $0xb8;
	[tilespmem:$0x1B680] =	vst v63  }
0x7d: {  	s23 =	simm.s32 $0x2C80  }
0x7e: {  	[spmem:s2] =	stream.indirect.scatter.add.f32 [tilespmem:s30], [sflag:$0x4], $0x30, s23, s16, $0xb8;
	[tilespmem:$0x1B680] =	vst v63  }
0x7f: {  	_ =	swait.ge [sflag:s0], $0x1800  }
0x80: {  	[sflag:s0] =	ssyncset.done $0x0  }
0x81: {  	[sflag:s0] =	ssyncadd.s32 $0xFFFFE800  }
0x82: {  	_ =	swait.ge [sflag:s0], $0x1800  }
0x83: {  	[sflag:s0] =	ssyncset.done $0x0  }
0x84: {  	[sflag:s0] =	ssyncadd.s32 $0xFFFFE800  }
0x85: {  	_ =	swait.ge [sflag:s0], $0x1800  }
0x86: {  	[sflag:s0] =	ssyncset.done $0x0  }
0x87: {  	[sflag:s0] =	ssyncadd.s32 $0xFFFFE800  }
0x88: {  	_ =	swait.ge [sflag:s0], $0x1800  }
0x89: {  	[sflag:s0] =	ssyncset.done $0x0  }
0x8a: {  	[sflag:s0] =	ssyncadd.s32 $0xFFFFE800  }
0x8b: {  	s11 =	simm.s32 $0x500;
	_ =	swait.ge [sflag:s0], $0x1800  }
0x8c: {  	s19 =	simm.s32 $0x1400;
	s21 =	simm.s32 $0x2800;
	[sflag:s0] =	ssyncset.done $0x0  }
.LBB2_2:
0x8d: {  	s5 =	sadd.s32 $0x280, s11  }
0x8e: {  	[sflag:s0] =	ssyncadd.s32 $0xFFFFE800;
	s23 =	smov.u32 s21;
	s21 =	sadd.s32 $0x1400, s21  }
0x8f: {  	[tilespmem:s25], [sflag:$0x2] =	stream.indirect.gather [hbm4b:s4+s16], $0x30, s5, s16, $0xb8;
	[tilespmem:$0x1B680] =	vst v63  }
0x90: {  	p0 =	sne.s32 s21, $0xA000;
	s5 =	sadd.s32 $0x300, s11  }
0x91: {  	[tilespmem:s26], [sflag:$0x2] =	stream.indirect.gather [hbm4b:s4+s16], $0x30, s5, s16, $0xb8;
	[tilespmem:$0x1B680] =	vst v63  }
0x92: {  	s5 =	sadd.s32 $0x380, s11  }
0x93: {  	[tilespmem:s28], [sflag:$0x2] =	stream.indirect.gather [hbm4b:s4+s16], $0x30, s5, s16, $0xb8;
	[tilespmem:$0x1B680] =	vst v63  }
0x94: {  	s5 =	sadd.s32 $0x400, s11  }
0x95: {  	[tilespmem:s29], [sflag:$0x2] =	stream.indirect.gather [hbm4b:s4+s16], $0x30, s5, s16, $0xb8;
	[tilespmem:$0x1B680] =	vst v63  }
0x96: {  	s5 =	sadd.s32 $0x480, s11  }
0x97: {  	[tilespmem:s30], [sflag:$0x2] =	stream.indirect.gather [hbm4b:s4+s16], $0x30, s5, s16, $0xb8;
	[tilespmem:$0x1B680] =	vst v63  }
0x98: {  	_ =	swait.ge [sflag:s14], $0x1800  }
0x99: {  	[sflag:s14] =	ssyncset.done $0x0  }
0x9a: {  	[sflag:s14] =	ssyncadd.s32 $0xFFFFE800  }
0x9b: {  	_ =	swait.ge [sflag:s14], $0x1800  }
0x9c: {  	[sflag:s14] =	ssyncset.done $0x0  }
0x9d: {  	[sflag:s14] =	ssyncadd.s32 $0xFFFFE800  }
0x9e: {  	_ =	swait.ge [sflag:s14], $0x1800  }
0x9f: {  	[sflag:s14] =	ssyncset.done $0x0  }
0xa0: {  	[sflag:s14] =	ssyncadd.s32 $0xFFFFE800  }
0xa1: {  	_ =	swait.ge [sflag:s14], $0x1800  }
0xa2: {  	[sflag:s14] =	ssyncset.done $0x0  }
0xa3: {  	[sflag:s14] =	ssyncadd.s32 $0xFFFFE800  }
0xa4: {  	_ =	swait.ge [sflag:s14], $0x1800  }
0xa5: {  	[sflag:s14] =	ssyncset.done $0x0  }
0xa6: {  	s5 =	sadd.s32 $0x2800, s11;
	[sflag:s14] =	ssyncadd.s32 $0xFFFFE800  }
0xa7: {  	[spmem:s2] =	stream.indirect.scatter.add.f32 [tilespmem:s17], [sflag:$0x3], $0x30, s5, s16, $0xb8;
	[tilespmem:$0x1B680] =	vst v63  }
0xa8: {  	s5 =	sadd.s32 $0x2880, s11  }
0xa9: {  	[spmem:s2] =	stream.indirect.scatter.add.f32 [tilespmem:s18], [sflag:$0x3], $0x30, s5, s16, $0xb8;
	[tilespmem:$0x1B680] =	vst v63  }
0xaa: {  	s5 =	sadd.s32 $0x2900, s11  }
0xab: {  	[spmem:s2] =	stream.indirect.scatter.add.f32 [tilespmem:s20], [sflag:$0x3], $0x30, s5, s16, $0xb8;
	[tilespmem:$0x1B680] =	vst v63  }
0xac: {  	s5 =	sadd.s32 $0x2980, s11  }
0xad: {  	[spmem:s2] =	stream.indirect.scatter.add.f32 [tilespmem:s22], [sflag:$0x3], $0x30, s5, s16, $0xb8;
	[tilespmem:$0x1B680] =	vst v63  }
0xae: {  	s5 =	sadd.s32 $0x2A00, s11  }
0xaf: {  	[spmem:s2] =	stream.indirect.scatter.add.f32 [tilespmem:s24], [sflag:$0x3], $0x30, s5, s16, $0xb8;
	[tilespmem:$0x1B680] =	vst v63  }
0xb0: {  	_ =	swait.ge [sflag:s15], $0x1800  }
0xb1: {  	[sflag:s15] =	ssyncset.done $0x0  }
0xb2: {  	[sflag:s15] =	ssyncadd.s32 $0xFFFFE800  }
0xb3: {  	_ =	swait.ge [sflag:s15], $0x1800  }
0xb4: {  	[sflag:s15] =	ssyncset.done $0x0  }
0xb5: {  	[sflag:s15] =	ssyncadd.s32 $0xFFFFE800  }
0xb6: {  	_ =	swait.ge [sflag:s15], $0x1800  }
0xb7: {  	[sflag:s15] =	ssyncset.done $0x0  }
0xb8: {  	[sflag:s15] =	ssyncadd.s32 $0xFFFFE800  }
0xb9: {  	_ =	swait.ge [sflag:s15], $0x1800  }
0xba: {  	[sflag:s15] =	ssyncset.done $0x0  }
0xbb: {  	[sflag:s15] =	ssyncadd.s32 $0xFFFFE800  }
0xbc: {  	p1 =	seq.s32 s19, $0x8C00;
	_ =	swait.ge [sflag:s15], $0x1800  }
0xbd: {  	s5 =	sshra.s32 @!p1 s19, $0x2;
	s19 =	simm.s32 @!p1 $0x5000;
	[sflag:s15] =	ssyncset.done $0x0  }
0xbe: {  	s7 =	simm.s32 @!p1 $0x80;
	s6 =	sadd.s32 @!p1 $0x500, s5;
	[sflag:s15] =	ssyncadd.s32 $0xFFFFE800  }
0xbf: {  	[tilespmem:s19], [sflag:$0x1] =	stream.indirect.gather @!p1 [hbm4b:s4+s7], $0x30, s6, s7, $0xb8;
	[tilespmem:$0x1B680] =	vst v63  }
0xc0: {  	s9 =	sadd.s32 @!p1 $0x600, s5;
	s6 =	sadd.s32 @!p1 $0x580, s5;
	s19 =	simm.s32 @!p1 $0x6800  }
0xc1: {  	[tilespmem:s19], [sflag:$0x1] =	stream.indirect.gather @!p1 [hbm4b:s4+s7], $0x30, s6, s7, $0xb8;
	[tilespmem:$0x1B680] =	vst v63  }
0xc2: {  	s10 =	sadd.s32 @!p1 $0x680, s5;
	s5 =	sadd.s32 @!p1 $0x700, s5;
	s6 =	simm.s32 @!p1 $0x8000  }
0xc3: {  	[tilespmem:s6], [sflag:$0x1] =	stream.indirect.gather @!p1 [hbm4b:s4+s7], $0x30, s9, s7, $0xb8;
	[tilespmem:$0x1B680] =	vst v63  }
0xc4: {  	s19 =	smov.u32 s23;
	s6 =	simm.s32 @!p1 $0x9800  }
0xc5: {  	[tilespmem:s6], [sflag:$0x1] =	stream.indirect.gather @!p1 [hbm4b:s4+s7], $0x30, s10, s7, $0xb8;
	[tilespmem:$0x1B680] =	vst v63  }
0xc6: {  	s6 =	simm.s32 @!p1 $0xB000  }
0xc7: {  	[tilespmem:s6], [sflag:$0x1] =	stream.indirect.gather @!p1 [hbm4b:s4+s7], $0x30, s5, s7, $0xb8;
	[tilespmem:$0x1B680] =	vst v63  }
0xc8: {  	_ =	swait.ge [sflag:s31], $0x1800  }
0xc9: {  	[sflag:s31] =	ssyncset.done $0x0  }
0xca: {  	[sflag:s31] =	ssyncadd.s32 $0xFFFFE800  }
0xcb: {  	_ =	swait.ge [sflag:s31], $0x1800  }
0xcc: {  	[sflag:s31] =	ssyncset.done $0x0  }
0xcd: {  	[sflag:s31] =	ssyncadd.s32 $0xFFFFE800  }
0xce: {  	_ =	swait.ge [sflag:s31], $0x1800  }
0xcf: {  	[sflag:s31] =	ssyncset.done $0x0  }
0xd0: {  	[sflag:s31] =	ssyncadd.s32 $0xFFFFE800  }
0xd1: {  	_ =	swait.ge [sflag:s31], $0x1800  }
0xd2: {  	[sflag:s31] =	ssyncset.done $0x0  }
0xd3: {  	[sflag:s31] =	ssyncadd.s32 $0xFFFFE800  }
0xd4: {  	_ =	swait.ge [sflag:s31], $0x1800  }
0xd5: {  	[sflag:s31] =	ssyncset.done $0x0  }
0xd6: {  	s5 =	sadd.s32 $0x2A80, s11;
	[sflag:s31] =	ssyncadd.s32 $0xFFFFE800  }
0xd7: {  	[spmem:s2] =	stream.indirect.scatter.add.f32 [tilespmem:s25], [sflag:$0x4], $0x30, s5, s16, $0xb8;
	[tilespmem:$0x1B680] =	vst v63  }
0xd8: {  	s5 =	sadd.s32 $0x2B00, s11  }
0xd9: {  	[spmem:s2] =	stream.indirect.scatter.add.f32 [tilespmem:s26], [sflag:$0x4], $0x30, s5, s16, $0xb8;
	[tilespmem:$0x1B680] =	vst v63  }
0xda: {  	s5 =	sadd.s32 $0x2B80, s11  }
0xdb: {  	[spmem:s2] =	stream.indirect.scatter.add.f32 [tilespmem:s28], [sflag:$0x4], $0x30, s5, s16, $0xb8;
	[tilespmem:$0x1B680] =	vst v63  }
0xdc: {  	s5 =	sadd.s32 $0x2C00, s11  }
0xdd: {  	[spmem:s2] =	stream.indirect.scatter.add.f32 [tilespmem:s29], [sflag:$0x4], $0x30, s5, s16, $0xb8;
	[tilespmem:$0x1B680] =	vst v63  }
0xde: {  	s5 =	sadd.s32 $0x2C80, s11  }
0xdf: {  	[spmem:s2] =	stream.indirect.scatter.add.f32 [tilespmem:s30], [sflag:$0x4], $0x30, s5, s16, $0xb8;
	[tilespmem:$0x1B680] =	vst v63  }
0xe0: {  	_ =	swait.ge [sflag:s0], $0x1800  }
0xe1: {  	[sflag:s0] =	ssyncset.done $0x0  }
0xe2: {  	[sflag:s0] =	ssyncadd.s32 $0xFFFFE800  }
0xe3: {  	_ =	swait.ge [sflag:s0], $0x1800  }
0xe4: {  	[sflag:s0] =	ssyncset.done $0x0  }
0xe5: {  	[sflag:s0] =	ssyncadd.s32 $0xFFFFE800  }
0xe6: {  	_ =	swait.ge [sflag:s0], $0x1800  }
0xe7: {  	[sflag:s0] =	ssyncset.done $0x0  }
0xe8: {  	[sflag:s0] =	ssyncadd.s32 $0xFFFFE800  }
.Ltmp0:
0xe9: {  	_ =	swait.ge [sflag:s0], $0x1800;
	(pc) =	sbr.rel @p0 .LBB2_2-.Ltmp0, $4  }
0xea: {  	[sflag:s0] =	ssyncset.done $0x0  }
0xeb: {  	[sflag:s0] =	ssyncadd.s32 $0xFFFFE800  }
0xec: {  	_ =	swait.ge [sflag:s0], $0x1800  }
0xed: {  	s11 =	sshra.s32 s19, $0x2;
	[sflag:s0] =	ssyncset.done $0x0  }
0xee: {  	s5 =	sadd.s32 $0x280, s11;
	[sflag:s0] =	ssyncadd.s32 $0xFFFFE800  }
0xef: {  	[tilespmem:s25], [sflag:$0x2] =	stream.indirect.gather [hbm4b:s4+s16], $0x30, s5, s16, $0xb8;
	[tilespmem:$0x1B680] =	vst v63  }
0xf0: {  	s10 =	sadd.s32 $0x300, s11  }
0xf1: {  	[tilespmem:s26], [sflag:$0x2] =	stream.indirect.gather [hbm4b:s4+s16], $0x30, s10, s16, $0xb8;
	[tilespmem:$0x1B680] =	vst v63  }
0xf2: {  	s21 =	sadd.s32 $0x380, s11  }
0xf3: {  	[tilespmem:s28], [sflag:$0x2] =	stream.indirect.gather [hbm4b:s4+s16], $0x30, s21, s16, $0xb8;
	[tilespmem:$0x1B680] =	vst v63  }
0xf4: {  	s23 =	sadd.s32 $0x400, s11  }
0xf5: {  	[tilespmem:s29], [sflag:$0x2] =	stream.indirect.gather [hbm4b:s4+s16], $0x30, s23, s16, $0xb8;
	[tilespmem:$0x1B680] =	vst v63  }
0xf6: {  	s6 =	sadd.s32 $0x480, s11  }
0xf7: {  	[tilespmem:s30], [sflag:$0x2] =	stream.indirect.gather [hbm4b:s4+s16], $0x30, s6, s16, $0xb8;
	[tilespmem:$0x1B680] =	vst v63  }
0xf8: {  	_ =	swait.ge [sflag:s14], $0x1800  }
0xf9: {  	[sflag:s14] =	ssyncset.done $0x0  }
0xfa: {  	[sflag:s14] =	ssyncadd.s32 $0xFFFFE800  }
0xfb: {  	_ =	swait.ge [sflag:s14], $0x1800  }
0xfc: {  	[sflag:s14] =	ssyncset.done $0x0  }
0xfd: {  	[sflag:s14] =	ssyncadd.s32 $0xFFFFE800  }
0xfe: {  	_ =	swait.ge [sflag:s14], $0x1800  }
0xff: {  	[sflag:s14] =	ssyncset.done $0x0  }
0x100: {  	[sflag:s14] =	ssyncadd.s32 $0xFFFFE800  }
0x101: {  	_ =	swait.ge [sflag:s14], $0x1800  }
0x102: {  	[sflag:s14] =	ssyncset.done $0x0  }
0x103: {  	[sflag:s14] =	ssyncadd.s32 $0xFFFFE800  }
0x104: {  	_ =	swait.ge [sflag:s14], $0x1800  }
0x105: {  	[sflag:s14] =	ssyncset.done $0x0  }
0x106: {  	s7 =	sadd.s32 $0x2800, s11;
	[sflag:s14] =	ssyncadd.s32 $0xFFFFE800  }
0x107: {  	[spmem:s2] =	stream.indirect.scatter.add.f32 [tilespmem:s17], [sflag:$0x3], $0x30, s7, s16, $0xb8;
	[tilespmem:$0x1B680] =	vst v63  }
0x108: {  	s9 =	sadd.s32 $0x2880, s11  }
0x109: {  	[spmem:s2] =	stream.indirect.scatter.add.f32 [tilespmem:s18], [sflag:$0x3], $0x30, s9, s16, $0xb8;
	[tilespmem:$0x1B680] =	vst v63  }
0x10a: {  	s10 =	sadd.s32 $0x2900, s11  }
0x10b: {  	[spmem:s2] =	stream.indirect.scatter.add.f32 [tilespmem:s20], [sflag:$0x3], $0x30, s10, s16, $0xb8;
	[tilespmem:$0x1B680] =	vst v63  }
0x10c: {  	s21 =	sadd.s32 $0x2980, s11  }
0x10d: {  	[spmem:s2] =	stream.indirect.scatter.add.f32 [tilespmem:s22], [sflag:$0x3], $0x30, s21, s16, $0xb8;
	[tilespmem:$0x1B680] =	vst v63  }
0x10e: {  	s23 =	sadd.s32 $0x2A00, s11  }
0x10f: {  	[spmem:s2] =	stream.indirect.scatter.add.f32 [tilespmem:s24], [sflag:$0x3], $0x30, s23, s16, $0xb8;
	[tilespmem:$0x1B680] =	vst v63  }
0x110: {  	_ =	swait.ge [sflag:s15], $0x1800  }
0x111: {  	[sflag:s15] =	ssyncset.done $0x0  }
0x112: {  	[sflag:s15] =	ssyncadd.s32 $0xFFFFE800  }
0x113: {  	_ =	swait.ge [sflag:s15], $0x1800  }
0x114: {  	[sflag:s15] =	ssyncset.done $0x0  }
0x115: {  	[sflag:s15] =	ssyncadd.s32 $0xFFFFE800  }
0x116: {  	_ =	swait.ge [sflag:s15], $0x1800  }
0x117: {  	[sflag:s15] =	ssyncset.done $0x0  }
0x118: {  	[sflag:s15] =	ssyncadd.s32 $0xFFFFE800  }
0x119: {  	_ =	swait.ge [sflag:s15], $0x1800  }
0x11a: {  	[sflag:s15] =	ssyncset.done $0x0  }
0x11b: {  	[sflag:s15] =	ssyncadd.s32 $0xFFFFE800  }
0x11c: {  	p0 =	seq.s32 s19, $0x8C00;
	_ =	swait.ge [sflag:s15], $0x1800  }
0x11d: {  	s5 =	sshra.s32 @!p0 s19, $0x2;
	s6 =	simm.s32 @!p0 $0x5000;
	[sflag:s15] =	ssyncset.done $0x0  }
0x11e: {  	s7 =	sadd.s32 @!p0 $0x500, s5;
	s9 =	simm.s32 @!p0 $0x80;
	[sflag:s15] =	ssyncadd.s32 $0xFFFFE800  }
0x11f: {  	[tilespmem:s6], [sflag:$0x1] =	stream.indirect.gather @!p0 [hbm4b:s4+s9], $0x30, s7, s9, $0xb8;
	[tilespmem:$0x1B680] =	vst v63  }
0x120: {  	s6 =	sadd.s32 @!p0 $0x580, s5;
	s7 =	simm.s32 @!p0 $0x6800  }
0x121: {  	[tilespmem:s7], [sflag:$0x1] =	stream.indirect.gather @!p0 [hbm4b:s4+s9], $0x30, s6, s9, $0xb8;
	[tilespmem:$0x1B680] =	vst v63  }
0x122: {  	s6 =	sadd.s32 @!p0 $0x600, s5;
	s7 =	simm.s32 @!p0 $0x8000  }
0x123: {  	[tilespmem:s7], [sflag:$0x1] =	stream.indirect.gather @!p0 [hbm4b:s4+s9], $0x30, s6, s9, $0xb8;
	[tilespmem:$0x1B680] =	vst v63  }
0x124: {  	s6 =	sadd.s32 @!p0 $0x680, s5;
	s7 =	simm.s32 @!p0 $0x9800  }
0x125: {  	[tilespmem:s7], [sflag:$0x1] =	stream.indirect.gather @!p0 [hbm4b:s4+s9], $0x30, s6, s9, $0xb8;
	[tilespmem:$0x1B680] =	vst v63  }
0x126: {  	s5 =	sadd.s32 @!p0 $0x700, s5;
	s6 =	simm.s32 @!p0 $0xB000  }
0x127: {  	[tilespmem:s6], [sflag:$0x1] =	stream.indirect.gather @!p0 [hbm4b:s4+s9], $0x30, s5, s9, $0xb8;
	[tilespmem:$0x1B680] =	vst v63  }
0x128: {  	_ =	swait.ge [sflag:s31], $0x1800  }
0x129: {  	[sflag:s31] =	ssyncset.done $0x0  }
0x12a: {  	[sflag:s31] =	ssyncadd.s32 $0xFFFFE800  }
0x12b: {  	_ =	swait.ge [sflag:s31], $0x1800  }
0x12c: {  	[sflag:s31] =	ssyncset.done $0x0  }
0x12d: {  	[sflag:s31] =	ssyncadd.s32 $0xFFFFE800  }
0x12e: {  	_ =	swait.ge [sflag:s31], $0x1800  }
0x12f: {  	[sflag:s31] =	ssyncset.done $0x0  }
0x130: {  	[sflag:s31] =	ssyncadd.s32 $0xFFFFE800  }
0x131: {  	_ =	swait.ge [sflag:s31], $0x1800  }
0x132: {  	[sflag:s31] =	ssyncset.done $0x0  }
0x133: {  	[sflag:s31] =	ssyncadd.s32 $0xFFFFE800  }
0x134: {  	_ =	swait.ge [sflag:s31], $0x1800  }
0x135: {  	[sflag:s31] =	ssyncset.done $0x0  }
0x136: {  	s6 =	sadd.s32 $0x2A80, s11;
	[sflag:s31] =	ssyncadd.s32 $0xFFFFE800  }
0x137: {  	[spmem:s2] =	stream.indirect.scatter.add.f32 [tilespmem:s25], [sflag:$0x4], $0x30, s6, s16, $0xb8;
	[tilespmem:$0x1B680] =	vst v63  }
0x138: {  	s7 =	sadd.s32 $0x2B00, s11  }
0x139: {  	[spmem:s2] =	stream.indirect.scatter.add.f32 [tilespmem:s26], [sflag:$0x4], $0x30, s7, s16, $0xb8;
	[tilespmem:$0x1B680] =	vst v63  }
0x13a: {  	s9 =	sadd.s32 $0x2B80, s11  }
0x13b: {  	[spmem:s2] =	stream.indirect.scatter.add.f32 [tilespmem:s28], [sflag:$0x4], $0x30, s9, s16, $0xb8;
	[tilespmem:$0x1B680] =	vst v63  }
0x13c: {  	s10 =	sadd.s32 $0x2C00, s11  }
0x13d: {  	[spmem:s2] =	stream.indirect.scatter.add.f32 [tilespmem:s29], [sflag:$0x4], $0x30, s10, s16, $0xb8;
	[tilespmem:$0x1B680] =	vst v63  }
0x13e: {  	s19 =	sadd.s32 $0x2C80, s11  }
0x13f: {  	[spmem:s2] =	stream.indirect.scatter.add.f32 [tilespmem:s30], [sflag:$0x4], $0x30, s19, s16, $0xb8;
	[tilespmem:$0x1B680] =	vst v63  }
0x140: {  	_ =	swait.ge [sflag:s0], $0x1800  }
0x141: {  	[sflag:s0] =	ssyncset.done $0x0  }
0x142: {  	[sflag:s0] =	ssyncadd.s32 $0xFFFFE800  }
0x143: {  	_ =	swait.ge [sflag:s0], $0x1800  }
0x144: {  	[sflag:s0] =	ssyncset.done $0x0  }
0x145: {  	[sflag:s0] =	ssyncadd.s32 $0xFFFFE800  }
0x146: {  	_ =	swait.ge [sflag:s0], $0x1800  }
0x147: {  	[sflag:s0] =	ssyncset.done $0x0  }
0x148: {  	[sflag:s0] =	ssyncadd.s32 $0xFFFFE800  }
0x149: {  	_ =	swait.ge [sflag:s0], $0x1800  }
0x14a: {  	[sflag:s0] =	ssyncset.done $0x0  }
0x14b: {  	[sflag:s0] =	ssyncadd.s32 $0xFFFFE800  }
0x14c: {  	_ =	swait.ge [sflag:s0], $0x1800  }
0x14d: {  	[sflag:s0] =	ssyncset.done $0x0  }
0x14e: {  	[sflag:s0] =	ssyncadd.s32 $0xFFFFE800  }
0x14f: {  	[bflag:$0x0] =	sbarrier.arrive $0xFFFF  }
0x150: {  	s21 =	rddreg [dreg:$0x8]  }
0x151: {  	[hbm:s21], [sflag:s8] =	dma.local [spmem:s12], $0xED0  }
0x152: {  	_ =	swait.ge [sflag:s13], $0xED0  }
0x153: {  	s1 =	sadd.s32 $0x1, s1;
	s23 =	rddreg [dreg:$0x7]  }
0x154: {  	p0 =	sne.s32 s1, s23  }
.Ltmp1:
0x155: {  	_ = 	snop;
	(pc) =	sbr.rel @p0 .LBB2_1-.Ltmp1, $3  }
0x156: {  	_ =	sdelay $0x1  }
0x157: {  	[sflag:s13] =	ssyncset.done $0x0  }
0x158: {  	[sflag:s13] =	ssyncadd.s32 $0xFFFFF130  }
0x159: {  	_ =	sfence.sel $0x180000  }
0x15a: {  	[bflag:$0x0] =	sbarrier.arrive $0xFFFF  }
0x15b: {  	_ =	strace $0x9000004A  }
0x15c: {  	s0 =	stileid.u32;
	[bflag:$0x2] =	sbarrier.arrive $0xFFFF  }
0x15d: {  	p0 =	sne.s32 s0, $0x0;
	s0 =	rddreg [dreg:$0x3]  }
0x15e: {  	s0 =	sadd.s32 @!p0 $0x100000, s0  }
0x15f: {  	[sflag:s0] =	ssyncadd.tile.s32 @!p0 $0x1;
	_ =	shalt  }
.Lfunc_end2:
_tile_overlayer_lowered:
.L_overlay_start_2:
0x160: {  	(tag) =	ssettag $0x2  }
0x161: {  	s0 =	rddreg [dreg:$0x0];
	s2 =	stileid.u32  }
0x162: {  	s1 =	rddreg [dreg:$0x1];
	p0 =	sne.s32 s2, $0x0  }
0x163: {  	s3 =	rddreg [dreg:$0x2];
	[bflag:$0x3] =	sbarrier.arrive $0xFFFF;
	s2 =	simm.s32 @!p0 $0x1C05  }
0x164: {  	[timem:s3], [sflag:s2] =	dma.local @!p0 [hbm:s0], s1  }
0x165: {  	s0 =	simm.s32 @!p0 $0x5  }
0x166: {  	_ =	swait.ge @!p0 [sflag:s0], s1  }
0x167: {  	s1 =	ssub.s32 @!p0 $0x0, s1;
	[sflag:s0] =	ssyncset.done @!p0 $0x0  }
0x168: {  	[sflag:s0] =	ssyncadd.s32 @!p0 s1  }
0x169: {  	[bflag:$0x3] =	sbarrier.arrive $0xFFFF  }
0x16a: {  	_ =	shalt  }

// kernel: kernel.15.cloned.1.call-start
scs
__scs_entry_jumppad:
0x0: {  	(pc) =	sbr.rel $0x88, $3  }
0x1: {  	(tag) =	ssettag $0x0;
	lr =	simm.s32 $0x1  }
0x2: {  	[smem:$0x3F9D] =	sst lr;
	_ =	strace $0xD0000000  }
0x3: {  	_ = 	snop  }
0x4: {  	_ = 	snop  }
0x5: {  	_ = 	snop  }
0x6: {  	_ = 	snop  }
0x7: {  	_ = 	snop  }
__scs_overlays_trampoline_lowered:
0x8: {  	[smem:$0x3FAC] =	sst s0  }
0x9: {  	[smem:$0x3FAD] =	sst s1  }
0xa: {  	[smem:$0x3FAE] =	sst s2  }
0xb: {  	[smem:$0x3FAF] =	sst s3  }
0xc: {  	[smem:$0x3FB0] =	sst s4  }
0xd: {  	[smem:$0x3FB1] =	sst s5  }
0xe: {  	[smem:$0x3FB2] =	sst s6  }
0xf: {  	[smem:$0x3FB3] =	sst s7  }
0x10: {  	[smem:$0x3FB4] =	sst s8  }
0x11: {  	[smem:$0x3FB5] =	sst s9;
	s0 =	simm.s32 @!p0 $0x0  }
0x12: {  	s1 =	sld [smem:$0x3F9B];
	s0 =	simm.s32 @p0 $0x1  }
0x13: {  	[smem:$0x3FB6] =	sst s0;
	s0 =	simm.s32 @!p1 $0x0  }
0x14: {  	s2 =	sld [smem:$0x3F9A];
	s0 =	simm.s32 @p1 $0x1  }
0x15: {  	[smem:$0x3FB7] =	sst s0;
	s0 =	simm.s32 @!p2 $0x0  }
0x16: {  	s3 =	sld [smem:$0x3FDB];
	s0 =	simm.s32 @p2 $0x1  }
0x17: {  	s4 =	simm.s32 $0x1BF5;
	[smem:$0x3FB9] =	sst s0  }
0x18: {  	s0 =	sld [smem:$0x3F9C];
	_ =	swait.ge [sflag:s4], $0x0  }
0x19: {  	s7 =	sld [smem:$0x3F9D]  }
0x1a: {  	s8 =	sadd.s32 $0xFFFFE003, lr  }
0x1b: {  	s9 =	sadd.s32 $0xFFFFFEF7, lr;
	s5 =	simm.s32 $0xFFFFFFFF;
	p2 =	slt.u32 s8, $0xFFFFF086  }
0x1c: {  	p1 =	slt.u32 s9, $0xF7A;
	s5 =	simm.s32 @!p2 $0x0  }
0x1d: {  	s5 =	simm.s32 @p1 $0x1;
	p0 =	seq.s32 s7, s2  }
0x1e: {  	s7 =	smul.u32 @!p0 $0xF7A, s2;
	p2 =	seq.s32 @!p0 s5, $0x0  }
0x1f: {  	s9 =	smul.u32 $0xF7A, s1;
	s8 =	simm.s32 @!p0 $0x1BF5;
	p2 =	por !p2, p0  }
0x20: {  	[sflag:s8] =	ssyncset.s32 @!p0 $0xFFFFF086;
	s6 =	sadd.s32 @!p0 s3, s7;
	s7 =	simm.s32 @!p0 $0x108  }
0x21: {  	s3 =	sadd.s32 s3, s9;
	s6 =	sadd.s32 @!p0 $0x88, s6;
	s7 =	simm.s32 @p2 $0x1082  }
0x22: {  	[simem:s7], [sflag:s8] =	dma.local @!p0 [hbm:s6], $0xF7A  }
0x23: {  	s9 =	sor.u32 $0xD0000000, s2;
	s6 =	simm.s32 $0x108;
	_ =	swait.ge @!p0 [sflag:s8], $0x0  }
0x24: {  	s3 =	sadd.s32 $0x88, s3;
	s6 =	simm.s32 @!p1 $0x1082;
	[sflag:s4] =	ssyncset.s32 $0xFFFFF086  }
0x25: {  	[simem:s6], [sflag:s4] =	dma.local [hbm:s3], $0xF7A  }
0x26: {  	[smem:$0x3F9D] =	sst s1;
	(tag) =	ssettag s2;
	_ =	strace s9  }
0x27: {  	s1 =	sld [smem:$0x3FAD]  }
0x28: {  	s2 =	sld [smem:$0x3FAE]  }
0x29: {  	s4 =	sld [smem:$0x3FB0]  }
0x2a: {  	p0 =	seq.s32 s5, $0x0;
	s5 =	sld [smem:$0x3FB1]  }
0x2b: {  	s6 =	sld [smem:$0x3FB2]  }
0x2c: {  	s7 =	sld [smem:$0x3FB3]  }
0x2d: {  	s3 =	simm.s32 $0x108;
	s8 =	sld [smem:$0x3FB4]  }
0x2e: {  	s3 =	simm.s32 @!p0 $0x1082;
	s9 =	sld [smem:$0x3FB5]  }
0x2f: {  	lr =	sadd.s32 s0, s3;
	s0 =	sld [smem:$0x3FAC]  }
0x30: {  	s3 =	sld [smem:$0x3FAF]  }
0x31: {  	[smem:$0x3FB8] =	sst s10  }
0x32: {  	s10 =	sld [smem:$0x3FB6];
	_ =	sdelay $0x3  }
0x33: {  	p0 =	seq.s32 s10, $0x1;
	s10 =	sld [smem:$0x3FB8];
	_ =	sdelay $0x3  }
0x34: {  	[smem:$0x3FB8] =	sst s10  }
0x35: {  	s10 =	sld [smem:$0x3FB7];
	_ =	sdelay $0x3  }
0x36: {  	p1 =	seq.s32 s10, $0x1;
	s10 =	sld [smem:$0x3FB8];
	_ =	sdelay $0x3  }
0x37: {  	[smem:$0x3FB8] =	sst s10  }
0x38: {  	s10 =	sld [smem:$0x3FB9]  }
0x39: {  	_ = 	snop;
	(pc) =	sbr.ind lr, $3  }
0x3a: {  	_ = 	snop  }
0x3b: {  	_ = 	snop  }
0x3c: {  	p2 =	seq.s32 s10, $0x1;
	s10 =	sld [smem:$0x3FB8]  }
0x3d: {  	_ =	shalt  }
0x3e: {  	_ =	shalt  }
0x3f: {  	_ =	shalt  }
0x40: {  	_ =	shalt  }
0x41: {  	_ =	shalt  }
0x42: {  	_ =	shalt  }
0x43: {  	_ =	shalt  }
0x44: {  	_ =	shalt  }
0x45: {  	_ =	shalt  }
0x46: {  	_ =	shalt  }
0x47: {  	_ =	shalt  }
0x48: {  	_ =	shalt  }
0x49: {  	_ =	shalt  }
0x4a: {  	_ =	shalt  }
0x4b: {  	_ =	shalt  }
0x4c: {  	_ =	shalt  }
0x4d: {  	_ =	shalt  }
0x4e: {  	_ =	shalt  }
0x4f: {  	_ =	shalt  }
0x50: {  	_ =	shalt  }
0x51: {  	_ =	shalt  }
0x52: {  	_ =	shalt  }
0x53: {  	_ =	shalt  }
0x54: {  	_ =	shalt  }
0x55: {  	_ =	shalt  }
0x56: {  	_ =	shalt  }
0x57: {  	_ =	shalt  }
0x58: {  	_ =	shalt  }
0x59: {  	_ =	shalt  }
0x5a: {  	_ =	shalt  }
0x5b: {  	_ =	shalt  }
0x5c: {  	_ =	shalt  }
0x5d: {  	_ =	shalt  }
0x5e: {  	_ =	shalt  }
0x5f: {  	_ =	shalt  }
0x60: {  	_ =	shalt  }
0x61: {  	_ =	shalt  }
0x62: {  	_ =	shalt  }
0x63: {  	_ =	shalt  }
0x64: {  	_ =	shalt  }
0x65: {  	_ =	shalt  }
0x66: {  	_ =	shalt  }
0x67: {  	_ =	shalt  }
0x68: {  	_ =	shalt  }
0x69: {  	_ =	shalt  }
0x6a: {  	_ =	shalt  }
0x6b: {  	_ =	shalt  }
0x6c: {  	_ =	shalt  }
0x6d: {  	_ =	shalt  }
0x6e: {  	_ =	shalt  }
0x6f: {  	_ =	shalt  }
0x70: {  	_ =	shalt  }
0x71: {  	_ =	shalt  }
0x72: {  	_ =	shalt  }
0x73: {  	_ =	shalt  }
0x74: {  	_ =	shalt  }
0x75: {  	_ =	shalt  }
0x76: {  	_ =	shalt  }
0x77: {  	_ =	shalt  }
0x78: {  	_ =	shalt  }
0x79: {  	_ =	shalt  }
0x7a: {  	_ =	shalt  }
0x7b: {  	_ =	shalt  }
0x7c: {  	_ =	shalt  }
0x7d: {  	_ =	shalt  }
0x7e: {  	_ =	shalt  }
0x7f: {  	_ =	shalt  }
0x80: {  	_ =	shalt  }
0x81: {  	_ =	shalt  }
0x82: {  	_ =	shalt  }
0x83: {  	_ =	shalt  }
0x84: {  	_ =	shalt  }
0x85: {  	_ =	shalt  }
0x86: {  	_ =	shalt  }
0x87: {  	_ =	shalt  }
.Lfunc_end0:
.L_simem_size_0:
called_computation.2_lowered:
.L_overlay_start_0:
0x88: {  	s2 =	sld [smem:$0x3FD9]  }
0x89: {  	s3 =	sld [smem:$0x3FFE];
	_ =	sdelay $0x1  }
0x8a: {  	s1 =	srdreg.scid  }
0x8b: {  	s0 =	sand.u32 $0x1, s1  }
0x8c: {  	s17 =	sshll.u32 s0, $0xA;
	s2 =	sadd.s32 s3, s2  }
0x8d: {  	s2 =	sadd.s32 s2, s17  }
0x8e: {  	[smem:$0x3FC4] =	sst s2  }
0x8f: {  	_ = 	snop  }
0x90: {  	s2 =	sld [smem:$0x3FD0];
	(tm) =	ssettm $0x1  }
0x91: {  	s18 =	sld [smem:$0x3FFB];
	_ =	sdelay $0x3  }
0x92: {  	_ =	strace s18  }
0x93: {  	s3 =	sld [smem:$0x3FFC];
	_ =	sdelay $0x3  }
0x94: {  	_ =	strace s3  }
0x95: {  	s3 =	sld [smem:$0x3FFD];
	_ =	sdelay $0x3  }
0x96: {  	_ =	strace s3  }
0x97: {  	_ =	strace $0x8FFFFFFF  }
0x98: {  	s19 =	sld [smem:$0x3FDB];
	_ =	sdelay $0x1  }
0x99: {  	s4 =	simm.s32 $_scs_section_size  }
0x9a: {  	s5 =	simm.s32 $_size__tile_overlayer_lowered;
	s6 =	simm.s32 $_tile_overlayer_lowered  }
0x9b: {  	s22 =	simm.s32 $0x1BFF;
	s21 =	sshll.u32 s6, $0x1;
	s3 =	sadd.s32 s4, s19  }
0x9c: {  	s7 =	simm.s32 $0x0;
	s20 =	sshll.u32 s5, $0x1;
	s5 =	sadd.s32 s21, s3  }
0x9d: {  	[timem:s7], [sflag:s22] =	dma.local [hbm:s5], s20  }
0x9e: {  	_ =	swait.ge [sflag:s22], s20  }
0x9f: {  	s4 =	ssub.s32 $0x0, s20;
	[sflag:s22] =	ssyncset.done $0x0  }
0xa0: {  	[sflag:s22] =	ssyncadd.s32 s4;
	_ =	sdelay $0x1  }
0xa1: {  	s23 =	simm.s32 $0x1B8B  }
0xa2: {  	_ =	swait.ge [sflag:s23], $0x1  }
0xa3: {  	[sflag:s23] =	ssyncset.done $0x0  }
0xa4: {  	s25 =	simm.s32 $0x1B8E;
	s24 =	sld [smem:$0x3FFE];
	[sflag:s23] =	ssyncadd.s32 $0xFFFFFFFF  }
0xa5: {  	s26 =	simm.s32 $execute0_lowered;
	[smem:$0x3FD2] =	sst s25  }
0xa6: {  	s5 =	sshll.u32 s26, $0x1;
	_ =	strace $0x8000004C;
	[dreg:$0x1] =	wrdreg $0xFFFFFFFF  }
0xa7: {  	s28 =	simm.s32 $_size_execute0_lowered;
	s3 =	sadd.s32 s3, s5;
	[dreg:$0x0] =	wrdreg $0x0  }
0xa8: {  	s5 =	sshll.u32 s28, $0x1;
	[dreg:$0x2] =	wrdreg s3  }
0xa9: {  	[dreg:$0x3] =	wrdreg s5  }
0xaa: {  	[dreg:$0x4] =	wrdreg $0xC0  }
0xab: {  	_ =	task [dreg:s7], $0x5FFFF  }
0xac: {  	[dreg:$0x1] =	wrdreg $0xFFFFFFFF  }
0xad: {  	[dreg:$0x0] =	wrdreg $0x60  }
0xae: {  	[dreg:$0x2] =	wrdreg s24  }
0xaf: {  	[dreg:$0x3] =	wrdreg s2  }
0xb0: {  	[dreg:$0x4] =	wrdreg $0x140000  }
0xb1: {  	[dreg:$0x5] =	wrdreg $0x9  }
0xb2: {  	_ =	task.clear_ibuf [dreg:s7], $0x6FFFF;
	_ =	strace $0x9000004C  }
0xb3: {  	s29 =	simm.s32 $0x9;
	_ =	strace $0x8000004E  }
0xb4: {  	_ =	swait.ge [sflag:s29], $0x1  }
0xb5: {  	[sflag:s29] =	ssyncadd.s32 $0xFFFFFFFF  }
0xb6: {  	_ =	strace $0x9000004E  }
0xb7: {  	_ =	sfence  }
0xb8: {  	s30 =	sld [smem:$0x0];
	_ =	sdelay $0x2  }
0xb9: {  	s31 =	sshll.u32 s1, $0xD;
	s1 =	sshrl.u32 s1, $0x2  }
0xba: {  	s3 =	sand.u32 $0x4000, s31;
	s1 =	sadd.s32 s1, s30  }
0xbb: {  	s0 =	sor.u32 s3, s0;
	s1 =	sshll.u32 s1, $0x11  }
0xbc: {  	s0 =	sor.u32 s1, s0  }
0xbd: {  	s0 =	sadd.s32 $0x8F2B, s0  }
0xbe: {  	[sflag:s0] =	ssyncadd.remote.s32 $0x1  }
0xbf: {  	_ =	sfence.sel $0xFFFF  }
0xc0: {  	[dreg:$0x0] =	wrdreg $0xFFFFFFFF;
	(pc) =	sbr.abs _section_cstart, $3  }
0xc1: {  	[dreg:$0x1] =	wrdreg $0xFFFFFFFF  }
0xc2: {  	_ =	task.clear_ibuf [dreg:s7], $0x2FFFF;
	_ =	strace $0x9FFFFFFF  }
0xc3: {  	(tm) =	ssettm $0x7FFFFFFF  }
tec
execute0_lowered:
.L_overlay_start_1:
0x0: {  	(tag) =	ssettag $0x1  }
0x1: {  	s0 =	rddreg [dreg:$0x0]  }
0x2: {  	s1 =	srdreg.scid;
	s6 =	rddreg [dreg:$0x1]  }
0x3: {  	s2 =	rddreg [dreg:$0x2];
	s5 =	stileid.u32;
	s3 =	simm.s32 $0x0  }
0x4: {  	s13 =	simm.s32 $0x5;
	s14 =	simm.s32 $0x1;
	s15 =	simm.s32 $0x3  }
0x5: {  	s16 =	simm.s32 $0x80;
	s17 =	simm.s32 $0x5000;
	s18 =	simm.s32 $0x6800  }
0x6: {  	s20 =	simm.s32 $0x8000;
	s22 =	simm.s32 $0x9800;
	s28 =	simm.s32 $0xF800  }
0x7: {  	s29 =	simm.s32 $0x11000;
	s30 =	simm.s32 $0x12800;
	s31 =	simm.s32 $0x2  }
0x8: {  	s1 =	sand.u32 $0x1, s1;
	[smem:$0x7FF] =	sst s3;
	s10 =	sadd.s32 $0x1B000, s0  }
0x9: {  	s11 =	smul.u32 $0x7680, s5;
	s25 =	sshll.u32 s5, $0x6;
	s4 =	sshll.u32 s1, $0x4  }
0xa: {  	_ =	strace $0x8000004D;
	s8 =	ssub.s32 $0x2, s1;
	[dreg:$0x4] =	wrdreg s10  }
0xb: {  	p0 =	seq.s32 s1, $0x1;
	s1 =	simm.s32 $0x1C000;
	s4 =	sor.u32 s5, s4  }
0xc: {  	s23 =	sshrl.u32 s8, $0x1;
	s12 =	sadd.s32 s11, s2;
	s1 =	simm.s32 @!p0 $0x2AE00  }
0xd: {  	s11 =	sshrl.u32 s11, $0x3;
	s7 =	smul.u32 $0x500, s4;
	s4 =	sadd.s32 $0xC200, s0  }
0xe: {  	s10 =	ssub.s32 s8, s23;
	s8 =	sor.u32 $0x1C05, s25;
	s12 =	sshrl.u32 s12, $0x3  }
0xf: {  	s25 =	simm.s32 $0xC800;
	s26 =	smax.u32 s10, $0x1;
	s9 =	sadd.s32 s7, s0  }
0x10: {  	s6 =	sadd.s32 s6, s7;
	s0 =	sadd.s32 s1, s0;
	[dreg:$0x7] =	wrdreg s26  }
0x11: {  	s26 =	simm.s32 $0xE000;
	[dreg:$0x5] =	wrdreg s6;
	s24 =	sadd.s32 $0x2200, s9  }
0x12: {  	s1 =	simm.s32 $0x0;
	s0 =	sadd.s32 s0, s11;
	[dreg:$0x6] =	wrdreg s24  }
0x13: {  	[dreg:$0x8] =	wrdreg s0;
	s24 =	simm.s32 $0xB000;
	s0 =	simm.s32 $0x4  }
.LBB2_1:
0x14: {  	s5 =	rddreg [dreg:$0x5]  }
0x15: {  	s11 =	rddreg [dreg:$0x6]  }
0x16: {  	[tilespmem:s3], [sflag:$0x1] =	stream.linear.gather [hbm4b:s5+s3], $0x2800, $0x38;
	[tilespmem:$0x1B680] =	vst v63  }
0x17: {  	s6 =	simm.s32 $0x2800;
	s19 =	rddreg [dreg:$0x4]  }
0x18: {  	[tilespmem:s6], [sflag:$0x3] =	stream.linear.gather [hbm4b:s11+s3], $0x2800, $0x38;
	[tilespmem:$0x1B680] =	vst v63  }
0x19: {  	[spmem:s12], [sflag:s8] =	dma.local [hbm:s19], $0xED0  }
0x1a: {  	_ =	swait.ge [sflag:s13], $0xED0  }
0x1b: {  	[sflag:s13] =	ssyncset.done $0x0  }
0x1c: {  	[sflag:s13] =	ssyncadd.s32 $0xFFFFF130  }
0x1d: {  	_ =	swait.ge [sflag:s14], $0x2800  }
0x1e: {  	[sflag:s14] =	ssyncset.done $0x0  }
0x1f: {  	[sflag:s14] =	ssyncadd.s32 $0xFFFFD800  }
0x20: {  	_ =	swait.ge [sflag:s15], $0x2800  }
0x21: {  	[sflag:s15] =	ssyncset.done $0x0  }
0x22: {  	[sflag:s15] =	ssyncadd.s32 $0xFFFFD800  }
0x23: {  	[bflag:$0x0] =	sbarrier.arrive $0xFFFF  }
0x24: {  	[tilespmem:s17], [sflag:$0x1] =	stream.indirect.gather [hbm4b:s4+s16], $0x30, s3, s16, $0xb8;
	[tilespmem:$0x1B680] =	vst v63  }
0x25: {  	_ = 	snop  }
0x26: {  	[tilespmem:s18], [sflag:$0x1] =	stream.indirect.gather [hbm4b:s4+s16], $0x30, s16, s16, $0xb8;
	[tilespmem:$0x1B680] =	vst v63  }
0x27: {  	s21 =	simm.s32 $0x100  }
0x28: {  	[tilespmem:s20], [sflag:$0x1] =	stream.indirect.gather [hbm4b:s4+s16], $0x30, s21, s16, $0xb8;
	[tilespmem:$0x1B680] =	vst v63  }
0x29: {  	s23 =	simm.s32 $0x180  }
0x2a: {  	[tilespmem:s22], [sflag:$0x1] =	stream.indirect.gather [hbm4b:s4+s16], $0x30, s23, s16, $0xb8;
	[tilespmem:$0x1B680] =	vst v63  }
0x2b: {  	s6 =	simm.s32 $0x200  }
0x2c: {  	[tilespmem:s24], [sflag:$0x1] =	stream.indirect.gather [hbm4b:s4+s16], $0x30, s6, s16, $0xb8;
	[tilespmem:$0x1B680] =	vst v63  }
0x2d: {  	s11 =	simm.s32 $0x280  }
0x2e: {  	[tilespmem:s25], [sflag:$0x2] =	stream.indirect.gather [hbm4b:s4+s16], $0x30, s11, s16, $0xb8;
	[tilespmem:$0x1B680] =	vst v63  }
0x2f: {  	s7 =	simm.s32 $0x300  }
0x30: {  	[tilespmem:s26], [sflag:$0x2] =	stream.indirect.gather [hbm4b:s4+s16], $0x30, s7, s16, $0xb8;
	[tilespmem:$0x1B680] =	vst v63  }
0x31: {  	s9 =	simm.s32 $0x380  }
0x32: {  	[tilespmem:s28], [sflag:$0x2] =	stream.indirect.gather [hbm4b:s4+s16], $0x30, s9, s16, $0xb8;
	[tilespmem:$0x1B680] =	vst v63  }
0x33: {  	s10 =	simm.s32 $0x400  }
0x34: {  	[tilespmem:s29], [sflag:$0x2] =	stream.indirect.gather [hbm4b:s4+s16], $0x30, s10, s16, $0xb8;
	[tilespmem:$0x1B680] =	vst v63  }
0x35: {  	s19 =	simm.s32 $0x480  }
0x36: {  	[tilespmem:s30], [sflag:$0x2] =	stream.indirect.gather [hbm4b:s4+s16], $0x30, s19, s16, $0xb8;
	[tilespmem:$0x1B680] =	vst v63  }
0x37: {  	_ =	swait.ge [sflag:s14], $0x1800  }
0x38: {  	[sflag:s14] =	ssyncset.done $0x0  }
0x39: {  	[sflag:s14] =	ssyncadd.s32 $0xFFFFE800  }
0x3a: {  	_ =	swait.ge [sflag:s14], $0x1800  }
0x3b: {  	[sflag:s14] =	ssyncset.done $0x0  }
0x3c: {  	[sflag:s14] =	ssyncadd.s32 $0xFFFFE800  }
0x3d: {  	_ =	swait.ge [sflag:s14], $0x1800  }
0x3e: {  	[sflag:s14] =	ssyncset.done $0x0  }
0x3f: {  	[sflag:s14] =	ssyncadd.s32 $0xFFFFE800  }
0x40: {  	_ =	swait.ge [sflag:s14], $0x1800  }
0x41: {  	[sflag:s14] =	ssyncset.done $0x0  }
0x42: {  	[sflag:s14] =	ssyncadd.s32 $0xFFFFE800  }
0x43: {  	_ =	swait.ge [sflag:s14], $0x1800  }
0x44: {  	[sflag:s14] =	ssyncset.done $0x0  }
0x45: {  	s21 =	simm.s32 $0x2800;
	[sflag:s14] =	ssyncadd.s32 $0xFFFFE800  }
0x46: {  	[spmem:s2] =	stream.indirect.scatter.add.f32 [tilespmem:s17], [sflag:$0x3], $0x30, s21, s16, $0xb8;
	[tilespmem:$0x1B680] =	vst v63  }
0x47: {  	s23 =	simm.s32 $0x2880  }
0x48: {  	[spmem:s2] =	stream.indirect.scatter.add.f32 [tilespmem:s18], [sflag:$0x3], $0x30, s23, s16, $0xb8;
	[tilespmem:$0x1B680] =	vst v63  }
0x49: {  	s5 =	simm.s32 $0x2900  }
0x4a: {  	[spmem:s2] =	stream.indirect.scatter.add.f32 [tilespmem:s20], [sflag:$0x3], $0x30, s5, s16, $0xb8;
	[tilespmem:$0x1B680] =	vst v63  }
0x4b: {  	s6 =	simm.s32 $0x2980  }
0x4c: {  	[spmem:s2] =	stream.indirect.scatter.add.f32 [tilespmem:s22], [sflag:$0x3], $0x30, s6, s16, $0xb8;
	[tilespmem:$0x1B680] =	vst v63  }
0x4d: {  	s7 =	simm.s32 $0x2A00  }
0x4e: {  	[spmem:s2] =	stream.indirect.scatter.add.f32 [tilespmem:s24], [sflag:$0x3], $0x30, s7, s16, $0xb8;
	[tilespmem:$0x1B680] =	vst v63  }
0x4f: {  	_ =	swait.ge [sflag:s15], $0x1800  }
0x50: {  	[sflag:s15] =	ssyncset.done $0x0  }
0x51: {  	[sflag:s15] =	ssyncadd.s32 $0xFFFFE800  }
0x52: {  	_ =	swait.ge [sflag:s15], $0x1800  }
0x53: {  	[sflag:s15] =	ssyncset.done $0x0  }
0x54: {  	[sflag:s15] =	ssyncadd.s32 $0xFFFFE800  }
0x55: {  	_ =	swait.ge [sflag:s15], $0x1800  }
0x56: {  	[sflag:s15] =	ssyncset.done $0x0  }
0x57: {  	[sflag:s15] =	ssyncadd.s32 $0xFFFFE800  }
0x58: {  	_ =	swait.ge [sflag:s15], $0x1800  }
0x59: {  	[sflag:s15] =	ssyncset.done $0x0  }
0x5a: {  	[sflag:s15] =	ssyncadd.s32 $0xFFFFE800  }
0x5b: {  	p0 =	por $0x0, $0x0;
	_ =	swait.ge [sflag:s15], $0x1800  }
0x5c: {  	s11 =	simm.s32 @!p0 $0x5000;
	[sflag:s15] =	ssyncset.done $0x0  }
0x5d: {  	s19 =	simm.s32 @!p0 $0x500;
	s21 =	simm.s32 @!p0 $0x80;
	[sflag:s15] =	ssyncadd.s32 $0xFFFFE800  }
0x5e: {  	[tilespmem:s11], [sflag:$0x1] =	stream.indirect.gather @!p0 [hbm4b:s4+s21], $0x30, s19, s21, $0xb8;
	[tilespmem:$0x1B680] =	vst v63  }
0x5f: {  	s11 =	simm.s32 @!p0 $0x580;
	s19 =	simm.s32 @!p0 $0x6800  }
0x60: {  	[tilespmem:s19], [sflag:$0x1] =	stream.indirect.gather @!p0 [hbm4b:s4+s21], $0x30, s11, s21, $0xb8;
	[tilespmem:$0x1B680] =	vst v63  }
0x61: {  	s11 =	simm.s32 @!p0 $0x600;
	s19 =	simm.s32 @!p0 $0x8000  }
0x62: {  	[tilespmem:s19], [sflag:$0x1] =	stream.indirect.gather @!p0 [hbm4b:s4+s21], $0x30, s11, s21, $0xb8;
	[tilespmem:$0x1B680] =	vst v63  }
0x63: {  	s11 =	simm.s32 @!p0 $0x680;
	s19 =	simm.s32 @!p0 $0x9800  }
0x64: {  	[tilespmem:s19], [sflag:$0x1] =	stream.indirect.gather @!p0 [hbm4b:s4+s21], $0x30, s11, s21, $0xb8;
	[tilespmem:$0x1B680] =	vst v63  }
0x65: {  	s11 =	simm.s32 @!p0 $0x700;
	s19 =	simm.s32 @!p0 $0xB000  }
0x66: {  	[tilespmem:s19], [sflag:$0x1] =	stream.indirect.gather @!p0 [hbm4b:s4+s21], $0x30, s11, s21, $0xb8;
	[tilespmem:$0x1B680] =	vst v63  }
0x67: {  	_ =	swait.ge [sflag:s31], $0x1800  }
0x68: {  	[sflag:s31] =	ssyncset.done $0x0  }
0x69: {  	[sflag:s31] =	ssyncadd.s32 $0xFFFFE800  }
0x6a: {  	_ =	swait.ge [sflag:s31], $0x1800  }
0x6b: {  	[sflag:s31] =	ssyncset.done $0x0  }
0x6c: {  	[sflag:s31] =	ssyncadd.s32 $0xFFFFE800  }
0x6d: {  	_ =	swait.ge [sflag:s31], $0x1800  }
0x6e: {  	[sflag:s31] =	ssyncset.done $0x0  }
0x6f: {  	[sflag:s31] =	ssyncadd.s32 $0xFFFFE800  }
0x70: {  	_ =	swait.ge [sflag:s31], $0x1800  }
0x71: {  	[sflag:s31] =	ssyncset.done $0x0  }
0x72: {  	[sflag:s31] =	ssyncadd.s32 $0xFFFFE800  }
0x73: {  	_ =	swait.ge [sflag:s31], $0x1800  }
0x74: {  	[sflag:s31] =	ssyncset.done $0x0  }
0x75: {  	s9 =	simm.s32 $0x2A80;
	[sflag:s31] =	ssyncadd.s32 $0xFFFFE800  }
0x76: {  	[spmem:s2] =	stream.indirect.scatter.add.f32 [tilespmem:s25], [sflag:$0x4], $0x30, s9, s16, $0xb8;
	[tilespmem:$0x1B680] =	vst v63  }
0x77: {  	s10 =	simm.s32 $0x2B00  }
0x78: {  	[spmem:s2] =	stream.indirect.scatter.add.f32 [tilespmem:s26], [sflag:$0x4], $0x30, s10, s16, $0xb8;
	[tilespmem:$0x1B680] =	vst v63  }
0x79: {  	s19 =	simm.s32 $0x2B80  }
0x7a: {  	[spmem:s2] =	stream.indirect.scatter.add.f32 [tilespmem:s28], [sflag:$0x4], $0x30, s19, s16, $0xb8;
	[tilespmem:$0x1B680] =	vst v63  }
0x7b: {  	s21 =	simm.s32 $0x2C00  }
0x7c: {  	[spmem:s2] =	stream.indirect.scatter.add.f32 [tilespmem:s29], [sflag:$0x4], $0x30, s21, s16, $0xb8;
	[tilespmem:$0x1B680] =	vst v63  }
0x7d: {  	s23 =	simm.s32 $0x2C80  }
0x7e: {  	[spmem:s2] =	stream.indirect.scatter.add.f32 [tilespmem:s30], [sflag:$0x4], $0x30, s23, s16, $0xb8;
	[tilespmem:$0x1B680] =	vst v63  }
0x7f: {  	_ =	swait.ge [sflag:s0], $0x1800  }
0x80: {  	[sflag:s0] =	ssyncset.done $0x0  }
0x81: {  	[sflag:s0] =	ssyncadd.s32 $0xFFFFE800  }
0x82: {  	_ =	swait.ge [sflag:s0], $0x1800  }
0x83: {  	[sflag:s0] =	ssyncset.done $0x0  }
0x84: {  	[sflag:s0] =	ssyncadd.s32 $0xFFFFE800  }
0x85: {  	_ =	swait.ge [sflag:s0], $0x1800  }
0x86: {  	[sflag:s0] =	ssyncset.done $0x0  }
0x87: {  	[sflag:s0] =	ssyncadd.s32 $0xFFFFE800  }
0x88: {  	_ =	swait.ge [sflag:s0], $0x1800  }
0x89: {  	[sflag:s0] =	ssyncset.done $0x0  }
0x8a: {  	[sflag:s0] =	ssyncadd.s32 $0xFFFFE800  }
0x8b: {  	s11 =	simm.s32 $0x500;
	_ =	swait.ge [sflag:s0], $0x1800  }
0x8c: {  	s19 =	simm.s32 $0x1400;
	s21 =	simm.s32 $0x2800;
	[sflag:s0] =	ssyncset.done $0x0  }
.LBB2_2:
0x8d: {  	s5 =	sadd.s32 $0x280, s11  }
0x8e: {  	[sflag:s0] =	ssyncadd.s32 $0xFFFFE800;
	s23 =	smov.u32 s21;
	s21 =	sadd.s32 $0x1400, s21  }
0x8f: {  	[tilespmem:s25], [sflag:$0x2] =	stream.indirect.gather [hbm4b:s4+s16], $0x30, s5, s16, $0xb8;
	[tilespmem:$0x1B680] =	vst v63  }
0x90: {  	p0 =	sne.s32 s21, $0xA000;
	s5 =	sadd.s32 $0x300, s11  }
0x91: {  	[tilespmem:s26], [sflag:$0x2] =	stream.indirect.gather [hbm4b:s4+s16], $0x30, s5, s16, $0xb8;
	[tilespmem:$0x1B680] =	vst v63  }
0x92: {  	s5 =	sadd.s32 $0x380, s11  }
0x93: {  	[tilespmem:s28], [sflag:$0x2] =	stream.indirect.gather [hbm4b:s4+s16], $0x30, s5, s16, $0xb8;
	[tilespmem:$0x1B680] =	vst v63  }
0x94: {  	s5 =	sadd.s32 $0x400, s11  }
0x95: {  	[tilespmem:s29], [sflag:$0x2] =	stream.indirect.gather [hbm4b:s4+s16], $0x30, s5, s16, $0xb8;
	[tilespmem:$0x1B680] =	vst v63  }
0x96: {  	s5 =	sadd.s32 $0x480, s11  }
0x97: {  	[tilespmem:s30], [sflag:$0x2] =	stream.indirect.gather [hbm4b:s4+s16], $0x30, s5, s16, $0xb8;
	[tilespmem:$0x1B680] =	vst v63  }
0x98: {  	_ =	swait.ge [sflag:s14], $0x1800  }
0x99: {  	[sflag:s14] =	ssyncset.done $0x0  }
0x9a: {  	[sflag:s14] =	ssyncadd.s32 $0xFFFFE800  }
0x9b: {  	_ =	swait.ge [sflag:s14], $0x1800  }
0x9c: {  	[sflag:s14] =	ssyncset.done $0x0  }
0x9d: {  	[sflag:s14] =	ssyncadd.s32 $0xFFFFE800  }
0x9e: {  	_ =	swait.ge [sflag:s14], $0x1800  }
0x9f: {  	[sflag:s14] =	ssyncset.done $0x0  }
0xa0: {  	[sflag:s14] =	ssyncadd.s32 $0xFFFFE800  }
0xa1: {  	_ =	swait.ge [sflag:s14], $0x1800  }
0xa2: {  	[sflag:s14] =	ssyncset.done $0x0  }
0xa3: {  	[sflag:s14] =	ssyncadd.s32 $0xFFFFE800  }
0xa4: {  	_ =	swait.ge [sflag:s14], $0x1800  }
0xa5: {  	[sflag:s14] =	ssyncset.done $0x0  }
0xa6: {  	s5 =	sadd.s32 $0x2800, s11;
	[sflag:s14] =	ssyncadd.s32 $0xFFFFE800  }
0xa7: {  	[spmem:s2] =	stream.indirect.scatter.add.f32 [tilespmem:s17], [sflag:$0x3], $0x30, s5, s16, $0xb8;
	[tilespmem:$0x1B680] =	vst v63  }
0xa8: {  	s5 =	sadd.s32 $0x2880, s11  }
0xa9: {  	[spmem:s2] =	stream.indirect.scatter.add.f32 [tilespmem:s18], [sflag:$0x3], $0x30, s5, s16, $0xb8;
	[tilespmem:$0x1B680] =	vst v63  }
0xaa: {  	s5 =	sadd.s32 $0x2900, s11  }
0xab: {  	[spmem:s2] =	stream.indirect.scatter.add.f32 [tilespmem:s20], [sflag:$0x3], $0x30, s5, s16, $0xb8;
	[tilespmem:$0x1B680] =	vst v63  }
0xac: {  	s5 =	sadd.s32 $0x2980, s11  }
0xad: {  	[spmem:s2] =	stream.indirect.scatter.add.f32 [tilespmem:s22], [sflag:$0x3], $0x30, s5, s16, $0xb8;
	[tilespmem:$0x1B680] =	vst v63  }
0xae: {  	s5 =	sadd.s32 $0x2A00, s11  }
0xaf: {  	[spmem:s2] =	stream.indirect.scatter.add.f32 [tilespmem:s24], [sflag:$0x3], $0x30, s5, s16, $0xb8;
	[tilespmem:$0x1B680] =	vst v63  }
0xb0: {  	_ =	swait.ge [sflag:s15], $0x1800  }
0xb1: {  	[sflag:s15] =	ssyncset.done $0x0  }
0xb2: {  	[sflag:s15] =	ssyncadd.s32 $0xFFFFE800  }
0xb3: {  	_ =	swait.ge [sflag:s15], $0x1800  }
0xb4: {  	[sflag:s15] =	ssyncset.done $0x0  }
0xb5: {  	[sflag:s15] =	ssyncadd.s32 $0xFFFFE800  }
0xb6: {  	_ =	swait.ge [sflag:s15], $0x1800  }
0xb7: {  	[sflag:s15] =	ssyncset.done $0x0  }
0xb8: {  	[sflag:s15] =	ssyncadd.s32 $0xFFFFE800  }
0xb9: {  	_ =	swait.ge [sflag:s15], $0x1800  }
0xba: {  	[sflag:s15] =	ssyncset.done $0x0  }
0xbb: {  	[sflag:s15] =	ssyncadd.s32 $0xFFFFE800  }
0xbc: {  	p1 =	seq.s32 s19, $0x8C00;
	_ =	swait.ge [sflag:s15], $0x1800  }
0xbd: {  	s5 =	sshra.s32 @!p1 s19, $0x2;
	s19 =	simm.s32 @!p1 $0x5000;
	[sflag:s15] =	ssyncset.done $0x0  }
0xbe: {  	s7 =	simm.s32 @!p1 $0x80;
	s6 =	sadd.s32 @!p1 $0x500, s5;
	[sflag:s15] =	ssyncadd.s32 $0xFFFFE800  }
0xbf: {  	[tilespmem:s19], [sflag:$0x1] =	stream.indirect.gather @!p1 [hbm4b:s4+s7], $0x30, s6, s7, $0xb8;
	[tilespmem:$0x1B680] =	vst v63  }
0xc0: {  	s9 =	sadd.s32 @!p1 $0x600, s5;
	s6 =	sadd.s32 @!p1 $0x580, s5;
	s19 =	simm.s32 @!p1 $0x6800  }
0xc1: {  	[tilespmem:s19], [sflag:$0x1] =	stream.indirect.gather @!p1 [hbm4b:s4+s7], $0x30, s6, s7, $0xb8;
	[tilespmem:$0x1B680] =	vst v63  }
0xc2: {  	s10 =	sadd.s32 @!p1 $0x680, s5;
	s5 =	sadd.s32 @!p1 $0x700, s5;
	s6 =	simm.s32 @!p1 $0x8000  }
0xc3: {  	[tilespmem:s6], [sflag:$0x1] =	stream.indirect.gather @!p1 [hbm4b:s4+s7], $0x30, s9, s7, $0xb8;
	[tilespmem:$0x1B680] =	vst v63  }
0xc4: {  	s19 =	smov.u32 s23;
	s6 =	simm.s32 @!p1 $0x9800  }
0xc5: {  	[tilespmem:s6], [sflag:$0x1] =	stream.indirect.gather @!p1 [hbm4b:s4+s7], $0x30, s10, s7, $0xb8;
	[tilespmem:$0x1B680] =	vst v63  }
0xc6: {  	s6 =	simm.s32 @!p1 $0xB000  }
0xc7: {  	[tilespmem:s6], [sflag:$0x1] =	stream.indirect.gather @!p1 [hbm4b:s4+s7], $0x30, s5, s7, $0xb8;
	[tilespmem:$0x1B680] =	vst v63  }
0xc8: {  	_ =	swait.ge [sflag:s31], $0x1800  }
0xc9: {  	[sflag:s31] =	ssyncset.done $0x0  }
0xca: {  	[sflag:s31] =	ssyncadd.s32 $0xFFFFE800  }
0xcb: {  	_ =	swait.ge [sflag:s31], $0x1800  }
0xcc: {  	[sflag:s31] =	ssyncset.done $0x0  }
0xcd: {  	[sflag:s31] =	ssyncadd.s32 $0xFFFFE800  }
0xce: {  	_ =	swait.ge [sflag:s31], $0x1800  }
0xcf: {  	[sflag:s31] =	ssyncset.done $0x0  }
0xd0: {  	[sflag:s31] =	ssyncadd.s32 $0xFFFFE800  }
0xd1: {  	_ =	swait.ge [sflag:s31], $0x1800  }
0xd2: {  	[sflag:s31] =	ssyncset.done $0x0  }
0xd3: {  	[sflag:s31] =	ssyncadd.s32 $0xFFFFE800  }
0xd4: {  	_ =	swait.ge [sflag:s31], $0x1800  }
0xd5: {  	[sflag:s31] =	ssyncset.done $0x0  }
0xd6: {  	s5 =	sadd.s32 $0x2A80, s11;
	[sflag:s31] =	ssyncadd.s32 $0xFFFFE800  }
0xd7: {  	[spmem:s2] =	stream.indirect.scatter.add.f32 [tilespmem:s25], [sflag:$0x4], $0x30, s5, s16, $0xb8;
	[tilespmem:$0x1B680] =	vst v63  }
0xd8: {  	s5 =	sadd.s32 $0x2B00, s11  }
0xd9: {  	[spmem:s2] =	stream.indirect.scatter.add.f32 [tilespmem:s26], [sflag:$0x4], $0x30, s5, s16, $0xb8;
	[tilespmem:$0x1B680] =	vst v63  }
0xda: {  	s5 =	sadd.s32 $0x2B80, s11  }
0xdb: {  	[spmem:s2] =	stream.indirect.scatter.add.f32 [tilespmem:s28], [sflag:$0x4], $0x30, s5, s16, $0xb8;
	[tilespmem:$0x1B680] =	vst v63  }
0xdc: {  	s5 =	sadd.s32 $0x2C00, s11  }
0xdd: {  	[spmem:s2] =	stream.indirect.scatter.add.f32 [tilespmem:s29], [sflag:$0x4], $0x30, s5, s16, $0xb8;
	[tilespmem:$0x1B680] =	vst v63  }
0xde: {  	s5 =	sadd.s32 $0x2C80, s11  }
0xdf: {  	[spmem:s2] =	stream.indirect.scatter.add.f32 [tilespmem:s30], [sflag:$0x4], $0x30, s5, s16, $0xb8;
	[tilespmem:$0x1B680] =	vst v63  }
0xe0: {  	_ =	swait.ge [sflag:s0], $0x1800  }
0xe1: {  	[sflag:s0] =	ssyncset.done $0x0  }
0xe2: {  	[sflag:s0] =	ssyncadd.s32 $0xFFFFE800  }
0xe3: {  	_ =	swait.ge [sflag:s0], $0x1800  }
0xe4: {  	[sflag:s0] =	ssyncset.done $0x0  }
0xe5: {  	[sflag:s0] =	ssyncadd.s32 $0xFFFFE800  }
0xe6: {  	_ =	swait.ge [sflag:s0], $0x1800  }
0xe7: {  	[sflag:s0] =	ssyncset.done $0x0  }
0xe8: {  	[sflag:s0] =	ssyncadd.s32 $0xFFFFE800  }
.Ltmp0:
0xe9: {  	_ =	swait.ge [sflag:s0], $0x1800;
	(pc) =	sbr.rel @p0 .LBB2_2-.Ltmp0, $4  }
0xea: {  	[sflag:s0] =	ssyncset.done $0x0  }
0xeb: {  	[sflag:s0] =	ssyncadd.s32 $0xFFFFE800  }
0xec: {  	_ =	swait.ge [sflag:s0], $0x1800  }
0xed: {  	s11 =	sshra.s32 s19, $0x2;
	[sflag:s0] =	ssyncset.done $0x0  }
0xee: {  	s5 =	sadd.s32 $0x280, s11;
	[sflag:s0] =	ssyncadd.s32 $0xFFFFE800  }
0xef: {  	[tilespmem:s25], [sflag:$0x2] =	stream.indirect.gather [hbm4b:s4+s16], $0x30, s5, s16, $0xb8;
	[tilespmem:$0x1B680] =	vst v63  }
0xf0: {  	s10 =	sadd.s32 $0x300, s11  }
0xf1: {  	[tilespmem:s26], [sflag:$0x2] =	stream.indirect.gather [hbm4b:s4+s16], $0x30, s10, s16, $0xb8;
	[tilespmem:$0x1B680] =	vst v63  }
0xf2: {  	s21 =	sadd.s32 $0x380, s11  }
0xf3: {  	[tilespmem:s28], [sflag:$0x2] =	stream.indirect.gather [hbm4b:s4+s16], $0x30, s21, s16, $0xb8;
	[tilespmem:$0x1B680] =	vst v63  }
0xf4: {  	s23 =	sadd.s32 $0x400, s11  }
0xf5: {  	[tilespmem:s29], [sflag:$0x2] =	stream.indirect.gather [hbm4b:s4+s16], $0x30, s23, s16, $0xb8;
	[tilespmem:$0x1B680] =	vst v63  }
0xf6: {  	s6 =	sadd.s32 $0x480, s11  }
0xf7: {  	[tilespmem:s30], [sflag:$0x2] =	stream.indirect.gather [hbm4b:s4+s16], $0x30, s6, s16, $0xb8;
	[tilespmem:$0x1B680] =	vst v63  }
0xf8: {  	_ =	swait.ge [sflag:s14], $0x1800  }
0xf9: {  	[sflag:s14] =	ssyncset.done $0x0  }
0xfa: {  	[sflag:s14] =	ssyncadd.s32 $0xFFFFE800  }
0xfb: {  	_ =	swait.ge [sflag:s14], $0x1800  }
0xfc: {  	[sflag:s14] =	ssyncset.done $0x0  }
0xfd: {  	[sflag:s14] =	ssyncadd.s32 $0xFFFFE800  }
0xfe: {  	_ =	swait.ge [sflag:s14], $0x1800  }
0xff: {  	[sflag:s14] =	ssyncset.done $0x0  }
0x100: {  	[sflag:s14] =	ssyncadd.s32 $0xFFFFE800  }
0x101: {  	_ =	swait.ge [sflag:s14], $0x1800  }
0x102: {  	[sflag:s14] =	ssyncset.done $0x0  }
0x103: {  	[sflag:s14] =	ssyncadd.s32 $0xFFFFE800  }
0x104: {  	_ =	swait.ge [sflag:s14], $0x1800  }
0x105: {  	[sflag:s14] =	ssyncset.done $0x0  }
0x106: {  	s7 =	sadd.s32 $0x2800, s11;
	[sflag:s14] =	ssyncadd.s32 $0xFFFFE800  }
0x107: {  	[spmem:s2] =	stream.indirect.scatter.add.f32 [tilespmem:s17], [sflag:$0x3], $0x30, s7, s16, $0xb8;
	[tilespmem:$0x1B680] =	vst v63  }
0x108: {  	s9 =	sadd.s32 $0x2880, s11  }
0x109: {  	[spmem:s2] =	stream.indirect.scatter.add.f32 [tilespmem:s18], [sflag:$0x3], $0x30, s9, s16, $0xb8;
	[tilespmem:$0x1B680] =	vst v63  }
0x10a: {  	s10 =	sadd.s32 $0x2900, s11  }
0x10b: {  	[spmem:s2] =	stream.indirect.scatter.add.f32 [tilespmem:s20], [sflag:$0x3], $0x30, s10, s16, $0xb8;
	[tilespmem:$0x1B680] =	vst v63  }
0x10c: {  	s21 =	sadd.s32 $0x2980, s11  }
0x10d: {  	[spmem:s2] =	stream.indirect.scatter.add.f32 [tilespmem:s22], [sflag:$0x3], $0x30, s21, s16, $0xb8;
	[tilespmem:$0x1B680] =	vst v63  }
0x10e: {  	s23 =	sadd.s32 $0x2A00, s11  }
0x10f: {  	[spmem:s2] =	stream.indirect.scatter.add.f32 [tilespmem:s24], [sflag:$0x3], $0x30, s23, s16, $0xb8;
	[tilespmem:$0x1B680] =	vst v63  }
0x110: {  	_ =	swait.ge [sflag:s15], $0x1800  }
0x111: {  	[sflag:s15] =	ssyncset.done $0x0  }
0x112: {  	[sflag:s15] =	ssyncadd.s32 $0xFFFFE800  }
0x113: {  	_ =	swait.ge [sflag:s15], $0x1800  }
0x114: {  	[sflag:s15] =	ssyncset.done $0x0  }
0x115: {  	[sflag:s15] =	ssyncadd.s32 $0xFFFFE800  }
0x116: {  	_ =	swait.ge [sflag:s15], $0x1800  }
0x117: {  	[sflag:s15] =	ssyncset.done $0x0  }
0x118: {  	[sflag:s15] =	ssyncadd.s32 $0xFFFFE800  }
0x119: {  	_ =	swait.ge [sflag:s15], $0x1800  }
0x11a: {  	[sflag:s15] =	ssyncset.done $0x0  }
0x11b: {  	[sflag:s15] =	ssyncadd.s32 $0xFFFFE800  }
0x11c: {  	p0 =	seq.s32 s19, $0x8C00;
	_ =	swait.ge [sflag:s15], $0x1800  }
0x11d: {  	s5 =	sshra.s32 @!p0 s19, $0x2;
	s6 =	simm.s32 @!p0 $0x5000;
	[sflag:s15] =	ssyncset.done $0x0  }
0x11e: {  	s7 =	sadd.s32 @!p0 $0x500, s5;
	s9 =	simm.s32 @!p0 $0x80;
	[sflag:s15] =	ssyncadd.s32 $0xFFFFE800  }
0x11f: {  	[tilespmem:s6], [sflag:$0x1] =	stream.indirect.gather @!p0 [hbm4b:s4+s9], $0x30, s7, s9, $0xb8;
	[tilespmem:$0x1B680] =	vst v63  }
0x120: {  	s6 =	sadd.s32 @!p0 $0x580, s5;
	s7 =	simm.s32 @!p0 $0x6800  }
0x121: {  	[tilespmem:s7], [sflag:$0x1] =	stream.indirect.gather @!p0 [hbm4b:s4+s9], $0x30, s6, s9, $0xb8;
	[tilespmem:$0x1B680] =	vst v63  }
0x122: {  	s6 =	sadd.s32 @!p0 $0x600, s5;
	s7 =	simm.s32 @!p0 $0x8000  }
0x123: {  	[tilespmem:s7], [sflag:$0x1] =	stream.indirect.gather @!p0 [hbm4b:s4+s9], $0x30, s6, s9, $0xb8;
	[tilespmem:$0x1B680] =	vst v63  }
0x124: {  	s6 =	sadd.s32 @!p0 $0x680, s5;
	s7 =	simm.s32 @!p0 $0x9800  }
0x125: {  	[tilespmem:s7], [sflag:$0x1] =	stream.indirect.gather @!p0 [hbm4b:s4+s9], $0x30, s6, s9, $0xb8;
	[tilespmem:$0x1B680] =	vst v63  }
0x126: {  	s5 =	sadd.s32 @!p0 $0x700, s5;
	s6 =	simm.s32 @!p0 $0xB000  }
0x127: {  	[tilespmem:s6], [sflag:$0x1] =	stream.indirect.gather @!p0 [hbm4b:s4+s9], $0x30, s5, s9, $0xb8;
	[tilespmem:$0x1B680] =	vst v63  }
0x128: {  	_ =	swait.ge [sflag:s31], $0x1800  }
0x129: {  	[sflag:s31] =	ssyncset.done $0x0  }
0x12a: {  	[sflag:s31] =	ssyncadd.s32 $0xFFFFE800  }
0x12b: {  	_ =	swait.ge [sflag:s31], $0x1800  }
0x12c: {  	[sflag:s31] =	ssyncset.done $0x0  }
0x12d: {  	[sflag:s31] =	ssyncadd.s32 $0xFFFFE800  }
0x12e: {  	_ =	swait.ge [sflag:s31], $0x1800  }
0x12f: {  	[sflag:s31] =	ssyncset.done $0x0  }
0x130: {  	[sflag:s31] =	ssyncadd.s32 $0xFFFFE800  }
0x131: {  	_ =	swait.ge [sflag:s31], $0x1800  }
0x132: {  	[sflag:s31] =	ssyncset.done $0x0  }
0x133: {  	[sflag:s31] =	ssyncadd.s32 $0xFFFFE800  }
0x134: {  	_ =	swait.ge [sflag:s31], $0x1800  }
0x135: {  	[sflag:s31] =	ssyncset.done $0x0  }
0x136: {  	s6 =	sadd.s32 $0x2A80, s11;
	[sflag:s31] =	ssyncadd.s32 $0xFFFFE800  }
0x137: {  	[spmem:s2] =	stream.indirect.scatter.add.f32 [tilespmem:s25], [sflag:$0x4], $0x30, s6, s16, $0xb8;
	[tilespmem:$0x1B680] =	vst v63  }
0x138: {  	s7 =	sadd.s32 $0x2B00, s11  }
0x139: {  	[spmem:s2] =	stream.indirect.scatter.add.f32 [tilespmem:s26], [sflag:$0x4], $0x30, s7, s16, $0xb8;
	[tilespmem:$0x1B680] =	vst v63  }
0x13a: {  	s9 =	sadd.s32 $0x2B80, s11  }
0x13b: {  	[spmem:s2] =	stream.indirect.scatter.add.f32 [tilespmem:s28], [sflag:$0x4], $0x30, s9, s16, $0xb8;
	[tilespmem:$0x1B680] =	vst v63  }
0x13c: {  	s10 =	sadd.s32 $0x2C00, s11  }
0x13d: {  	[spmem:s2] =	stream.indirect.scatter.add.f32 [tilespmem:s29], [sflag:$0x4], $0x30, s10, s16, $0xb8;
	[tilespmem:$0x1B680] =	vst v63  }
0x13e: {  	s19 =	sadd.s32 $0x2C80, s11  }
0x13f: {  	[spmem:s2] =	stream.indirect.scatter.add.f32 [tilespmem:s30], [sflag:$0x4], $0x30, s19, s16, $0xb8;
	[tilespmem:$0x1B680] =	vst v63  }
0x140: {  	_ =	swait.ge [sflag:s0], $0x1800  }
0x141: {  	[sflag:s0] =	ssyncset.done $0x0  }
0x142: {  	[sflag:s0] =	ssyncadd.s32 $0xFFFFE800  }
0x143: {  	_ =	swait.ge [sflag:s0], $0x1800  }
0x144: {  	[sflag:s0] =	ssyncset.done $0x0  }
0x145: {  	[sflag:s0] =	ssyncadd.s32 $0xFFFFE800  }
0x146: {  	_ =	swait.ge [sflag:s0], $0x1800  }
0x147: {  	[sflag:s0] =	ssyncset.done $0x0  }
0x148: {  	[sflag:s0] =	ssyncadd.s32 $0xFFFFE800  }
0x149: {  	_ =	swait.ge [sflag:s0], $0x1800  }
0x14a: {  	[sflag:s0] =	ssyncset.done $0x0  }
0x14b: {  	[sflag:s0] =	ssyncadd.s32 $0xFFFFE800  }
0x14c: {  	_ =	swait.ge [sflag:s0], $0x1800  }
0x14d: {  	[sflag:s0] =	ssyncset.done $0x0  }
0x14e: {  	[sflag:s0] =	ssyncadd.s32 $0xFFFFE800  }
0x14f: {  	[bflag:$0x0] =	sbarrier.arrive $0xFFFF  }
0x150: {  	s21 =	rddreg [dreg:$0x8]  }
0x151: {  	[hbm:s21], [sflag:s8] =	dma.local [spmem:s12], $0xED0  }
0x152: {  	_ =	swait.ge [sflag:s13], $0xED0  }
0x153: {  	s1 =	sadd.s32 $0x1, s1;
	s23 =	rddreg [dreg:$0x7]  }
0x154: {  	p0 =	sne.s32 s1, s23  }
.Ltmp1:
0x155: {  	_ = 	snop;
	(pc) =	sbr.rel @p0 .LBB2_1-.Ltmp1, $3  }
0x156: {  	_ =	sdelay $0x1  }
0x157: {  	[sflag:s13] =	ssyncset.done $0x0  }
0x158: {  	[sflag:s13] =	ssyncadd.s32 $0xFFFFF130  }
0x159: {  	_ =	sfence.sel $0x180000  }
0x15a: {  	[bflag:$0x0] =	sbarrier.arrive $0xFFFF  }
0x15b: {  	_ =	strace $0x9000004D  }
0x15c: {  	s0 =	stileid.u32;
	[bflag:$0x2] =	sbarrier.arrive $0xFFFF  }
0x15d: {  	p0 =	sne.s32 s0, $0x0;
	s0 =	rddreg [dreg:$0x3]  }
0x15e: {  	s0 =	sadd.s32 @!p0 $0x100000, s0  }
0x15f: {  	[sflag:s0] =	ssyncadd.tile.s32 @!p0 $0x1;
	_ =	shalt  }
.Lfunc_end2:
_tile_overlayer_lowered:
.L_overlay_start_2:
0x160: {  	(tag) =	ssettag $0x2  }
0x161: {  	s0 =	rddreg [dreg:$0x0];
	s2 =	stileid.u32  }
0x162: {  	s1 =	rddreg [dreg:$0x1];
	p0 =	sne.s32 s2, $0x0  }
0x163: {  	s3 =	rddreg [dreg:$0x2];
	[bflag:$0x3] =	sbarrier.arrive $0xFFFF;
	s2 =	simm.s32 @!p0 $0x1C05  }
0x164: {  	[timem:s3], [sflag:s2] =	dma.local @!p0 [hbm:s0], s1  }
0x165: {  	s0 =	simm.s32 @!p0 $0x5  }
0x166: {  	_ =	swait.ge @!p0 [sflag:s0], s1  }
0x167: {  	s1 =	ssub.s32 @!p0 $0x0, s1;
	[sflag:s0] =	ssyncset.done @!p0 $0x0  }
0x168: {  	[sflag:s0] =	ssyncadd.s32 @!p0 s1  }
0x169: {  	[bflag:$0x3] =	sbarrier.arrive $0xFFFF  }
0x16a: {  	_ =	shalt  }

// kernel: kernel.9.cloned.1.call-start
scs
__scs_entry_jumppad:
0x0: {  	(pc) =	sbr.rel $0x88, $3  }
0x1: {  	(tag) =	ssettag $0x0;
	lr =	simm.s32 $0x1  }
0x2: {  	[smem:$0x3F9D] =	sst lr;
	_ =	strace $0xD0000000  }
0x3: {  	_ = 	snop  }
0x4: {  	_ = 	snop  }
0x5: {  	_ = 	snop  }
0x6: {  	_ = 	snop  }
0x7: {  	_ = 	snop  }
__scs_overlays_trampoline_lowered:
0x8: {  	[smem:$0x3FAC] =	sst s0  }
0x9: {  	[smem:$0x3FAD] =	sst s1  }
0xa: {  	[smem:$0x3FAE] =	sst s2  }
0xb: {  	[smem:$0x3FAF] =	sst s3  }
0xc: {  	[smem:$0x3FB0] =	sst s4  }
0xd: {  	[smem:$0x3FB1] =	sst s5  }
0xe: {  	[smem:$0x3FB2] =	sst s6  }
0xf: {  	[smem:$0x3FB3] =	sst s7  }
0x10: {  	[smem:$0x3FB4] =	sst s8  }
0x11: {  	[smem:$0x3FB5] =	sst s9;
	s0 =	simm.s32 @!p0 $0x0  }
0x12: {  	s1 =	sld [smem:$0x3F9B];
	s0 =	simm.s32 @p0 $0x1  }
0x13: {  	[smem:$0x3FB6] =	sst s0;
	s0 =	simm.s32 @!p1 $0x0  }
0x14: {  	s2 =	sld [smem:$0x3F9A];
	s0 =	simm.s32 @p1 $0x1  }
0x15: {  	[smem:$0x3FB7] =	sst s0;
	s0 =	simm.s32 @!p2 $0x0  }
0x16: {  	s3 =	sld [smem:$0x3FDB];
	s0 =	simm.s32 @p2 $0x1  }
0x17: {  	s4 =	simm.s32 $0x1BF5;
	[smem:$0x3FB9] =	sst s0  }
0x18: {  	s0 =	sld [smem:$0x3F9C];
	_ =	swait.ge [sflag:s4], $0x0  }
0x19: {  	s7 =	sld [smem:$0x3F9D]  }
0x1a: {  	s8 =	sadd.s32 $0xFFFFE003, lr  }
0x1b: {  	s9 =	sadd.s32 $0xFFFFFEF7, lr;
	s5 =	simm.s32 $0xFFFFFFFF;
	p2 =	slt.u32 s8, $0xFFFFF086  }
0x1c: {  	p1 =	slt.u32 s9, $0xF7A;
	s5 =	simm.s32 @!p2 $0x0  }
0x1d: {  	s5 =	simm.s32 @p1 $0x1;
	p0 =	seq.s32 s7, s2  }
0x1e: {  	s7 =	smul.u32 @!p0 $0xF7A, s2;
	p2 =	seq.s32 @!p0 s5, $0x0  }
0x1f: {  	s9 =	smul.u32 $0xF7A, s1;
	s8 =	simm.s32 @!p0 $0x1BF5;
	p2 =	por !p2, p0  }
0x20: {  	[sflag:s8] =	ssyncset.s32 @!p0 $0xFFFFF086;
	s6 =	sadd.s32 @!p0 s3, s7;
	s7 =	simm.s32 @!p0 $0x108  }
0x21: {  	s3 =	sadd.s32 s3, s9;
	s6 =	sadd.s32 @!p0 $0x88, s6;
	s7 =	simm.s32 @p2 $0x1082  }
0x22: {  	[simem:s7], [sflag:s8] =	dma.local @!p0 [hbm:s6], $0xF7A  }
0x23: {  	s9 =	sor.u32 $0xD0000000, s2;
	s6 =	simm.s32 $0x108;
	_ =	swait.ge @!p0 [sflag:s8], $0x0  }
0x24: {  	s3 =	sadd.s32 $0x88, s3;
	s6 =	simm.s32 @!p1 $0x1082;
	[sflag:s4] =	ssyncset.s32 $0xFFFFF086  }
0x25: {  	[simem:s6], [sflag:s4] =	dma.local [hbm:s3], $0xF7A  }
0x26: {  	[smem:$0x3F9D] =	sst s1;
	(tag) =	ssettag s2;
	_ =	strace s9  }
0x27: {  	s1 =	sld [smem:$0x3FAD]  }
0x28: {  	s2 =	sld [smem:$0x3FAE]  }
0x29: {  	s4 =	sld [smem:$0x3FB0]  }
0x2a: {  	p0 =	seq.s32 s5, $0x0;
	s5 =	sld [smem:$0x3FB1]  }
0x2b: {  	s6 =	sld [smem:$0x3FB2]  }
0x2c: {  	s7 =	sld [smem:$0x3FB3]  }
0x2d: {  	s3 =	simm.s32 $0x108;
	s8 =	sld [smem:$0x3FB4]  }
0x2e: {  	s3 =	simm.s32 @!p0 $0x1082;
	s9 =	sld [smem:$0x3FB5]  }
0x2f: {  	lr =	sadd.s32 s0, s3;
	s0 =	sld [smem:$0x3FAC]  }
0x30: {  	s3 =	sld [smem:$0x3FAF]  }
0x31: {  	[smem:$0x3FB8] =	sst s10  }
0x32: {  	s10 =	sld [smem:$0x3FB6];
	_ =	sdelay $0x3  }
0x33: {  	p0 =	seq.s32 s10, $0x1;
	s10 =	sld [smem:$0x3FB8];
	_ =	sdelay $0x3  }
0x34: {  	[smem:$0x3FB8] =	sst s10  }
0x35: {  	s10 =	sld [smem:$0x3FB7];
	_ =	sdelay $0x3  }
0x36: {  	p1 =	seq.s32 s10, $0x1;
	s10 =	sld [smem:$0x3FB8];
	_ =	sdelay $0x3  }
0x37: {  	[smem:$0x3FB8] =	sst s10  }
0x38: {  	s10 =	sld [smem:$0x3FB9]  }
0x39: {  	_ = 	snop;
	(pc) =	sbr.ind lr, $3  }
0x3a: {  	_ = 	snop  }
0x3b: {  	_ = 	snop  }
0x3c: {  	p2 =	seq.s32 s10, $0x1;
	s10 =	sld [smem:$0x3FB8]  }
0x3d: {  	_ =	shalt  }
0x3e: {  	_ =	shalt  }
0x3f: {  	_ =	shalt  }
0x40: {  	_ =	shalt  }
0x41: {  	_ =	shalt  }
0x42: {  	_ =	shalt  }
0x43: {  	_ =	shalt  }
0x44: {  	_ =	shalt  }
0x45: {  	_ =	shalt  }
0x46: {  	_ =	shalt  }
0x47: {  	_ =	shalt  }
0x48: {  	_ =	shalt  }
0x49: {  	_ =	shalt  }
0x4a: {  	_ =	shalt  }
0x4b: {  	_ =	shalt  }
0x4c: {  	_ =	shalt  }
0x4d: {  	_ =	shalt  }
0x4e: {  	_ =	shalt  }
0x4f: {  	_ =	shalt  }
0x50: {  	_ =	shalt  }
0x51: {  	_ =	shalt  }
0x52: {  	_ =	shalt  }
0x53: {  	_ =	shalt  }
0x54: {  	_ =	shalt  }
0x55: {  	_ =	shalt  }
0x56: {  	_ =	shalt  }
0x57: {  	_ =	shalt  }
0x58: {  	_ =	shalt  }
0x59: {  	_ =	shalt  }
0x5a: {  	_ =	shalt  }
0x5b: {  	_ =	shalt  }
0x5c: {  	_ =	shalt  }
0x5d: {  	_ =	shalt  }
0x5e: {  	_ =	shalt  }
0x5f: {  	_ =	shalt  }
0x60: {  	_ =	shalt  }
0x61: {  	_ =	shalt  }
0x62: {  	_ =	shalt  }
0x63: {  	_ =	shalt  }
0x64: {  	_ =	shalt  }
0x65: {  	_ =	shalt  }
0x66: {  	_ =	shalt  }
0x67: {  	_ =	shalt  }
0x68: {  	_ =	shalt  }
0x69: {  	_ =	shalt  }
0x6a: {  	_ =	shalt  }
0x6b: {  	_ =	shalt  }
0x6c: {  	_ =	shalt  }
0x6d: {  	_ =	shalt  }
0x6e: {  	_ =	shalt  }
0x6f: {  	_ =	shalt  }
0x70: {  	_ =	shalt  }
0x71: {  	_ =	shalt  }
0x72: {  	_ =	shalt  }
0x73: {  	_ =	shalt  }
0x74: {  	_ =	shalt  }
0x75: {  	_ =	shalt  }
0x76: {  	_ =	shalt  }
0x77: {  	_ =	shalt  }
0x78: {  	_ =	shalt  }
0x79: {  	_ =	shalt  }
0x7a: {  	_ =	shalt  }
0x7b: {  	_ =	shalt  }
0x7c: {  	_ =	shalt  }
0x7d: {  	_ =	shalt  }
0x7e: {  	_ =	shalt  }
0x7f: {  	_ =	shalt  }
0x80: {  	_ =	shalt  }
0x81: {  	_ =	shalt  }
0x82: {  	_ =	shalt  }
0x83: {  	_ =	shalt  }
0x84: {  	_ =	shalt  }
0x85: {  	_ =	shalt  }
0x86: {  	_ =	shalt  }
0x87: {  	_ =	shalt  }
.Lfunc_end0:
.L_simem_size_0:
called_computation_lowered:
.L_overlay_start_0:
0x88: {  	s2 =	sld [smem:$0x3FD9]  }
0x89: {  	s3 =	sld [smem:$0x3FFE];
	_ =	sdelay $0x1  }
0x8a: {  	s1 =	srdreg.scid  }
0x8b: {  	s0 =	sand.u32 $0x1, s1  }
0x8c: {  	s16 =	sshll.u32 s0, $0xA;
	s2 =	sadd.s32 s3, s2  }
0x8d: {  	s2 =	sadd.s32 s2, s16  }
0x8e: {  	[smem:$0x3FC4] =	sst s2  }
0x8f: {  	_ = 	snop  }
0x90: {  	(tm) =	ssettm $0x1  }
0x91: {  	s17 =	sld [smem:$0x3FFB];
	_ =	sdelay $0x3  }
0x92: {  	_ =	strace s17  }
0x93: {  	s2 =	sld [smem:$0x3FFC];
	_ =	sdelay $0x3  }
0x94: {  	_ =	strace s2  }
0x95: {  	s2 =	sld [smem:$0x3FFD];
	_ =	sdelay $0x3  }
0x96: {  	_ =	strace s2  }
0x97: {  	_ =	strace $0x8FFFFFFF  }
0x98: {  	s18 =	sld [smem:$0x3FDB];
	_ =	sdelay $0x1  }
0x99: {  	s19 =	simm.s32 $_scs_section_size  }
0x9a: {  	s4 =	simm.s32 $_size__tile_overlayer_lowered;
	s5 =	simm.s32 $_tile_overlayer_lowered  }
0x9b: {  	s22 =	simm.s32 $0x1BFF;
	s21 =	sshll.u32 s5, $0x1;
	s2 =	sadd.s32 s19, s18  }
0x9c: {  	s6 =	simm.s32 $0x0;
	s20 =	sshll.u32 s4, $0x1;
	s4 =	sadd.s32 s21, s2  }
0x9d: {  	[timem:s6], [sflag:s22] =	dma.local [hbm:s4], s20  }
0x9e: {  	_ =	swait.ge [sflag:s22], s20  }
0x9f: {  	s3 =	ssub.s32 $0x0, s20;
	[sflag:s22] =	ssyncset.done $0x0  }
0xa0: {  	[sflag:s22] =	ssyncadd.s32 s3;
	_ =	sdelay $0x1  }
0xa1: {  	s23 =	simm.s32 $0x1B8B  }
0xa2: {  	_ =	swait.ge [sflag:s23], $0x1  }
0xa3: {  	[sflag:s23] =	ssyncset.done $0x0  }
0xa4: {  	s25 =	simm.s32 $0x1B8E;
	s24 =	sld [smem:$0x3FFE];
	[sflag:s23] =	ssyncadd.s32 $0xFFFFFFFF  }
0xa5: {  	s26 =	simm.s32 $execute0_lowered;
	[smem:$0x3FD2] =	sst s25  }
0xa6: {  	s4 =	sshll.u32 s26, $0x1;
	_ =	strace $0x80000046;
	[dreg:$0x1] =	wrdreg $0xFFFFFFFF  }
0xa7: {  	s28 =	simm.s32 $_size_execute0_lowered;
	s2 =	sadd.s32 s2, s4;
	[dreg:$0x0] =	wrdreg $0x0  }
0xa8: {  	s4 =	sshll.u32 s28, $0x1;
	[dreg:$0x2] =	wrdreg s2  }
0xa9: {  	[dreg:$0x3] =	wrdreg s4  }
0xaa: {  	[dreg:$0x4] =	wrdreg $0xC0  }
0xab: {  	_ =	task [dreg:s6], $0x5FFFF  }
0xac: {  	[dreg:$0x1] =	wrdreg $0xFFFFFFFF  }
0xad: {  	[dreg:$0x0] =	wrdreg $0x60  }
0xae: {  	[dreg:$0x2] =	wrdreg s24  }
0xaf: {  	[dreg:$0x3] =	wrdreg $0x9  }
0xb0: {  	_ =	task.clear_ibuf [dreg:s6], $0x4FFFF;
	_ =	strace $0x90000046  }
0xb1: {  	s29 =	simm.s32 $0x9;
	_ =	strace $0x80000048  }
0xb2: {  	_ =	swait.ge [sflag:s29], $0x1  }
0xb3: {  	[sflag:s29] =	ssyncadd.s32 $0xFFFFFFFF  }
0xb4: {  	_ =	strace $0x90000048  }
0xb5: {  	_ =	sfence  }
0xb6: {  	s30 =	sld [smem:$0x0];
	_ =	sdelay $0x2  }
0xb7: {  	s31 =	sshll.u32 s1, $0xD;
	s1 =	sshrl.u32 s1, $0x2  }
0xb8: {  	s3 =	sand.u32 $0x4000, s31;
	s1 =	sadd.s32 s1, s30  }
0xb9: {  	s0 =	sor.u32 s3, s0;
	s1 =	sshll.u32 s1, $0x11  }
0xba: {  	s0 =	sor.u32 s1, s0  }
0xbb: {  	s0 =	sadd.s32 $0x8F2B, s0  }
0xbc: {  	[sflag:s0] =	ssyncadd.remote.s32 $0x1  }
0xbd: {  	_ =	sfence.sel $0xFFFF  }
0xbe: {  	[dreg:$0x0] =	wrdreg $0xFFFFFFFF;
	(pc) =	sbr.abs _section_cstart, $3  }
0xbf: {  	[dreg:$0x1] =	wrdreg $0xFFFFFFFF  }
0xc0: {  	_ =	task.clear_ibuf [dreg:s6], $0x2FFFF;
	_ =	strace $0x9FFFFFFF  }
0xc1: {  	(tm) =	ssettm $0x7FFFFFFF  }
tec
execute0_lowered:
.L_overlay_start_1:
0x0: {  	(tag) =	ssettag $0x1  }
0x1: {  	s0 =	srdreg.scid  }
0x2: {  	s4 =	rddreg [dreg:$0x0];
	s3 =	sand.u32 $0x1, s0  }
0x3: {  	s2 =	simm.s32 $0x0;
	s0 =	stileid.u32;
	s1 =	sshll.u32 s3, $0x4  }
0x4: {  	s8 =	simm.s32 $0x2;
	s9 =	simm.s32 $0x0;
	s5 =	sor.u32 s0, s1  }
0x5: {  	[smem:$0x7FF] =	sst s2;
	s3 =	ssub.s32 $0x2, s3;
	s6 =	smul.u32 $0x500, s5  }
0x6: {  	s1 =	rddreg [dreg:$0x1];
	s7 =	sshrl.u32 s3, $0x1;
	s5 =	smul.u32 $0x4F0, s5  }
0x7: {  	_ =	strace $0x80000047;
	s31 =	ssub.s32 s3, s7;
	s7 =	simm.s32 $0x1  }
0x8: {  	s6 =	sadd.s32 s6, s4;
	s4 =	sadd.s32 s5, s4;
	s5 =	smax.u32 s31, $0x1  }
0x9: {  	v0 =	vimm.f32 $0.0e+00;
	v1 =	vimm.f32 $1.000000000e+00;
	s3 =	sadd.s32 $0x2200, s6;
	s4 =	sadd.s32 $0xC200, s4;
	s6 =	simm.s32 $0x2780  }
.LBB2_1:
0xa: {  	[tilespmem:s6], [sflag:$0x1] =	stream.linear.gather [hbm4b:s3+s2], $0x2800, $0x38;
	[tilespmem:$0x4F80] =	vst v63  }
0xb: {  	s10 =	simm.s32 $0x40;
	s11 =	simm.s32 $0x0  }
.LBB2_2:
0xc: {  	p0 =	sne.s32 s10, $0x9DC0;
	[tilespmem:s11+$0x0] =	vst v0;
	s11 =	smov.u32 s10;
	s10 =	sadd.s32 $0x40, s10  }
.Ltmp0:
0xd: {  	(pc) =	sbr.rel @p0 .LBB2_2-.Ltmp0, $2  }
0xe: {  	_ =	sdelay $0x2  }
0xf: {  	s11 =	sshra.s32 s11, $0x2  }
0x10: {  	[tilespmem:s11+$0x0] =	vst v0  }
0x11: {  	_ =	swait.ge [sflag:s7], $0x2800  }
0x12: {  	[sflag:s7] =	ssyncset.done $0x0  }
0x13: {  	s11 =	simm.s32 $0x0;
	s10 =	simm.s32 $0x40;
	[sflag:s7] =	ssyncadd.s32 $0xFFFFD800  }
.LBB2_4:
0x14: {  	p0 =	sne.s32 s10, $0x9FC0;
	v2 =	vld [tilespmem:s11+$0x2780];
	_ =	sdelay $0x3  }
.Ltmp1:
0x15: {  	(pc) =	sbr.rel @p0 .LBB2_4-.Ltmp1, $2  }
0x16: {  	_ =	sdelay $0x2  }
0x17: {  	s11 =	sshra.s32 s10, $0x2;
	s10 =	sadd.s32 $0x40, s10;
	[tilespmem:v2+s2+$0x0] =	vst.idx.add.f32.msk $0xffff, v1  }
0x18: {  	v2 =	vld [tilespmem:s11+$0x2780];
	_ =	sdelay $0x5  }
0x19: {  	s9 =	sadd.s32 $0x1, s9  }
0x1a: {  	p0 =	sne.s32 s9, s5  }
.Ltmp2:
0x1b: {  	[tilespmem:v2+s2+$0x0] =	vst.idx.add.f32.msk $0xffff, v1;
	(pc) =	sbr.rel @p0 .LBB2_1-.Ltmp2, $4  }
0x1c: {  	[hbm4b:s4+s2] =	stream.linear.scatter [tilespmem:s2], [sflag:$0x2], $0x2780, $0x38;
	[tilespmem:$0x4F80] =	vst v63  }
0x1d: {  	_ =	swait.ge [sflag:s8], $0x2780  }
0x1e: {  	[sflag:s8] =	ssyncset.done $0x0  }
0x1f: {  	[sflag:s8] =	ssyncadd.s32 $0xFFFFD880  }
0x20: {  	_ =	sfence.sel $0x180000  }
0x21: {  	[bflag:$0x0] =	sbarrier.arrive $0xFFFF  }
0x22: {  	p0 =	sne.s32 s0, $0x0;
	_ =	strace $0x90000047  }
0x23: {  	s0 =	sadd.s32 @!p0 $0x100000, s1;
	[bflag:$0x2] =	sbarrier.arrive $0xFFFF  }
0x24: {  	[sflag:s0] =	ssyncadd.tile.s32 @!p0 $0x1;
	_ =	shalt  }
.Lfunc_end2:
_tile_overlayer_lowered:
.L_overlay_start_2:
0x25: {  	(tag) =	ssettag $0x2  }
0x26: {  	s0 =	rddreg [dreg:$0x0];
	s2 =	stileid.u32  }
0x27: {  	s1 =	rddreg [dreg:$0x1];
	p0 =	sne.s32 s2, $0x0  }
0x28: {  	s3 =	rddreg [dreg:$0x2];
	[bflag:$0x3] =	sbarrier.arrive $0xFFFF;
	s2 =	simm.s32 @!p0 $0x1C02  }
0x29: {  	[timem:s3], [sflag:s2] =	dma.local @!p0 [hbm:s0], s1  }
0x2a: {  	s0 =	simm.s32 @!p0 $0x2  }
0x2b: {  	_ =	swait.ge @!p0 [sflag:s0], s1  }
0x2c: {  	s1 =	ssub.s32 @!p0 $0x0, s1;
	[sflag:s0] =	ssyncset.done @!p0 $0x0  }
0x2d: {  	[sflag:s0] =	ssyncadd.s32 @!p0 s1  }
0x2e: {  	[bflag:$0x3] =	sbarrier.arrive $0xFFFF  }
0x2f: {  	_ =	shalt  }

</sc_bundles>
